<compile_context>
chip_gen: v7x
topology: tpu7x:2x2x1
jax: 0.10.2.dev20260603
libtpu: 0.0.44.dev20260713+nightly
codegen_flags: <defaults>
</compile_context>

<pallas_src>
import jax
import jax.numpy as jnp
from jax import lax
from jax.experimental import pallas as pl
from jax.experimental.pallas import tpu as pltpu
from jax.experimental.pallas import tpu_sc as plsc

_VOCAB = 1000000
_DIM = 64
_SEQ = 200
_BATCH = 4096

_NC, _NS = 2, 16
_NW = _NC * _NS
_ROWS = _BATCH * _SEQ
_RPW = _ROWS // _NW
_CH = 512
_NSUB = _CH // 128
_NB = 2
_NCHUNK = _RPW // _CH
_LANES = 16
_CPR = _DIM // _LANES


def _body(x_hbm, table_hbm, pos_hbm, pos2_hbm, out_hbm,
          idx_v, buf_v, pos2_v, g0, g1, w0, w1):
    gsems, wsems = [g0, g1], [w0, w1]
    wid = lax.axis_index("s") * _NC + lax.axis_index("c")

    pltpu.sync_copy(pos2_hbm, pos2_v)

    def wait_write(b):
        pltpu.make_async_copy(buf_v.at[b], out_hbm.at[pl.ds(0, _CH)], wsems[b]).wait()

    def fetch_idx(k, b):
        pltpu.sync_copy(x_hbm.at[pl.ds(wid * _RPW + k * _CH, _CH)], idx_v.at[b])

    def issue_gathers(b):
        for j in range(_NSUB):
            pltpu.async_copy(
                table_hbm.at[idx_v.at[b, pl.ds(j * 128, 128)]],
                buf_v.at[b, pl.ds(j * 128, 128)],
                gsems[b],
            )

    def wait_gathers(b):
        for j in range(_NSUB):
            pltpu.make_async_copy(
                table_hbm.at[idx_v.at[b, pl.ds(j * 128, 128)]],
                buf_v.at[b, pl.ds(j * 128, 128)],
                gsems[b],
            ).wait()

    def step(k, b, first, last):
        bn = (b + 1) % _NB
        if not last:
            fetch_idx(k + 1, bn)
            if not first:
                wait_write(bn)
            issue_gathers(bn)
        wait_gathers(b)
        off = lax.rem(k * _CH, _SEQ)

        @plsc.parallel_loop(0, _CH, step=1, unroll=8)
        def _row(r):
            for c in range(_CPR):
                v = pos2_v[off + r, pl.ds(c * _LANES, _LANES)]
                plsc.addupdate(buf_v.at[b, r, pl.ds(c * _LANES, _LANES)], v)

        pltpu.async_copy(buf_v.at[b], out_hbm.at[pl.ds(wid * _RPW + k * _CH, _CH)],
                         wsems[b])

    fetch_idx(0, 0)
    issue_gathers(0)
    for db in range(_NB):
        step(db, db, first=(db == 0), last=False)

    @pl.loop(1, _NCHUNK // _NB - 1)
    def _grp(g):
        for db in range(_NB):
            step(g * _NB + db, db, first=False, last=False)

    for db in range(_NB):
        step((_NCHUNK // _NB - 1) * _NB + db, db, first=False,
             last=(db == _NB - 1))

    for db in range(_NB):
        wait_write(db)


def kernel(x, table, pos):
    xf = x.reshape(_ROWS)
    pos2 = jnp.concatenate([pos, pos, pos, pos], axis=0)
    run = pl.kernel(
        _body,
        out_type=jax.ShapeDtypeStruct((_ROWS, _DIM), jnp.float32),
        mesh=plsc.VectorSubcoreMesh(core_axis_name="c", subcore_axis_name="s"),
        scratch_types=[
            pltpu.VMEM((_NB, _CH), jnp.int32),
            pltpu.VMEM((_NB, _CH, _DIM), jnp.float32),
            pltpu.VMEM((4 * _SEQ, _DIM), jnp.float32),
        ] + [pltpu.SemaphoreType.DMA] * (2 * _NB),
        compiler_params=pltpu.CompilerParams(use_tc_tiling_on_sc=False),
    )
    out = run(xf, table, pos, pos2)
    return out.reshape(_BATCH, _SEQ, _DIM)

# --- scband reference (transcript-rebuilt; emitter-appended) ---
"""Pipeline reference for scband-positional-embedding-11192684774212 (READ-ONLY COPY).

The authoritative reference and input builder live on the scoring server;
editing this copy changes nothing except your own understanding.
"""

import jax, jax.numpy as jnp
import numpy as np

VOCAB = 1000000
DIM = 64
SEQ = 200
BATCH = 4096

def positional_encoding_matrix(sequence_length, embedding_dimension):
    effective_depth = embedding_dimension // 2
    depth_vector = np.repeat(np.arange(effective_depth), 2).astype(np.float64)
    frequency_vector = 1 / 10000 ** (2 * depth_vector / embedding_dimension)
    sequence_vector = np.arange(sequence_length)
    pos_encoding = sequence_vector.reshape([-1, 1]) * frequency_vector.reshape([1, -1])
    pos_encoding[:, ::2] = np.sin(pos_encoding[:, ::2])
    pos_encoding[:, 1::2] = np.cos(pos_encoding[:, 1::2])
    return jnp.asarray(pos_encoding, dtype=jnp.float32)

def setup_inputs(seed: int = 0) -> dict:
    key = jax.random.key(seed)
    k1, k2 = jax.random.split(key)
    x = jax.random.randint(k1, (BATCH, SEQ), 0, VOCAB, dtype=jnp.int32)
    table = jax.random.normal(k2, (VOCAB, DIM), dtype=jnp.float32) * 0.02
    pos = positional_encoding_matrix(SEQ, DIM)
    return {"x": x, "table": table, "pos": pos}

def reference(x, table, pos):
    # Embedding lookup (gather) + broadcast-add of positional encoding
    emb = jnp.take(table, x, axis=0)  # [B, S, D]
    out = emb + pos[jnp.newaxis, :, :]
    return out

if __name__ == "__main__":
    import jax
    _d = setup_inputs()
    print(jax.jit(kernel)(*tuple(_d.values())))

</pallas_src>

<mosaic_0001>
#map = affine_map<(d0, d1) -> (0)>
#map1 = affine_map<(d0, d1) -> (0, 0)>
module attributes {stable_mosaic.version = 14 : i64} {
  func.func @_body(%arg0: i32, %arg1: i32, %arg2: memref<819200xi32, #tpu.memory_space<hbm>>, %arg3: memref<1000000x64xf32, #tpu.memory_space<hbm>>, %arg4: memref<200x64xf32, #tpu.memory_space<hbm>>, %arg5: memref<800x64xf32, #tpu.memory_space<hbm>>, %arg6: memref<819200x64xf32, #tpu.memory_space<hbm>>, %arg7: memref<2x512xi32, #tpu.memory_space<vmem>>, %arg8: memref<2x512x64xf32, #tpu.memory_space<vmem>>, %arg9: memref<800x64xf32, #tpu.memory_space<vmem>>, %arg10: memref<!tpu.dma_semaphore, #tpu.memory_space<semaphore_mem>>, %arg11: memref<!tpu.dma_semaphore, #tpu.memory_space<semaphore_mem>>, %arg12: memref<!tpu.dma_semaphore, #tpu.memory_space<semaphore_mem>>, %arg13: memref<!tpu.dma_semaphore, #tpu.memory_space<semaphore_mem>>) attributes {dimension_semantics = [#tpu.dimension_semantics<core_parallel>, #tpu.dimension_semantics<subcore_parallel>], iteration_bounds = array<i64: 2, 16>, scalar_prefetch = 0 : i64, scratch_operands = 7 : i64, tpu.core_type = #tpu.core_type<sc_vector_subcore>, window_params = [{transform_indices = #map}, {transform_indices = #map1}, {transform_indices = #map1}, {transform_indices = #map1}, {transform_indices = #map1}]} {
    %mul3A = arith.constant 2 : i32
    %mul3A_0 = arith.muli %arg1, %mul3A : i32
    %add3A = arith.addi %mul3A_0, %arg0 : i32
    "tpu.region"() ({
      %run_scoped3A_556 = tpu.sem_alloc : memref<!tpu.dma_semaphore, #tpu.memory_space<semaphore_mem>>
      tpu.enqueue_dma source(%arg5 : memref<800x64xf32, #tpu.memory_space<hbm>>) target(%arg9 : memref<800x64xf32, #tpu.memory_space<vmem>>) target_semaphore(%run_scoped3A_556 : memref<!tpu.dma_semaphore, #tpu.memory_space<semaphore_mem>>)
      tpu.wait_dma2 semaphore(%run_scoped3A_556 : memref<!tpu.dma_semaphore, #tpu.memory_space<semaphore_mem>>) src(%arg5 : memref<800x64xf32, #tpu.memory_space<hbm>>) dst(%arg9 : memref<800x64xf32, #tpu.memory_space<vmem>>)
      tpu.yield
    }) : () -> ()
    %mul3A_1 = arith.constant 25600 : i32
    %mul3A_2 = arith.muli %add3A, %mul3A_1 : i32
    %add3A_3 = arith.constant 0 : i32
    %add3A_4 = arith.addi %mul3A_2, %add3A_3 : i32
    %run_scoped3A = arith.constant 0 : i32
    "tpu.region"() ({
      %run_scoped3A_556 = tpu.sem_alloc : memref<!tpu.dma_semaphore, #tpu.memory_space<semaphore_mem>>
      %dma_start3A_557 = arith.constant 0 : i32
      %dma_start3A_558 = tpu.memref_slice %arg7[%run_scoped3A, %dma_start3A_557] : memref<2x512xi32, #tpu.memory_space<vmem>> -> memref<1x512xi32, #tpu.memory_space<vmem>>
      %dma_start3A_559 = tpu.memref_squeeze %dma_start3A_558 : memref<1x512xi32, #tpu.memory_space<vmem>> -> memref<512xi32, #tpu.memory_space<vmem>>
      %dma_start3A_560 = tpu.memref_slice %arg2[%add3A_4] : memref<819200xi32, #tpu.memory_space<hbm>> -> memref<512xi32, #tpu.memory_space<hbm>>
      %dma_start3A_561 = arith.constant 0 : i32
      %dma_start3A_562 = tpu.memref_slice %arg7[%run_scoped3A, %dma_start3A_561] : memref<2x512xi32, #tpu.memory_space<vmem>> -> memref<1x512xi32, #tpu.memory_space<vmem>>
      %dma_start3A_563 = tpu.memref_squeeze %dma_start3A_562 : memref<1x512xi32, #tpu.memory_space<vmem>> -> memref<512xi32, #tpu.memory_space<vmem>>
      %dma_start3A_564 = tpu.memref_slice %arg2[%add3A_4] : memref<819200xi32, #tpu.memory_space<hbm>> -> memref<512xi32, #tpu.memory_space<hbm>>
      tpu.enqueue_dma source(%dma_start3A_564 : memref<512xi32, #tpu.memory_space<hbm>>) target(%dma_start3A_563 : memref<512xi32, #tpu.memory_space<vmem>>) target_semaphore(%run_scoped3A_556 : memref<!tpu.dma_semaphore, #tpu.memory_space<semaphore_mem>>)
      %dma_wait3A_565 = arith.constant 0 : i32
      %dma_wait3A_566 = tpu.memref_slice %arg7[%run_scoped3A, %dma_wait3A_565] : memref<2x512xi32, #tpu.memory_space<vmem>> -> memref<1x512xi32, #tpu.memory_space<vmem>>
      %dma_wait3A_567 = tpu.memref_squeeze %dma_wait3A_566 : memref<1x512xi32, #tpu.memory_space<vmem>> -> memref<512xi32, #tpu.memory_space<vmem>>
      %dma_wait3A_568 = tpu.memref_slice %arg2[%add3A_4] : memref<819200xi32, #tpu.memory_space<hbm>> -> memref<512xi32, #tpu.memory_space<hbm>>
      %dma_wait3A_569 = arith.constant 0 : i32
      %dma_wait3A_570 = tpu.memref_slice %arg7[%run_scoped3A, %dma_wait3A_569] : memref<2x512xi32, #tpu.memory_space<vmem>> -> memref<1x512xi32, #tpu.memory_space<vmem>>
      %dma_wait3A_571 = tpu.memref_squeeze %dma_wait3A_570 : memref<1x512xi32, #tpu.memory_space<vmem>> -> memref<512xi32, #tpu.memory_space<vmem>>
      %dma_wait3A_572 = tpu.memref_slice %arg2[%add3A_4] : memref<819200xi32, #tpu.memory_space<hbm>> -> memref<512xi32, #tpu.memory_space<hbm>>
      tpu.wait_dma2 semaphore(%run_scoped3A_556 : memref<!tpu.dma_semaphore, #tpu.memory_space<semaphore_mem>>) src(%dma_wait3A_572 : memref<512xi32, #tpu.memory_space<hbm>>) dst(%dma_wait3A_571 : memref<512xi32, #tpu.memory_space<vmem>>)
      tpu.yield
    }) : () -> ()
    %dma_start3A = arith.constant 0 : i32
    %dma_start3A_5 = arith.constant 0 : i32
    %dma_start3A_6 = arith.constant 0 : i32
    %dma_start3A_7 = arith.constant 0 : i32
    %dma_start3A_8 = tpu.memref_slice %arg8[%dma_start3A_5, %dma_start3A_6, %dma_start3A_7] : memref<2x512x64xf32, #tpu.memory_space<vmem>> -> memref<1x128x64xf32, #tpu.memory_space<vmem>>
    %dma_start3A_9 = tpu.memref_squeeze %dma_start3A_8 : memref<1x128x64xf32, #tpu.memory_space<vmem>> -> memref<128x64xf32, #tpu.memory_space<vmem>>
    %dma_start3A_10 = arith.constant 0 : i32
    %dma_start3A_11 = tpu.memref_slice %arg7[%dma_start3A, %dma_start3A_10] : memref<2x512xi32, #tpu.memory_space<vmem>> -> memref<1x128xi32, #tpu.memory_space<vmem>>
    %dma_start3A_12 = tpu.memref_squeeze %dma_start3A_11 : memref<1x128xi32, #tpu.memory_space<vmem>> -> memref<128xi32, #tpu.memory_space<vmem>>
    %dma_start3A_13 = arith.constant 0 : i32
    %dma_start3A_14 = arith.constant 0 : i32
    %dma_start3A_15 = tpu.memref_slice %arg3[%dma_start3A_13, %dma_start3A_14] : memref<1000000x64xf32, #tpu.memory_space<hbm>> -> memref<1000000x64xf32, #tpu.memory_space<hbm>>
    tpu.enqueue_indirect_dma source(%dma_start3A_15 : memref<1000000x64xf32, #tpu.memory_space<hbm>>) target(%dma_start3A_9 : memref<128x64xf32, #tpu.memory_space<vmem>>) offsets(%dma_start3A_12 : memref<128xi32, #tpu.memory_space<vmem>>) semaphore(%arg10 : memref<!tpu.dma_semaphore, #tpu.memory_space<semaphore_mem>>)
    %dma_start3A_16 = arith.constant 0 : i32
    %dma_start3A_17 = arith.constant 0 : i32
    %dma_start3A_18 = arith.constant 128 : i32
    %dma_start3A_19 = arith.constant 0 : i32
    %dma_start3A_20 = tpu.memref_slice %arg8[%dma_start3A_17, %dma_start3A_18, %dma_start3A_19] : memref<2x512x64xf32, #tpu.memory_space<vmem>> -> memref<1x128x64xf32, #tpu.memory_space<vmem>>
    %dma_start3A_21 = tpu.memref_squeeze %dma_start3A_20 : memref<1x128x64xf32, #tpu.memory_space<vmem>> -> memref<128x64xf32, #tpu.memory_space<vmem>>
    %dma_start3A_22 = arith.constant 128 : i32
    %dma_start3A_23 = tpu.memref_slice %arg7[%dma_start3A_16, %dma_start3A_22] : memref<2x512xi32, #tpu.memory_space<vmem>> -> memref<1x128xi32, #tpu.memory_space<vmem>>
    %dma_start3A_24 = tpu.memref_squeeze %dma_start3A_23 : memref<1x128xi32, #tpu.memory_space<vmem>> -> memref<128xi32, #tpu.memory_space<vmem>>
    %dma_start3A_25 = arith.constant 0 : i32
    %dma_start3A_26 = arith.constant 0 : i32
    %dma_start3A_27 = tpu.memref_slice %arg3[%dma_start3A_25, %dma_start3A_26] : memref<1000000x64xf32, #tpu.memory_space<hbm>> -> memref<1000000x64xf32, #tpu.memory_space<hbm>>
    tpu.enqueue_indirect_dma source(%dma_start3A_27 : memref<1000000x64xf32, #tpu.memory_space<hbm>>) target(%dma_start3A_21 : memref<128x64xf32, #tpu.memory_space<vmem>>) offsets(%dma_start3A_24 : memref<128xi32, #tpu.memory_space<vmem>>) semaphore(%arg10 : memref<!tpu.dma_semaphore, #tpu.memory_space<semaphore_mem>>)
    %dma_start3A_28 = arith.constant 0 : i32
    %dma_start3A_29 = arith.constant 0 : i32
    %dma_start3A_30 = arith.constant 256 : i32
    %dma_start3A_31 = arith.constant 0 : i32
    %dma_start3A_32 = tpu.memref_slice %arg8[%dma_start3A_29, %dma_start3A_30, %dma_start3A_31] : memref<2x512x64xf32, #tpu.memory_space<vmem>> -> memref<1x128x64xf32, #tpu.memory_space<vmem>>
    %dma_start3A_33 = tpu.memref_squeeze %dma_start3A_32 : memref<1x128x64xf32, #tpu.memory_space<vmem>> -> memref<128x64xf32, #tpu.memory_space<vmem>>
    %dma_start3A_34 = arith.constant 256 : i32
    %dma_start3A_35 = tpu.memref_slice %arg7[%dma_start3A_28, %dma_start3A_34] : memref<2x512xi32, #tpu.memory_space<vmem>> -> memref<1x128xi32, #tpu.memory_space<vmem>>
    %dma_start3A_36 = tpu.memref_squeeze %dma_start3A_35 : memref<1x128xi32, #tpu.memory_space<vmem>> -> memref<128xi32, #tpu.memory_space<vmem>>
    %dma_start3A_37 = arith.constant 0 : i32
    %dma_start3A_38 = arith.constant 0 : i32
    %dma_start3A_39 = tpu.memref_slice %arg3[%dma_start3A_37, %dma_start3A_38] : memref<1000000x64xf32, #tpu.memory_space<hbm>> -> memref<1000000x64xf32, #tpu.memory_space<hbm>>
    tpu.enqueue_indirect_dma source(%dma_start3A_39 : memref<1000000x64xf32, #tpu.memory_space<hbm>>) target(%dma_start3A_33 : memref<128x64xf32, #tpu.memory_space<vmem>>) offsets(%dma_start3A_36 : memref<128xi32, #tpu.memory_space<vmem>>) semaphore(%arg10 : memref<!tpu.dma_semaphore, #tpu.memory_space<semaphore_mem>>)
    %dma_start3A_40 = arith.constant 0 : i32
    %dma_start3A_41 = arith.constant 0 : i32
    %dma_start3A_42 = arith.constant 384 : i32
    %dma_start3A_43 = arith.constant 0 : i32
    %dma_start3A_44 = tpu.memref_slice %arg8[%dma_start3A_41, %dma_start3A_42, %dma_start3A_43] : memref<2x512x64xf32, #tpu.memory_space<vmem>> -> memref<1x128x64xf32, #tpu.memory_space<vmem>>
    %dma_start3A_45 = tpu.memref_squeeze %dma_start3A_44 : memref<1x128x64xf32, #tpu.memory_space<vmem>> -> memref<128x64xf32, #tpu.memory_space<vmem>>
    %dma_start3A_46 = arith.constant 384 : i32
    %dma_start3A_47 = tpu.memref_slice %arg7[%dma_start3A_40, %dma_start3A_46] : memref<2x512xi32, #tpu.memory_space<vmem>> -> memref<1x128xi32, #tpu.memory_space<vmem>>
    %dma_start3A_48 = tpu.memref_squeeze %dma_start3A_47 : memref<1x128xi32, #tpu.memory_space<vmem>> -> memref<128xi32, #tpu.memory_space<vmem>>
    %dma_start3A_49 = arith.constant 0 : i32
    %dma_start3A_50 = arith.constant 0 : i32
    %dma_start3A_51 = tpu.memref_slice %arg3[%dma_start3A_49, %dma_start3A_50] : memref<1000000x64xf32, #tpu.memory_space<hbm>> -> memref<1000000x64xf32, #tpu.memory_space<hbm>>
    tpu.enqueue_indirect_dma source(%dma_start3A_51 : memref<1000000x64xf32, #tpu.memory_space<hbm>>) target(%dma_start3A_45 : memref<128x64xf32, #tpu.memory_space<vmem>>) offsets(%dma_start3A_48 : memref<128xi32, #tpu.memory_space<vmem>>) semaphore(%arg10 : memref<!tpu.dma_semaphore, #tpu.memory_space<semaphore_mem>>)
    %mul3A_52 = arith.constant 25600 : i32
    %mul3A_53 = arith.muli %add3A, %mul3A_52 : i32
    %add3A_54 = arith.constant 512 : i32
    %add3A_55 = arith.addi %mul3A_53, %add3A_54 : i32
    %run_scoped3A_56 = arith.constant 1 : i32
    "tpu.region"() ({
      %run_scoped3A_556 = tpu.sem_alloc : memref<!tpu.dma_semaphore, #tpu.memory_space<semaphore_mem>>
      %dma_start3A_557 = arith.constant 0 : i32
      %dma_start3A_558 = tpu.memref_slice %arg7[%run_scoped3A_56, %dma_start3A_557] : memref<2x512xi32, #tpu.memory_space<vmem>> -> memref<1x512xi32, #tpu.memory_space<vmem>>
      %dma_start3A_559 = tpu.memref_squeeze %dma_start3A_558 : memref<1x512xi32, #tpu.memory_space<vmem>> -> memref<512xi32, #tpu.memory_space<vmem>>
      %dma_start3A_560 = tpu.memref_slice %arg2[%add3A_55] : memref<819200xi32, #tpu.memory_space<hbm>> -> memref<512xi32, #tpu.memory_space<hbm>>
      %dma_start3A_561 = arith.constant 0 : i32
      %dma_start3A_562 = tpu.memref_slice %arg7[%run_scoped3A_56, %dma_start3A_561] : memref<2x512xi32, #tpu.memory_space<vmem>> -> memref<1x512xi32, #tpu.memory_space<vmem>>
      %dma_start3A_563 = tpu.memref_squeeze %dma_start3A_562 : memref<1x512xi32, #tpu.memory_space<vmem>> -> memref<512xi32, #tpu.memory_space<vmem>>
      %dma_start3A_564 = tpu.memref_slice %arg2[%add3A_55] : memref<819200xi32, #tpu.memory_space<hbm>> -> memref<512xi32, #tpu.memory_space<hbm>>
      tpu.enqueue_dma source(%dma_start3A_564 : memref<512xi32, #tpu.memory_space<hbm>>) target(%dma_start3A_563 : memref<512xi32, #tpu.memory_space<vmem>>) target_semaphore(%run_scoped3A_556 : memref<!tpu.dma_semaphore, #tpu.memory_space<semaphore_mem>>)
      %dma_wait3A_565 = arith.constant 0 : i32
      %dma_wait3A_566 = tpu.memref_slice %arg7[%run_scoped3A_56, %dma_wait3A_565] : memref<2x512xi32, #tpu.memory_space<vmem>> -> memref<1x512xi32, #tpu.memory_space<vmem>>
      %dma_wait3A_567 = tpu.memref_squeeze %dma_wait3A_566 : memref<1x512xi32, #tpu.memory_space<vmem>> -> memref<512xi32, #tpu.memory_space<vmem>>
      %dma_wait3A_568 = tpu.memref_slice %arg2[%add3A_55] : memref<819200xi32, #tpu.memory_space<hbm>> -> memref<512xi32, #tpu.memory_space<hbm>>
      %dma_wait3A_569 = arith.constant 0 : i32
      %dma_wait3A_570 = tpu.memref_slice %arg7[%run_scoped3A_56, %dma_wait3A_569] : memref<2x512xi32, #tpu.memory_space<vmem>> -> memref<1x512xi32, #tpu.memory_space<vmem>>
      %dma_wait3A_571 = tpu.memref_squeeze %dma_wait3A_570 : memref<1x512xi32, #tpu.memory_space<vmem>> -> memref<512xi32, #tpu.memory_space<vmem>>
      %dma_wait3A_572 = tpu.memref_slice %arg2[%add3A_55] : memref<819200xi32, #tpu.memory_space<hbm>> -> memref<512xi32, #tpu.memory_space<hbm>>
      tpu.wait_dma2 semaphore(%run_scoped3A_556 : memref<!tpu.dma_semaphore, #tpu.memory_space<semaphore_mem>>) src(%dma_wait3A_572 : memref<512xi32, #tpu.memory_space<hbm>>) dst(%dma_wait3A_571 : memref<512xi32, #tpu.memory_space<vmem>>)
      tpu.yield
    }) : () -> ()
    %dma_start3A_57 = arith.constant 1 : i32
    %dma_start3A_58 = arith.constant 1 : i32
    %dma_start3A_59 = arith.constant 0 : i32
    %dma_start3A_60 = arith.constant 0 : i32
    %dma_start3A_61 = tpu.memref_slice %arg8[%dma_start3A_58, %dma_start3A_59, %dma_start3A_60] : memref<2x512x64xf32, #tpu.memory_space<vmem>> -> memref<1x128x64xf32, #tpu.memory_space<vmem>>
    %dma_start3A_62 = tpu.memref_squeeze %dma_start3A_61 : memref<1x128x64xf32, #tpu.memory_space<vmem>> -> memref<128x64xf32, #tpu.memory_space<vmem>>
    %dma_start3A_63 = arith.constant 0 : i32
    %dma_start3A_64 = tpu.memref_slice %arg7[%dma_start3A_57, %dma_start3A_63] : memref<2x512xi32, #tpu.memory_space<vmem>> -> memref<1x128xi32, #tpu.memory_space<vmem>>
    %dma_start3A_65 = tpu.memref_squeeze %dma_start3A_64 : memref<1x128xi32, #tpu.memory_space<vmem>> -> memref<128xi32, #tpu.memory_space<vmem>>
    %dma_start3A_66 = arith.constant 0 : i32
    %dma_start3A_67 = arith.constant 0 : i32
    %dma_start3A_68 = tpu.memref_slice %arg3[%dma_start3A_66, %dma_start3A_67] : memref<1000000x64xf32, #tpu.memory_space<hbm>> -> memref<1000000x64xf32, #tpu.memory_space<hbm>>
    tpu.enqueue_indirect_dma source(%dma_start3A_68 : memref<1000000x64xf32, #tpu.memory_space<hbm>>) target(%dma_start3A_62 : memref<128x64xf32, #tpu.memory_space<vmem>>) offsets(%dma_start3A_65 : memref<128xi32, #tpu.memory_space<vmem>>) semaphore(%arg11 : memref<!tpu.dma_semaphore, #tpu.memory_space<semaphore_mem>>)
    %dma_start3A_69 = arith.constant 1 : i32
    %dma_start3A_70 = arith.constant 1 : i32
    %dma_start3A_71 = arith.constant 128 : i32
    %dma_start3A_72 = arith.constant 0 : i32
    %dma_start3A_73 = tpu.memref_slice %arg8[%dma_start3A_70, %dma_start3A_71, %dma_start3A_72] : memref<2x512x64xf32, #tpu.memory_space<vmem>> -> memref<1x128x64xf32, #tpu.memory_space<vmem>>
    %dma_start3A_74 = tpu.memref_squeeze %dma_start3A_73 : memref<1x128x64xf32, #tpu.memory_space<vmem>> -> memref<128x64xf32, #tpu.memory_space<vmem>>
    %dma_start3A_75 = arith.constant 128 : i32
    %dma_start3A_76 = tpu.memref_slice %arg7[%dma_start3A_69, %dma_start3A_75] : memref<2x512xi32, #tpu.memory_space<vmem>> -> memref<1x128xi32, #tpu.memory_space<vmem>>
    %dma_start3A_77 = tpu.memref_squeeze %dma_start3A_76 : memref<1x128xi32, #tpu.memory_space<vmem>> -> memref<128xi32, #tpu.memory_space<vmem>>
    %dma_start3A_78 = arith.constant 0 : i32
    %dma_start3A_79 = arith.constant 0 : i32
    %dma_start3A_80 = tpu.memref_slice %arg3[%dma_start3A_78, %dma_start3A_79] : memref<1000000x64xf32, #tpu.memory_space<hbm>> -> memref<1000000x64xf32, #tpu.memory_space<hbm>>
    tpu.enqueue_indirect_dma source(%dma_start3A_80 : memref<1000000x64xf32, #tpu.memory_space<hbm>>) target(%dma_start3A_74 : memref<128x64xf32, #tpu.memory_space<vmem>>) offsets(%dma_start3A_77 : memref<128xi32, #tpu.memory_space<vmem>>) semaphore(%arg11 : memref<!tpu.dma_semaphore, #tpu.memory_space<semaphore_mem>>)
    %dma_start3A_81 = arith.constant 1 : i32
    %dma_start3A_82 = arith.constant 1 : i32
    %dma_start3A_83 = arith.constant 256 : i32
    %dma_start3A_84 = arith.constant 0 : i32
    %dma_start3A_85 = tpu.memref_slice %arg8[%dma_start3A_82, %dma_start3A_83, %dma_start3A_84] : memref<2x512x64xf32, #tpu.memory_space<vmem>> -> memref<1x128x64xf32, #tpu.memory_space<vmem>>
    %dma_start3A_86 = tpu.memref_squeeze %dma_start3A_85 : memref<1x128x64xf32, #tpu.memory_space<vmem>> -> memref<128x64xf32, #tpu.memory_space<vmem>>
    %dma_start3A_87 = arith.constant 256 : i32
    %dma_start3A_88 = tpu.memref_slice %arg7[%dma_start3A_81, %dma_start3A_87] : memref<2x512xi32, #tpu.memory_space<vmem>> -> memref<1x128xi32, #tpu.memory_space<vmem>>
    %dma_start3A_89 = tpu.memref_squeeze %dma_start3A_88 : memref<1x128xi32, #tpu.memory_space<vmem>> -> memref<128xi32, #tpu.memory_space<vmem>>
    %dma_start3A_90 = arith.constant 0 : i32
    %dma_start3A_91 = arith.constant 0 : i32
    %dma_start3A_92 = tpu.memref_slice %arg3[%dma_start3A_90, %dma_start3A_91] : memref<1000000x64xf32, #tpu.memory_space<hbm>> -> memref<1000000x64xf32, #tpu.memory_space<hbm>>
    tpu.enqueue_indirect_dma source(%dma_start3A_92 : memref<1000000x64xf32, #tpu.memory_space<hbm>>) target(%dma_start3A_86 : memref<128x64xf32, #tpu.memory_space<vmem>>) offsets(%dma_start3A_89 : memref<128xi32, #tpu.memory_space<vmem>>) semaphore(%arg11 : memref<!tpu.dma_semaphore, #tpu.memory_space<semaphore_mem>>)
    %dma_start3A_93 = arith.constant 1 : i32
    %dma_start3A_94 = arith.constant 1 : i32
    %dma_start3A_95 = arith.constant 384 : i32
    %dma_start3A_96 = arith.constant 0 : i32
    %dma_start3A_97 = tpu.memref_slice %arg8[%dma_start3A_94, %dma_start3A_95, %dma_start3A_96] : memref<2x512x64xf32, #tpu.memory_space<vmem>> -> memref<1x128x64xf32, #tpu.memory_space<vmem>>
    %dma_start3A_98 = tpu.memref_squeeze %dma_start3A_97 : memref<1x128x64xf32, #tpu.memory_space<vmem>> -> memref<128x64xf32, #tpu.memory_space<vmem>>
    %dma_start3A_99 = arith.constant 384 : i32
    %dma_start3A_100 = tpu.memref_slice %arg7[%dma_start3A_93, %dma_start3A_99] : memref<2x512xi32, #tpu.memory_space<vmem>> -> memref<1x128xi32, #tpu.memory_space<vmem>>
    %dma_start3A_101 = tpu.memref_squeeze %dma_start3A_100 : memref<1x128xi32, #tpu.memory_space<vmem>> -> memref<128xi32, #tpu.memory_space<vmem>>
    %dma_start3A_102 = arith.constant 0 : i32
    %dma_start3A_103 = arith.constant 0 : i32
    %dma_start3A_104 = tpu.memref_slice %arg3[%dma_start3A_102, %dma_start3A_103] : memref<1000000x64xf32, #tpu.memory_space<hbm>> -> memref<1000000x64xf32, #tpu.memory_space<hbm>>
    tpu.enqueue_indirect_dma source(%dma_start3A_104 : memref<1000000x64xf32, #tpu.memory_space<hbm>>) target(%dma_start3A_98 : memref<128x64xf32, #tpu.memory_space<vmem>>) offsets(%dma_start3A_101 : memref<128xi32, #tpu.memory_space<vmem>>) semaphore(%arg11 : memref<!tpu.dma_semaphore, #tpu.memory_space<semaphore_mem>>)
    %dma_wait3A = arith.constant 0 : i32
    %dma_wait3A_105 = arith.constant 0 : i32
    %dma_wait3A_106 = arith.constant 0 : i32
    %dma_wait3A_107 = arith.constant 0 : i32
    %dma_wait3A_108 = tpu.memref_slice %arg8[%dma_wait3A_105, %dma_wait3A_106, %dma_wait3A_107] : memref<2x512x64xf32, #tpu.memory_space<vmem>> -> memref<1x128x64xf32, #tpu.memory_space<vmem>>
    %dma_wait3A_109 = tpu.memref_squeeze %dma_wait3A_108 : memref<1x128x64xf32, #tpu.memory_space<vmem>> -> memref<128x64xf32, #tpu.memory_space<vmem>>
    %dma_wait3A_110 = arith.constant 0 : i32
    %dma_wait3A_111 = tpu.memref_slice %arg7[%dma_wait3A, %dma_wait3A_110] : memref<2x512xi32, #tpu.memory_space<vmem>> -> memref<1x128xi32, #tpu.memory_space<vmem>>
    %dma_wait3A_112 = tpu.memref_squeeze %dma_wait3A_111 : memref<1x128xi32, #tpu.memory_space<vmem>> -> memref<128xi32, #tpu.memory_space<vmem>>
    %dma_wait3A_113 = arith.constant 0 : i32
    %dma_wait3A_114 = arith.constant 0 : i32
    %dma_wait3A_115 = tpu.memref_slice %arg3[%dma_wait3A_113, %dma_wait3A_114] : memref<1000000x64xf32, #tpu.memory_space<hbm>> -> memref<1000000x64xf32, #tpu.memory_space<hbm>>
    tpu.wait_indirect_dma semaphore(%arg10 : memref<!tpu.dma_semaphore, #tpu.memory_space<semaphore_mem>>) src(%dma_wait3A_115 : memref<1000000x64xf32, #tpu.memory_space<hbm>>) dst(%dma_wait3A_109 : memref<128x64xf32, #tpu.memory_space<vmem>>)
    %dma_wait3A_116 = arith.constant 0 : i32
    %dma_wait3A_117 = arith.constant 0 : i32
    %dma_wait3A_118 = arith.constant 128 : i32
    %dma_wait3A_119 = arith.constant 0 : i32
    %dma_wait3A_120 = tpu.memref_slice %arg8[%dma_wait3A_117, %dma_wait3A_118, %dma_wait3A_119] : memref<2x512x64xf32, #tpu.memory_space<vmem>> -> memref<1x128x64xf32, #tpu.memory_space<vmem>>
    %dma_wait3A_121 = tpu.memref_squeeze %dma_wait3A_120 : memref<1x128x64xf32, #tpu.memory_space<vmem>> -> memref<128x64xf32, #tpu.memory_space<vmem>>
    %dma_wait3A_122 = arith.constant 128 : i32
    %dma_wait3A_123 = tpu.memref_slice %arg7[%dma_wait3A_116, %dma_wait3A_122] : memref<2x512xi32, #tpu.memory_space<vmem>> -> memref<1x128xi32, #tpu.memory_space<vmem>>
    %dma_wait3A_124 = tpu.memref_squeeze %dma_wait3A_123 : memref<1x128xi32, #tpu.memory_space<vmem>> -> memref<128xi32, #tpu.memory_space<vmem>>
    %dma_wait3A_125 = arith.constant 0 : i32
    %dma_wait3A_126 = arith.constant 0 : i32
    %dma_wait3A_127 = tpu.memref_slice %arg3[%dma_wait3A_125, %dma_wait3A_126] : memref<1000000x64xf32, #tpu.memory_space<hbm>> -> memref<1000000x64xf32, #tpu.memory_space<hbm>>
    tpu.wait_indirect_dma semaphore(%arg10 : memref<!tpu.dma_semaphore, #tpu.memory_space<semaphore_mem>>) src(%dma_wait3A_127 : memref<1000000x64xf32, #tpu.memory_space<hbm>>) dst(%dma_wait3A_121 : memref<128x64xf32, #tpu.memory_space<vmem>>)
    %dma_wait3A_128 = arith.constant 0 : i32
    %dma_wait3A_129 = arith.constant 0 : i32
    %dma_wait3A_130 = arith.constant 256 : i32
    %dma_wait3A_131 = arith.constant 0 : i32
    %dma_wait3A_132 = tpu.memref_slice %arg8[%dma_wait3A_129, %dma_wait3A_130, %dma_wait3A_131] : memref<2x512x64xf32, #tpu.memory_space<vmem>> -> memref<1x128x64xf32, #tpu.memory_space<vmem>>
    %dma_wait3A_133 = tpu.memref_squeeze %dma_wait3A_132 : memref<1x128x64xf32, #tpu.memory_space<vmem>> -> memref<128x64xf32, #tpu.memory_space<vmem>>
    %dma_wait3A_134 = arith.constant 256 : i32
    %dma_wait3A_135 = tpu.memref_slice %arg7[%dma_wait3A_128, %dma_wait3A_134] : memref<2x512xi32, #tpu.memory_space<vmem>> -> memref<1x128xi32, #tpu.memory_space<vmem>>
    %dma_wait3A_136 = tpu.memref_squeeze %dma_wait3A_135 : memref<1x128xi32, #tpu.memory_space<vmem>> -> memref<128xi32, #tpu.memory_space<vmem>>
    %dma_wait3A_137 = arith.constant 0 : i32
    %dma_wait3A_138 = arith.constant 0 : i32
    %dma_wait3A_139 = tpu.memref_slice %arg3[%dma_wait3A_137, %dma_wait3A_138] : memref<1000000x64xf32, #tpu.memory_space<hbm>> -> memref<1000000x64xf32, #tpu.memory_space<hbm>>
    tpu.wait_indirect_dma semaphore(%arg10 : memref<!tpu.dma_semaphore, #tpu.memory_space<semaphore_mem>>) src(%dma_wait3A_139 : memref<1000000x64xf32, #tpu.memory_space<hbm>>) dst(%dma_wait3A_133 : memref<128x64xf32, #tpu.memory_space<vmem>>)
    %dma_wait3A_140 = arith.constant 0 : i32
    %dma_wait3A_141 = arith.constant 0 : i32
    %dma_wait3A_142 = arith.constant 384 : i32
    %dma_wait3A_143 = arith.constant 0 : i32
    %dma_wait3A_144 = tpu.memref_slice %arg8[%dma_wait3A_141, %dma_wait3A_142, %dma_wait3A_143] : memref<2x512x64xf32, #tpu.memory_space<vmem>> -> memref<1x128x64xf32, #tpu.memory_space<vmem>>
    %dma_wait3A_145 = tpu.memref_squeeze %dma_wait3A_144 : memref<1x128x64xf32, #tpu.memory_space<vmem>> -> memref<128x64xf32, #tpu.memory_space<vmem>>
    %dma_wait3A_146 = arith.constant 384 : i32
    %dma_wait3A_147 = tpu.memref_slice %arg7[%dma_wait3A_140, %dma_wait3A_146] : memref<2x512xi32, #tpu.memory_space<vmem>> -> memref<1x128xi32, #tpu.memory_space<vmem>>
    %dma_wait3A_148 = tpu.memref_squeeze %dma_wait3A_147 : memref<1x128xi32, #tpu.memory_space<vmem>> -> memref<128xi32, #tpu.memory_space<vmem>>
    %dma_wait3A_149 = arith.constant 0 : i32
    %dma_wait3A_150 = arith.constant 0 : i32
    %dma_wait3A_151 = tpu.memref_slice %arg3[%dma_wait3A_149, %dma_wait3A_150] : memref<1000000x64xf32, #tpu.memory_space<hbm>> -> memref<1000000x64xf32, #tpu.memory_space<hbm>>
    tpu.wait_indirect_dma semaphore(%arg10 : memref<!tpu.dma_semaphore, #tpu.memory_space<semaphore_mem>>) src(%dma_wait3A_151 : memref<1000000x64xf32, #tpu.memory_space<hbm>>) dst(%dma_wait3A_145 : memref<128x64xf32, #tpu.memory_space<vmem>>)
    %rem3A = arith.constant 0 : i32
    %rem3A_152 = arith.constant 200 : i32
    %rem3A_153 = arith.remsi %rem3A, %rem3A_152 : i32
    %parallel_loop3A = arith.constant 0 : i32
    %parallel_loop3A_154 = arith.constant 512 : i32
    %parallel_loop3A_155 = arith.constant 1 : i32
    scf.for %parallel_loop3A_556 = %parallel_loop3A to %parallel_loop3A_154 step %parallel_loop3A_155  : i32 {
      %parallel_loop3A_557 = arith.addi %rem3A_153, %parallel_loop3A_556 : i32
      %parallel_loop3A_558 = arith.index_cast %parallel_loop3A_557 : i32 to index
      %parallel_loop3A_559 = arith.constant 0 : index
      %parallel_loop3A_560 = tpu.vector_load %arg9[%parallel_loop3A_558, %parallel_loop3A_559] {strides = array<i32>} : memref<800x64xf32, #tpu.memory_space<vmem>>, vector<1x16xf32>,
      %parallel_loop3A_561 = vector.shape_cast %parallel_loop3A_560 : vector<1x16xf32> to vector<16xf32>
      %parallel_loop3A_562 = arith.constant 0 : i32
      %parallel_loop3A_563 = arith.index_cast %parallel_loop3A_562 : i32 to index
      %parallel_loop3A_564 = arith.index_cast %parallel_loop3A_556 : i32 to index
      %parallel_loop3A_565 = arith.constant 0 : index
      %parallel_loop3A_566 = tpu.vector_load %arg8[%parallel_loop3A_563, %parallel_loop3A_564, %parallel_loop3A_565] {strides = array<i32>} : memref<2x512x64xf32, #tpu.memory_space<vmem>>, vector<1x1x16xf32>,
      %parallel_loop3A_567 = vector.shape_cast %parallel_loop3A_566 : vector<1x1x16xf32> to vector<16xf32>
      %parallel_loop3A_568 = vector.shape_cast %parallel_loop3A_561 : vector<16xf32> to vector<1x1x16xf32>
      tpu.vector_store %arg8[%parallel_loop3A_563, %parallel_loop3A_564, %parallel_loop3A_565], %parallel_loop3A_568 {add = true, strides = array<i32>} : memref<2x512x64xf32, #tpu.memory_space<vmem>>, vector<1x1x16xf32>,
      %parallel_loop3A_569 = arith.addi %rem3A_153, %parallel_loop3A_556 : i32
      %parallel_loop3A_570 = arith.index_cast %parallel_loop3A_569 : i32 to index
      %parallel_loop3A_571 = arith.constant 16 : index
      %parallel_loop3A_572 = tpu.vector_load %arg9[%parallel_loop3A_570, %parallel_loop3A_571] {strides = array<i32>} : memref<800x64xf32, #tpu.memory_space<vmem>>, vector<1x16xf32>,
      %parallel_loop3A_573 = vector.shape_cast %parallel_loop3A_572 : vector<1x16xf32> to vector<16xf32>
      %parallel_loop3A_574 = arith.constant 0 : i32
      %parallel_loop3A_575 = arith.index_cast %parallel_loop3A_574 : i32 to index
      %parallel_loop3A_576 = arith.index_cast %parallel_loop3A_556 : i32 to index
      %parallel_loop3A_577 = arith.constant 16 : index
      %parallel_loop3A_578 = tpu.vector_load %arg8[%parallel_loop3A_575, %parallel_loop3A_576, %parallel_loop3A_577] {strides = array<i32>} : memref<2x512x64xf32, #tpu.memory_space<vmem>>, vector<1x1x16xf32>,
      %parallel_loop3A_579 = vector.shape_cast %parallel_loop3A_578 : vector<1x1x16xf32> to vector<16xf32>
      %parallel_loop3A_580 = vector.shape_cast %parallel_loop3A_573 : vector<16xf32> to vector<1x1x16xf32>
      tpu.vector_store %arg8[%parallel_loop3A_575, %parallel_loop3A_576, %parallel_loop3A_577], %parallel_loop3A_580 {add = true, strides = array<i32>} : memref<2x512x64xf32, #tpu.memory_space<vmem>>, vector<1x1x16xf32>,
      %parallel_loop3A_581 = arith.addi %rem3A_153, %parallel_loop3A_556 : i32
      %parallel_loop3A_582 = arith.index_cast %parallel_loop3A_581 : i32 to index
      %parallel_loop3A_583 = arith.constant 32 : index
      %parallel_loop3A_584 = tpu.vector_load %arg9[%parallel_loop3A_582, %parallel_loop3A_583] {strides = array<i32>} : memref<800x64xf32, #tpu.memory_space<vmem>>, vector<1x16xf32>,
      %parallel_loop3A_585 = vector.shape_cast %parallel_loop3A_584 : vector<1x16xf32> to vector<16xf32>
      %parallel_loop3A_586 = arith.constant 0 : i32
      %parallel_loop3A_587 = arith.index_cast %parallel_loop3A_586 : i32 to index
      %parallel_loop3A_588 = arith.index_cast %parallel_loop3A_556 : i32 to index
      %parallel_loop3A_589 = arith.constant 32 : index
      %parallel_loop3A_590 = tpu.vector_load %arg8[%parallel_loop3A_587, %parallel_loop3A_588, %parallel_loop3A_589] {strides = array<i32>} : memref<2x512x64xf32, #tpu.memory_space<vmem>>, vector<1x1x16xf32>,
      %parallel_loop3A_591 = vector.shape_cast %parallel_loop3A_590 : vector<1x1x16xf32> to vector<16xf32>
      %parallel_loop3A_592 = vector.shape_cast %parallel_loop3A_585 : vector<16xf32> to vector<1x1x16xf32>
      tpu.vector_store %arg8[%parallel_loop3A_587, %parallel_loop3A_588, %parallel_loop3A_589], %parallel_loop3A_592 {add = true, strides = array<i32>} : memref<2x512x64xf32, #tpu.memory_space<vmem>>, vector<1x1x16xf32>,
      %parallel_loop3A_593 = arith.addi %rem3A_153, %parallel_loop3A_556 : i32
      %parallel_loop3A_594 = arith.index_cast %parallel_loop3A_593 : i32 to index
      %parallel_loop3A_595 = arith.constant 48 : index
      %parallel_loop3A_596 = tpu.vector_load %arg9[%parallel_loop3A_594, %parallel_loop3A_595] {strides = array<i32>} : memref<800x64xf32, #tpu.memory_space<vmem>>, vector<1x16xf32>,
      %parallel_loop3A_597 = vector.shape_cast %parallel_loop3A_596 : vector<1x16xf32> to vector<16xf32>
      %parallel_loop3A_598 = arith.constant 0 : i32
      %parallel_loop3A_599 = arith.index_cast %parallel_loop3A_598 : i32 to index
      %parallel_loop3A_600 = arith.index_cast %parallel_loop3A_556 : i32 to index
      %parallel_loop3A_601 = arith.constant 48 : index
      %parallel_loop3A_602 = tpu.vector_load %arg8[%parallel_loop3A_599, %parallel_loop3A_600, %parallel_loop3A_601] {strides = array<i32>} : memref<2x512x64xf32, #tpu.memory_space<vmem>>, vector<1x1x16xf32>,
      %parallel_loop3A_603 = vector.shape_cast %parallel_loop3A_602 : vector<1x1x16xf32> to vector<16xf32>
      %parallel_loop3A_604 = vector.shape_cast %parallel_loop3A_597 : vector<16xf32> to vector<1x1x16xf32>
      tpu.vector_store %arg8[%parallel_loop3A_599, %parallel_loop3A_600, %parallel_loop3A_601], %parallel_loop3A_604 {add = true, strides = array<i32>} : memref<2x512x64xf32, #tpu.memory_space<vmem>>, vector<1x1x16xf32>,
    } {sc.loop_unroll_factor = 8 : i64, sc.parallel_access}
    %mul3A_156 = arith.constant 25600 : i32
    %mul3A_157 = arith.muli %add3A, %mul3A_156 : i32
    %add3A_158 = arith.constant 0 : i32
    %add3A_159 = arith.addi %mul3A_157, %add3A_158 : i32
    %dma_start3A_160 = arith.constant 0 : i32
    %dma_start3A_161 = arith.constant 0 : i32
    %dma_start3A_162 = arith.constant 0 : i32
    %dma_start3A_163 = tpu.memref_slice %arg8[%dma_start3A_160, %dma_start3A_161, %dma_start3A_162] : memref<2x512x64xf32, #tpu.memory_space<vmem>> -> memref<1x512x64xf32, #tpu.memory_space<vmem>>
    %dma_start3A_164 = tpu.memref_squeeze %dma_start3A_163 : memref<1x512x64xf32, #tpu.memory_space<vmem>> -> memref<512x64xf32, #tpu.memory_space<vmem>>
    %dma_start3A_165 = arith.constant 0 : i32
    %dma_start3A_166 = tpu.memref_slice %arg6[%add3A_159, %dma_start3A_165] : memref<819200x64xf32, #tpu.memory_space<hbm>> -> memref<512x64xf32, #tpu.memory_space<hbm>>
    %dma_start3A_167 = arith.constant 0 : i32
    %dma_start3A_168 = tpu.memref_slice %arg6[%add3A_159, %dma_start3A_167] : memref<819200x64xf32, #tpu.memory_space<hbm>> -> memref<512x64xf32, #tpu.memory_space<hbm>>
    %dma_start3A_169 = arith.constant 0 : i32
    %dma_start3A_170 = arith.constant 0 : i32
    %dma_start3A_171 = tpu.memref_slice %arg8[%dma_start3A_160, %dma_start3A_169, %dma_start3A_170] : memref<2x512x64xf32, #tpu.memory_space<vmem>> -> memref<1x512x64xf32, #tpu.memory_space<vmem>>
    %dma_start3A_172 = tpu.memref_squeeze %dma_start3A_171 : memref<1x512x64xf32, #tpu.memory_space<vmem>> -> memref<512x64xf32, #tpu.memory_space<vmem>>
    tpu.enqueue_dma source(%dma_start3A_172 : memref<512x64xf32, #tpu.memory_space<vmem>>) target(%dma_start3A_168 : memref<512x64xf32, #tpu.memory_space<hbm>>) target_semaphore(%arg12 : memref<!tpu.dma_semaphore, #tpu.memory_space<semaphore_mem>>)
    %mul3A_173 = arith.constant 25600 : i32
    %mul3A_174 = arith.muli %add3A, %mul3A_173 : i32
    %add3A_175 = arith.constant 1024 : i32
    %add3A_176 = arith.addi %mul3A_174, %add3A_175 : i32
    %run_scoped3A_177 = arith.constant 0 : i32
    "tpu.region"() ({
      %run_scoped3A_556 = tpu.sem_alloc : memref<!tpu.dma_semaphore, #tpu.memory_space<semaphore_mem>>
      %dma_start3A_557 = arith.constant 0 : i32
      %dma_start3A_558 = tpu.memref_slice %arg7[%run_scoped3A_177, %dma_start3A_557] : memref<2x512xi32, #tpu.memory_space<vmem>> -> memref<1x512xi32, #tpu.memory_space<vmem>>
      %dma_start3A_559 = tpu.memref_squeeze %dma_start3A_558 : memref<1x512xi32, #tpu.memory_space<vmem>> -> memref<512xi32, #tpu.memory_space<vmem>>
      %dma_start3A_560 = tpu.memref_slice %arg2[%add3A_176] : memref<819200xi32, #tpu.memory_space<hbm>> -> memref<512xi32, #tpu.memory_space<hbm>>
      %dma_start3A_561 = arith.constant 0 : i32
      %dma_start3A_562 = tpu.memref_slice %arg7[%run_scoped3A_177, %dma_start3A_561] : memref<2x512xi32, #tpu.memory_space<vmem>> -> memref<1x512xi32, #tpu.memory_space<vmem>>
      %dma_start3A_563 = tpu.memref_squeeze %dma_start3A_562 : memref<1x512xi32, #tpu.memory_space<vmem>> -> memref<512xi32, #tpu.memory_space<vmem>>
      %dma_start3A_564 = tpu.memref_slice %arg2[%add3A_176] : memref<819200xi32, #tpu.memory_space<hbm>> -> memref<512xi32, #tpu.memory_space<hbm>>
      tpu.enqueue_dma source(%dma_start3A_564 : memref<512xi32, #tpu.memory_space<hbm>>) target(%dma_start3A_563 : memref<512xi32, #tpu.memory_space<vmem>>) target_semaphore(%run_scoped3A_556 : memref<!tpu.dma_semaphore, #tpu.memory_space<semaphore_mem>>)
      %dma_wait3A_565 = arith.constant 0 : i32
      %dma_wait3A_566 = tpu.memref_slice %arg7[%run_scoped3A_177, %dma_wait3A_565] : memref<2x512xi32, #tpu.memory_space<vmem>> -> memref<1x512xi32, #tpu.memory_space<vmem>>
      %dma_wait3A_567 = tpu.memref_squeeze %dma_wait3A_566 : memref<1x512xi32, #tpu.memory_space<vmem>> -> memref<512xi32, #tpu.memory_space<vmem>>
      %dma_wait3A_568 = tpu.memref_slice %arg2[%add3A_176] : memref<819200xi32, #tpu.memory_space<hbm>> -> memref<512xi32, #tpu.memory_space<hbm>>
      %dma_wait3A_569 = arith.constant 0 : i32
      %dma_wait3A_570 = tpu.memref_slice %arg7[%run_scoped3A_177, %dma_wait3A_569] : memref<2x512xi32, #tpu.memory_space<vmem>> -> memref<1x512xi32, #tpu.memory_space<vmem>>
      %dma_wait3A_571 = tpu.memref_squeeze %dma_wait3A_570 : memref<1x512xi32, #tpu.memory_space<vmem>> -> memref<512xi32, #tpu.memory_space<vmem>>
      %dma_wait3A_572 = tpu.memref_slice %arg2[%add3A_176] : memref<819200xi32, #tpu.memory_space<hbm>> -> memref<512xi32, #tpu.memory_space<hbm>>
      tpu.wait_dma2 semaphore(%run_scoped3A_556 : memref<!tpu.dma_semaphore, #tpu.memory_space<semaphore_mem>>) src(%dma_wait3A_572 : memref<512xi32, #tpu.memory_space<hbm>>) dst(%dma_wait3A_571 : memref<512xi32, #tpu.memory_space<vmem>>)
      tpu.yield
    }) : () -> ()
    %dma_wait3A_178 = arith.constant 0 : i32
    %dma_wait3A_179 = arith.constant 0 : i32
    %dma_wait3A_180 = arith.constant 0 : i32
    %dma_wait3A_181 = tpu.memref_slice %arg8[%dma_wait3A_178, %dma_wait3A_179, %dma_wait3A_180] : memref<2x512x64xf32, #tpu.memory_space<vmem>> -> memref<1x512x64xf32, #tpu.memory_space<vmem>>
    %dma_wait3A_182 = tpu.memref_squeeze %dma_wait3A_181 : memref<1x512x64xf32, #tpu.memory_space<vmem>> -> memref<512x64xf32, #tpu.memory_space<vmem>>
    %dma_wait3A_183 = arith.constant 0 : i32
    %dma_wait3A_184 = arith.constant 0 : i32
    %dma_wait3A_185 = tpu.memref_slice %arg6[%dma_wait3A_183, %dma_wait3A_184] : memref<819200x64xf32, #tpu.memory_space<hbm>> -> memref<512x64xf32, #tpu.memory_space<hbm>>
    %dma_wait3A_186 = arith.constant 0 : i32
    %dma_wait3A_187 = arith.constant 0 : i32
    %dma_wait3A_188 = tpu.memref_slice %arg6[%dma_wait3A_186, %dma_wait3A_187] : memref<819200x64xf32, #tpu.memory_space<hbm>> -> memref<512x64xf32, #tpu.memory_space<hbm>>
    %dma_wait3A_189 = arith.constant 0 : i32
    %dma_wait3A_190 = arith.constant 0 : i32
    %dma_wait3A_191 = tpu.memref_slice %arg8[%dma_wait3A_178, %dma_wait3A_189, %dma_wait3A_190] : memref<2x512x64xf32, #tpu.memory_space<vmem>> -> memref<1x512x64xf32, #tpu.memory_space<vmem>>
    %dma_wait3A_192 = tpu.memref_squeeze %dma_wait3A_191 : memref<1x512x64xf32, #tpu.memory_space<vmem>> -> memref<512x64xf32, #tpu.memory_space<vmem>>
    tpu.wait_dma2 semaphore(%arg12 : memref<!tpu.dma_semaphore, #tpu.memory_space<semaphore_mem>>) src(%dma_wait3A_192 : memref<512x64xf32, #tpu.memory_space<vmem>>) dst(%dma_wait3A_188 : memref<512x64xf32, #tpu.memory_space<hbm>>)
    %dma_start3A_193 = arith.constant 0 : i32
    %dma_start3A_194 = arith.constant 0 : i32
    %dma_start3A_195 = arith.constant 0 : i32
    %dma_start3A_196 = arith.constant 0 : i32
    %dma_start3A_197 = tpu.memref_slice %arg8[%dma_start3A_194, %dma_start3A_195, %dma_start3A_196] : memref<2x512x64xf32, #tpu.memory_space<vmem>> -> memref<1x128x64xf32, #tpu.memory_space<vmem>>
    %dma_start3A_198 = tpu.memref_squeeze %dma_start3A_197 : memref<1x128x64xf32, #tpu.memory_space<vmem>> -> memref<128x64xf32, #tpu.memory_space<vmem>>
    %dma_start3A_199 = arith.constant 0 : i32
    %dma_start3A_200 = tpu.memref_slice %arg7[%dma_start3A_193, %dma_start3A_199] : memref<2x512xi32, #tpu.memory_space<vmem>> -> memref<1x128xi32, #tpu.memory_space<vmem>>
    %dma_start3A_201 = tpu.memref_squeeze %dma_start3A_200 : memref<1x128xi32, #tpu.memory_space<vmem>> -> memref<128xi32, #tpu.memory_space<vmem>>
    %dma_start3A_202 = arith.constant 0 : i32
    %dma_start3A_203 = arith.constant 0 : i32
    %dma_start3A_204 = tpu.memref_slice %arg3[%dma_start3A_202, %dma_start3A_203] : memref<1000000x64xf32, #tpu.memory_space<hbm>> -> memref<1000000x64xf32, #tpu.memory_space<hbm>>
    tpu.enqueue_indirect_dma source(%dma_start3A_204 : memref<1000000x64xf32, #tpu.memory_space<hbm>>) target(%dma_start3A_198 : memref<128x64xf32, #tpu.memory_space<vmem>>) offsets(%dma_start3A_201 : memref<128xi32, #tpu.memory_space<vmem>>) semaphore(%arg10 : memref<!tpu.dma_semaphore, #tpu.memory_space<semaphore_mem>>)
    %dma_start3A_205 = arith.constant 0 : i32
    %dma_start3A_206 = arith.constant 0 : i32
    %dma_start3A_207 = arith.constant 128 : i32
    %dma_start3A_208 = arith.constant 0 : i32
    %dma_start3A_209 = tpu.memref_slice %arg8[%dma_start3A_206, %dma_start3A_207, %dma_start3A_208] : memref<2x512x64xf32, #tpu.memory_space<vmem>> -> memref<1x128x64xf32, #tpu.memory_space<vmem>>
    %dma_start3A_210 = tpu.memref_squeeze %dma_start3A_209 : memref<1x128x64xf32, #tpu.memory_space<vmem>> -> memref<128x64xf32, #tpu.memory_space<vmem>>
    %dma_start3A_211 = arith.constant 128 : i32
    %dma_start3A_212 = tpu.memref_slice %arg7[%dma_start3A_205, %dma_start3A_211] : memref<2x512xi32, #tpu.memory_space<vmem>> -> memref<1x128xi32, #tpu.memory_space<vmem>>
    %dma_start3A_213 = tpu.memref_squeeze %dma_start3A_212 : memref<1x128xi32, #tpu.memory_space<vmem>> -> memref<128xi32, #tpu.memory_space<vmem>>
    %dma_start3A_214 = arith.constant 0 : i32
    %dma_start3A_215 = arith.constant 0 : i32
    %dma_start3A_216 = tpu.memref_slice %arg3[%dma_start3A_214, %dma_start3A_215] : memref<1000000x64xf32, #tpu.memory_space<hbm>> -> memref<1000000x64xf32, #tpu.memory_space<hbm>>
    tpu.enqueue_indirect_dma source(%dma_start3A_216 : memref<1000000x64xf32, #tpu.memory_space<hbm>>) target(%dma_start3A_210 : memref<128x64xf32, #tpu.memory_space<vmem>>) offsets(%dma_start3A_213 : memref<128xi32, #tpu.memory_space<vmem>>) semaphore(%arg10 : memref<!tpu.dma_semaphore, #tpu.memory_space<semaphore_mem>>)
    %dma_start3A_217 = arith.constant 0 : i32
    %dma_start3A_218 = arith.constant 0 : i32
    %dma_start3A_219 = arith.constant 256 : i32
    %dma_start3A_220 = arith.constant 0 : i32
    %dma_start3A_221 = tpu.memref_slice %arg8[%dma_start3A_218, %dma_start3A_219, %dma_start3A_220] : memref<2x512x64xf32, #tpu.memory_space<vmem>> -> memref<1x128x64xf32, #tpu.memory_space<vmem>>
    %dma_start3A_222 = tpu.memref_squeeze %dma_start3A_221 : memref<1x128x64xf32, #tpu.memory_space<vmem>> -> memref<128x64xf32, #tpu.memory_space<vmem>>
    %dma_start3A_223 = arith.constant 256 : i32
    %dma_start3A_224 = tpu.memref_slice %arg7[%dma_start3A_217, %dma_start3A_223] : memref<2x512xi32, #tpu.memory_space<vmem>> -> memref<1x128xi32, #tpu.memory_space<vmem>>
    %dma_start3A_225 = tpu.memref_squeeze %dma_start3A_224 : memref<1x128xi32, #tpu.memory_space<vmem>> -> memref<128xi32, #tpu.memory_space<vmem>>
    %dma_start3A_226 = arith.constant 0 : i32
    %dma_start3A_227 = arith.constant 0 : i32
    %dma_start3A_228 = tpu.memref_slice %arg3[%dma_start3A_226, %dma_start3A_227] : memref<1000000x64xf32, #tpu.memory_space<hbm>> -> memref<1000000x64xf32, #tpu.memory_space<hbm>>
    tpu.enqueue_indirect_dma source(%dma_start3A_228 : memref<1000000x64xf32, #tpu.memory_space<hbm>>) target(%dma_start3A_222 : memref<128x64xf32, #tpu.memory_space<vmem>>) offsets(%dma_start3A_225 : memref<128xi32, #tpu.memory_space<vmem>>) semaphore(%arg10 : memref<!tpu.dma_semaphore, #tpu.memory_space<semaphore_mem>>)
    %dma_start3A_229 = arith.constant 0 : i32
    %dma_start3A_230 = arith.constant 0 : i32
    %dma_start3A_231 = arith.constant 384 : i32
    %dma_start3A_232 = arith.constant 0 : i32
    %dma_start3A_233 = tpu.memref_slice %arg8[%dma_start3A_230, %dma_start3A_231, %dma_start3A_232] : memref<2x512x64xf32, #tpu.memory_space<vmem>> -> memref<1x128x64xf32, #tpu.memory_space<vmem>>
    %dma_start3A_234 = tpu.memref_squeeze %dma_start3A_233 : memref<1x128x64xf32, #tpu.memory_space<vmem>> -> memref<128x64xf32, #tpu.memory_space<vmem>>
    %dma_start3A_235 = arith.constant 384 : i32
    %dma_start3A_236 = tpu.memref_slice %arg7[%dma_start3A_229, %dma_start3A_235] : memref<2x512xi32, #tpu.memory_space<vmem>> -> memref<1x128xi32, #tpu.memory_space<vmem>>
    %dma_start3A_237 = tpu.memref_squeeze %dma_start3A_236 : memref<1x128xi32, #tpu.memory_space<vmem>> -> memref<128xi32, #tpu.memory_space<vmem>>
    %dma_start3A_238 = arith.constant 0 : i32
    %dma_start3A_239 = arith.constant 0 : i32
    %dma_start3A_240 = tpu.memref_slice %arg3[%dma_start3A_238, %dma_start3A_239] : memref<1000000x64xf32, #tpu.memory_space<hbm>> -> memref<1000000x64xf32, #tpu.memory_space<hbm>>
    tpu.enqueue_indirect_dma source(%dma_start3A_240 : memref<1000000x64xf32, #tpu.memory_space<hbm>>) target(%dma_start3A_234 : memref<128x64xf32, #tpu.memory_space<vmem>>) offsets(%dma_start3A_237 : memref<128xi32, #tpu.memory_space<vmem>>) semaphore(%arg10 : memref<!tpu.dma_semaphore, #tpu.memory_space<semaphore_mem>>)
    %dma_wait3A_241 = arith.constant 1 : i32
    %dma_wait3A_242 = arith.constant 1 : i32
    %dma_wait3A_243 = arith.constant 0 : i32
    %dma_wait3A_244 = arith.constant 0 : i32
    %dma_wait3A_245 = tpu.memref_slice %arg8[%dma_wait3A_242, %dma_wait3A_243, %dma_wait3A_244] : memref<2x512x64xf32, #tpu.memory_space<vmem>> -> memref<1x128x64xf32, #tpu.memory_space<vmem>>
    %dma_wait3A_246 = tpu.memref_squeeze %dma_wait3A_245 : memref<1x128x64xf32, #tpu.memory_space<vmem>> -> memref<128x64xf32, #tpu.memory_space<vmem>>
    %dma_wait3A_247 = arith.constant 0 : i32
    %dma_wait3A_248 = tpu.memref_slice %arg7[%dma_wait3A_241, %dma_wait3A_247] : memref<2x512xi32, #tpu.memory_space<vmem>> -> memref<1x128xi32, #tpu.memory_space<vmem>>
    %dma_wait3A_249 = tpu.memref_squeeze %dma_wait3A_248 : memref<1x128xi32, #tpu.memory_space<vmem>> -> memref<128xi32, #tpu.memory_space<vmem>>
    %dma_wait3A_250 = arith.constant 0 : i32
    %dma_wait3A_251 = arith.constant 0 : i32
    %dma_wait3A_252 = tpu.memref_slice %arg3[%dma_wait3A_250, %dma_wait3A_251] : memref<1000000x64xf32, #tpu.memory_space<hbm>> -> memref<1000000x64xf32, #tpu.memory_space<hbm>>
    tpu.wait_indirect_dma semaphore(%arg11 : memref<!tpu.dma_semaphore, #tpu.memory_space<semaphore_mem>>) src(%dma_wait3A_252 : memref<1000000x64xf32, #tpu.memory_space<hbm>>) dst(%dma_wait3A_246 : memref<128x64xf32, #tpu.memory_space<vmem>>)
    %dma_wait3A_253 = arith.constant 1 : i32
    %dma_wait3A_254 = arith.constant 1 : i32
    %dma_wait3A_255 = arith.constant 128 : i32
    %dma_wait3A_256 = arith.constant 0 : i32
    %dma_wait3A_257 = tpu.memref_slice %arg8[%dma_wait3A_254, %dma_wait3A_255, %dma_wait3A_256] : memref<2x512x64xf32, #tpu.memory_space<vmem>> -> memref<1x128x64xf32, #tpu.memory_space<vmem>>
    %dma_wait3A_258 = tpu.memref_squeeze %dma_wait3A_257 : memref<1x128x64xf32, #tpu.memory_space<vmem>> -> memref<128x64xf32, #tpu.memory_space<vmem>>
    %dma_wait3A_259 = arith.constant 128 : i32
    %dma_wait3A_260 = tpu.memref_slice %arg7[%dma_wait3A_253, %dma_wait3A_259] : memref<2x512xi32, #tpu.memory_space<vmem>> -> memref<1x128xi32, #tpu.memory_space<vmem>>
    %dma_wait3A_261 = tpu.memref_squeeze %dma_wait3A_260 : memref<1x128xi32, #tpu.memory_space<vmem>> -> memref<128xi32, #tpu.memory_space<vmem>>
    %dma_wait3A_262 = arith.constant 0 : i32
    %dma_wait3A_263 = arith.constant 0 : i32
    %dma_wait3A_264 = tpu.memref_slice %arg3[%dma_wait3A_262, %dma_wait3A_263] : memref<1000000x64xf32, #tpu.memory_space<hbm>> -> memref<1000000x64xf32, #tpu.memory_space<hbm>>
    tpu.wait_indirect_dma semaphore(%arg11 : memref<!tpu.dma_semaphore, #tpu.memory_space<semaphore_mem>>) src(%dma_wait3A_264 : memref<1000000x64xf32, #tpu.memory_space<hbm>>) dst(%dma_wait3A_258 : memref<128x64xf32, #tpu.memory_space<vmem>>)
    %dma_wait3A_265 = arith.constant 1 : i32
    %dma_wait3A_266 = arith.constant 1 : i32
    %dma_wait3A_267 = arith.constant 256 : i32
    %dma_wait3A_268 = arith.constant 0 : i32
    %dma_wait3A_269 = tpu.memref_slice %arg8[%dma_wait3A_266, %dma_wait3A_267, %dma_wait3A_268] : memref<2x512x64xf32, #tpu.memory_space<vmem>> -> memref<1x128x64xf32, #tpu.memory_space<vmem>>
    %dma_wait3A_270 = tpu.memref_squeeze %dma_wait3A_269 : memref<1x128x64xf32, #tpu.memory_space<vmem>> -> memref<128x64xf32, #tpu.memory_space<vmem>>
    %dma_wait3A_271 = arith.constant 256 : i32
    %dma_wait3A_272 = tpu.memref_slice %arg7[%dma_wait3A_265, %dma_wait3A_271] : memref<2x512xi32, #tpu.memory_space<vmem>> -> memref<1x128xi32, #tpu.memory_space<vmem>>
    %dma_wait3A_273 = tpu.memref_squeeze %dma_wait3A_272 : memref<1x128xi32, #tpu.memory_space<vmem>> -> memref<128xi32, #tpu.memory_space<vmem>>
    %dma_wait3A_274 = arith.constant 0 : i32
    %dma_wait3A_275 = arith.constant 0 : i32
    %dma_wait3A_276 = tpu.memref_slice %arg3[%dma_wait3A_274, %dma_wait3A_275] : memref<1000000x64xf32, #tpu.memory_space<hbm>> -> memref<1000000x64xf32, #tpu.memory_space<hbm>>
    tpu.wait_indirect_dma semaphore(%arg11 : memref<!tpu.dma_semaphore, #tpu.memory_space<semaphore_mem>>) src(%dma_wait3A_276 : memref<1000000x64xf32, #tpu.memory_space<hbm>>) dst(%dma_wait3A_270 : memref<128x64xf32, #tpu.memory_space<vmem>>)
    %dma_wait3A_277 = arith.constant 1 : i32
    %dma_wait3A_278 = arith.constant 1 : i32
    %dma_wait3A_279 = arith.constant 384 : i32
    %dma_wait3A_280 = arith.constant 0 : i32
    %dma_wait3A_281 = tpu.memref_slice %arg8[%dma_wait3A_278, %dma_wait3A_279, %dma_wait3A_280] : memref<2x512x64xf32, #tpu.memory_space<vmem>> -> memref<1x128x64xf32, #tpu.memory_space<vmem>>
    %dma_wait3A_282 = tpu.memref_squeeze %dma_wait3A_281 : memref<1x128x64xf32, #tpu.memory_space<vmem>> -> memref<128x64xf32, #tpu.memory_space<vmem>>
    %dma_wait3A_283 = arith.constant 384 : i32
    %dma_wait3A_284 = tpu.memref_slice %arg7[%dma_wait3A_277, %dma_wait3A_283] : memref<2x512xi32, #tpu.memory_space<vmem>> -> memref<1x128xi32, #tpu.memory_space<vmem>>
    %dma_wait3A_285 = tpu.memref_squeeze %dma_wait3A_284 : memref<1x128xi32, #tpu.memory_space<vmem>> -> memref<128xi32, #tpu.memory_space<vmem>>
    %dma_wait3A_286 = arith.constant 0 : i32
    %dma_wait3A_287 = arith.constant 0 : i32
    %dma_wait3A_288 = tpu.memref_slice %arg3[%dma_wait3A_286, %dma_wait3A_287] : memref<1000000x64xf32, #tpu.memory_space<hbm>> -> memref<1000000x64xf32, #tpu.memory_space<hbm>>
    tpu.wait_indirect_dma semaphore(%arg11 : memref<!tpu.dma_semaphore, #tpu.memory_space<semaphore_mem>>) src(%dma_wait3A_288 : memref<1000000x64xf32, #tpu.memory_space<hbm>>) dst(%dma_wait3A_282 : memref<128x64xf32, #tpu.memory_space<vmem>>)
    %rem3A_289 = arith.constant 512 : i32
    %rem3A_290 = arith.constant 200 : i32
    %rem3A_291 = arith.remsi %rem3A_289, %rem3A_290 : i32
    %parallel_loop3A_292 = arith.constant 0 : i32
    %parallel_loop3A_293 = arith.constant 512 : i32
    %parallel_loop3A_294 = arith.constant 1 : i32
    scf.for %parallel_loop3A_556 = %parallel_loop3A_292 to %parallel_loop3A_293 step %parallel_loop3A_294  : i32 {
      %parallel_loop3A_557 = arith.addi %rem3A_291, %parallel_loop3A_556 : i32
      %parallel_loop3A_558 = arith.index_cast %parallel_loop3A_557 : i32 to index
      %parallel_loop3A_559 = arith.constant 0 : index
      %parallel_loop3A_560 = tpu.vector_load %arg9[%parallel_loop3A_558, %parallel_loop3A_559] {strides = array<i32>} : memref<800x64xf32, #tpu.memory_space<vmem>>, vector<1x16xf32>,
      %parallel_loop3A_561 = vector.shape_cast %parallel_loop3A_560 : vector<1x16xf32> to vector<16xf32>
      %parallel_loop3A_562 = arith.constant 1 : i32
      %parallel_loop3A_563 = arith.index_cast %parallel_loop3A_562 : i32 to index
      %parallel_loop3A_564 = arith.index_cast %parallel_loop3A_556 : i32 to index
      %parallel_loop3A_565 = arith.constant 0 : index
      %parallel_loop3A_566 = tpu.vector_load %arg8[%parallel_loop3A_563, %parallel_loop3A_564, %parallel_loop3A_565] {strides = array<i32>} : memref<2x512x64xf32, #tpu.memory_space<vmem>>, vector<1x1x16xf32>,
      %parallel_loop3A_567 = vector.shape_cast %parallel_loop3A_566 : vector<1x1x16xf32> to vector<16xf32>
      %parallel_loop3A_568 = vector.shape_cast %parallel_loop3A_561 : vector<16xf32> to vector<1x1x16xf32>
      tpu.vector_store %arg8[%parallel_loop3A_563, %parallel_loop3A_564, %parallel_loop3A_565], %parallel_loop3A_568 {add = true, strides = array<i32>} : memref<2x512x64xf32, #tpu.memory_space<vmem>>, vector<1x1x16xf32>,
      %parallel_loop3A_569 = arith.addi %rem3A_291, %parallel_loop3A_556 : i32
      %parallel_loop3A_570 = arith.index_cast %parallel_loop3A_569 : i32 to index
      %parallel_loop3A_571 = arith.constant 16 : index
      %parallel_loop3A_572 = tpu.vector_load %arg9[%parallel_loop3A_570, %parallel_loop3A_571] {strides = array<i32>} : memref<800x64xf32, #tpu.memory_space<vmem>>, vector<1x16xf32>,
      %parallel_loop3A_573 = vector.shape_cast %parallel_loop3A_572 : vector<1x16xf32> to vector<16xf32>
      %parallel_loop3A_574 = arith.constant 1 : i32
      %parallel_loop3A_575 = arith.index_cast %parallel_loop3A_574 : i32 to index
      %parallel_loop3A_576 = arith.index_cast %parallel_loop3A_556 : i32 to index
      %parallel_loop3A_577 = arith.constant 16 : index
      %parallel_loop3A_578 = tpu.vector_load %arg8[%parallel_loop3A_575, %parallel_loop3A_576, %parallel_loop3A_577] {strides = array<i32>} : memref<2x512x64xf32, #tpu.memory_space<vmem>>, vector<1x1x16xf32>,
      %parallel_loop3A_579 = vector.shape_cast %parallel_loop3A_578 : vector<1x1x16xf32> to vector<16xf32>
      %parallel_loop3A_580 = vector.shape_cast %parallel_loop3A_573 : vector<16xf32> to vector<1x1x16xf32>
      tpu.vector_store %arg8[%parallel_loop3A_575, %parallel_loop3A_576, %parallel_loop3A_577], %parallel_loop3A_580 {add = true, strides = array<i32>} : memref<2x512x64xf32, #tpu.memory_space<vmem>>, vector<1x1x16xf32>,
      %parallel_loop3A_581 = arith.addi %rem3A_291, %parallel_loop3A_556 : i32
      %parallel_loop3A_582 = arith.index_cast %parallel_loop3A_581 : i32 to index
      %parallel_loop3A_583 = arith.constant 32 : index
      %parallel_loop3A_584 = tpu.vector_load %arg9[%parallel_loop3A_582, %parallel_loop3A_583] {strides = array<i32>} : memref<800x64xf32, #tpu.memory_space<vmem>>, vector<1x16xf32>,
      %parallel_loop3A_585 = vector.shape_cast %parallel_loop3A_584 : vector<1x16xf32> to vector<16xf32>
      %parallel_loop3A_586 = arith.constant 1 : i32
      %parallel_loop3A_587 = arith.index_cast %parallel_loop3A_586 : i32 to index
      %parallel_loop3A_588 = arith.index_cast %parallel_loop3A_556 : i32 to index
      %parallel_loop3A_589 = arith.constant 32 : index
      %parallel_loop3A_590 = tpu.vector_load %arg8[%parallel_loop3A_587, %parallel_loop3A_588, %parallel_loop3A_589] {strides = array<i32>} : memref<2x512x64xf32, #tpu.memory_space<vmem>>, vector<1x1x16xf32>,
      %parallel_loop3A_591 = vector.shape_cast %parallel_loop3A_590 : vector<1x1x16xf32> to vector<16xf32>
      %parallel_loop3A_592 = vector.shape_cast %parallel_loop3A_585 : vector<16xf32> to vector<1x1x16xf32>
      tpu.vector_store %arg8[%parallel_loop3A_587, %parallel_loop3A_588, %parallel_loop3A_589], %parallel_loop3A_592 {add = true, strides = array<i32>} : memref<2x512x64xf32, #tpu.memory_space<vmem>>, vector<1x1x16xf32>,
      %parallel_loop3A_593 = arith.addi %rem3A_291, %parallel_loop3A_556 : i32
      %parallel_loop3A_594 = arith.index_cast %parallel_loop3A_593 : i32 to index
      %parallel_loop3A_595 = arith.constant 48 : index
      %parallel_loop3A_596 = tpu.vector_load %arg9[%parallel_loop3A_594, %parallel_loop3A_595] {strides = array<i32>} : memref<800x64xf32, #tpu.memory_space<vmem>>, vector<1x16xf32>,
      %parallel_loop3A_597 = vector.shape_cast %parallel_loop3A_596 : vector<1x16xf32> to vector<16xf32>
      %parallel_loop3A_598 = arith.constant 1 : i32
      %parallel_loop3A_599 = arith.index_cast %parallel_loop3A_598 : i32 to index
      %parallel_loop3A_600 = arith.index_cast %parallel_loop3A_556 : i32 to index
      %parallel_loop3A_601 = arith.constant 48 : index
      %parallel_loop3A_602 = tpu.vector_load %arg8[%parallel_loop3A_599, %parallel_loop3A_600, %parallel_loop3A_601] {strides = array<i32>} : memref<2x512x64xf32, #tpu.memory_space<vmem>>, vector<1x1x16xf32>,
      %parallel_loop3A_603 = vector.shape_cast %parallel_loop3A_602 : vector<1x1x16xf32> to vector<16xf32>
      %parallel_loop3A_604 = vector.shape_cast %parallel_loop3A_597 : vector<16xf32> to vector<1x1x16xf32>
      tpu.vector_store %arg8[%parallel_loop3A_599, %parallel_loop3A_600, %parallel_loop3A_601], %parallel_loop3A_604 {add = true, strides = array<i32>} : memref<2x512x64xf32, #tpu.memory_space<vmem>>, vector<1x1x16xf32>,
    } {sc.loop_unroll_factor = 8 : i64, sc.parallel_access}
    %mul3A_295 = arith.constant 25600 : i32
    %mul3A_296 = arith.muli %add3A, %mul3A_295 : i32
    %add3A_297 = arith.constant 512 : i32
    %add3A_298 = arith.addi %mul3A_296, %add3A_297 : i32
    %dma_start3A_299 = arith.constant 1 : i32
    %dma_start3A_300 = arith.constant 0 : i32
    %dma_start3A_301 = arith.constant 0 : i32
    %dma_start3A_302 = tpu.memref_slice %arg8[%dma_start3A_299, %dma_start3A_300, %dma_start3A_301] : memref<2x512x64xf32, #tpu.memory_space<vmem>> -> memref<1x512x64xf32, #tpu.memory_space<vmem>>
    %dma_start3A_303 = tpu.memref_squeeze %dma_start3A_302 : memref<1x512x64xf32, #tpu.memory_space<vmem>> -> memref<512x64xf32, #tpu.memory_space<vmem>>
    %dma_start3A_304 = arith.constant 0 : i32
    %dma_start3A_305 = tpu.memref_slice %arg6[%add3A_298, %dma_start3A_304] : memref<819200x64xf32, #tpu.memory_space<hbm>> -> memref<512x64xf32, #tpu.memory_space<hbm>>
    %dma_start3A_306 = arith.constant 0 : i32
    %dma_start3A_307 = tpu.memref_slice %arg6[%add3A_298, %dma_start3A_306] : memref<819200x64xf32, #tpu.memory_space<hbm>> -> memref<512x64xf32, #tpu.memory_space<hbm>>
    %dma_start3A_308 = arith.constant 0 : i32
    %dma_start3A_309 = arith.constant 0 : i32
    %dma_start3A_310 = tpu.memref_slice %arg8[%dma_start3A_299, %dma_start3A_308, %dma_start3A_309] : memref<2x512x64xf32, #tpu.memory_space<vmem>> -> memref<1x512x64xf32, #tpu.memory_space<vmem>>
    %dma_start3A_311 = tpu.memref_squeeze %dma_start3A_310 : memref<1x512x64xf32, #tpu.memory_space<vmem>> -> memref<512x64xf32, #tpu.memory_space<vmem>>
    tpu.enqueue_dma source(%dma_start3A_311 : memref<512x64xf32, #tpu.memory_space<vmem>>) target(%dma_start3A_307 : memref<512x64xf32, #tpu.memory_space<hbm>>) target_semaphore(%arg13 : memref<!tpu.dma_semaphore, #tpu.memory_space<semaphore_mem>>)
    %scan3A = arith.constant 0 : i32
    %scan3A_312 = arith.constant 23 : i32
    %scan3A_313 = arith.addi %scan3A, %scan3A_312 : i32
    %scan3A_314 = arith.constant 1 : i32
    scf.for %scan3A_556 = %scan3A to %scan3A_313 step %scan3A_314  : i32 {
      %mul3A_557 = arith.constant 1 : i32
      %mul3A_558 = arith.muli %scan3A_556, %mul3A_557 : i32
      %add3A_559 = arith.constant 1 : i32
      %add3A_560 = arith.addi %add3A_559, %mul3A_558 : i32
      %mul3A_561 = arith.constant 2 : i32
      %mul3A_562 = arith.muli %add3A_560, %mul3A_561 : i32
      %add3A_563 = arith.constant 0 : i32
      %add3A_564 = arith.addi %mul3A_562, %add3A_563 : i32
      %add3A_565 = arith.constant 1 : i32
      %add3A_566 = arith.addi %add3A_564, %add3A_565 : i32
      %mul3A_567 = arith.constant 25600 : i32
      %mul3A_568 = arith.muli %add3A, %mul3A_567 : i32
      %mul3A_569 = arith.constant 512 : i32
      %mul3A_570 = arith.muli %add3A_566, %mul3A_569 : i32
      %add3A_571 = arith.addi %mul3A_568, %mul3A_570 : i32
      %run_scoped3A_572 = arith.constant 1 : i32
      "tpu.region"() ({
        %run_scoped3A_857 = tpu.sem_alloc : memref<!tpu.dma_semaphore, #tpu.memory_space<semaphore_mem>>
        %dma_start3A_858 = arith.constant 0 : i32
        %dma_start3A_859 = tpu.memref_slice %arg7[%run_scoped3A_572, %dma_start3A_858] : memref<2x512xi32, #tpu.memory_space<vmem>> -> memref<1x512xi32, #tpu.memory_space<vmem>>
        %dma_start3A_860 = tpu.memref_squeeze %dma_start3A_859 : memref<1x512xi32, #tpu.memory_space<vmem>> -> memref<512xi32, #tpu.memory_space<vmem>>
        %dma_start3A_861 = tpu.memref_slice %arg2[%add3A_571] : memref<819200xi32, #tpu.memory_space<hbm>> -> memref<512xi32, #tpu.memory_space<hbm>>
        %dma_start3A_862 = arith.constant 0 : i32
        %dma_start3A_863 = tpu.memref_slice %arg7[%run_scoped3A_572, %dma_start3A_862] : memref<2x512xi32, #tpu.memory_space<vmem>> -> memref<1x512xi32, #tpu.memory_space<vmem>>
        %dma_start3A_864 = tpu.memref_squeeze %dma_start3A_863 : memref<1x512xi32, #tpu.memory_space<vmem>> -> memref<512xi32, #tpu.memory_space<vmem>>
        %dma_start3A_865 = tpu.memref_slice %arg2[%add3A_571] : memref<819200xi32, #tpu.memory_space<hbm>> -> memref<512xi32, #tpu.memory_space<hbm>>
        tpu.enqueue_dma source(%dma_start3A_865 : memref<512xi32, #tpu.memory_space<hbm>>) target(%dma_start3A_864 : memref<512xi32, #tpu.memory_space<vmem>>) target_semaphore(%run_scoped3A_857 : memref<!tpu.dma_semaphore, #tpu.memory_space<semaphore_mem>>)
        %dma_wait3A_866 = arith.constant 0 : i32
        %dma_wait3A_867 = tpu.memref_slice %arg7[%run_scoped3A_572, %dma_wait3A_866] : memref<2x512xi32, #tpu.memory_space<vmem>> -> memref<1x512xi32, #tpu.memory_space<vmem>>
        %dma_wait3A_868 = tpu.memref_squeeze %dma_wait3A_867 : memref<1x512xi32, #tpu.memory_space<vmem>> -> memref<512xi32, #tpu.memory_space<vmem>>
        %dma_wait3A_869 = tpu.memref_slice %arg2[%add3A_571] : memref<819200xi32, #tpu.memory_space<hbm>> -> memref<512xi32, #tpu.memory_space<hbm>>
        %dma_wait3A_870 = arith.constant 0 : i32
        %dma_wait3A_871 = tpu.memref_slice %arg7[%run_scoped3A_572, %dma_wait3A_870] : memref<2x512xi32, #tpu.memory_space<vmem>> -> memref<1x512xi32, #tpu.memory_space<vmem>>
        %dma_wait3A_872 = tpu.memref_squeeze %dma_wait3A_871 : memref<1x512xi32, #tpu.memory_space<vmem>> -> memref<512xi32, #tpu.memory_space<vmem>>
        %dma_wait3A_873 = tpu.memref_slice %arg2[%add3A_571] : memref<819200xi32, #tpu.memory_space<hbm>> -> memref<512xi32, #tpu.memory_space<hbm>>
        tpu.wait_dma2 semaphore(%run_scoped3A_857 : memref<!tpu.dma_semaphore, #tpu.memory_space<semaphore_mem>>) src(%dma_wait3A_873 : memref<512xi32, #tpu.memory_space<hbm>>) dst(%dma_wait3A_872 : memref<512xi32, #tpu.memory_space<vmem>>)
        tpu.yield
      }) : () -> ()
      %dma_wait3A_573 = arith.constant 1 : i32
      %dma_wait3A_574 = arith.constant 0 : i32
      %dma_wait3A_575 = arith.constant 0 : i32
      %dma_wait3A_576 = tpu.memref_slice %arg8[%dma_wait3A_573, %dma_wait3A_574, %dma_wait3A_575] : memref<2x512x64xf32, #tpu.memory_space<vmem>> -> memref<1x512x64xf32, #tpu.memory_space<vmem>>
      %dma_wait3A_577 = tpu.memref_squeeze %dma_wait3A_576 : memref<1x512x64xf32, #tpu.memory_space<vmem>> -> memref<512x64xf32, #tpu.memory_space<vmem>>
      %dma_wait3A_578 = arith.constant 0 : i32
      %dma_wait3A_579 = arith.constant 0 : i32
      %dma_wait3A_580 = tpu.memref_slice %arg6[%dma_wait3A_578, %dma_wait3A_579] : memref<819200x64xf32, #tpu.memory_space<hbm>> -> memref<512x64xf32, #tpu.memory_space<hbm>>
      %dma_wait3A_581 = arith.constant 0 : i32
      %dma_wait3A_582 = arith.constant 0 : i32
      %dma_wait3A_583 = tpu.memref_slice %arg6[%dma_wait3A_581, %dma_wait3A_582] : memref<819200x64xf32, #tpu.memory_space<hbm>> -> memref<512x64xf32, #tpu.memory_space<hbm>>
      %dma_wait3A_584 = arith.constant 0 : i32
      %dma_wait3A_585 = arith.constant 0 : i32
      %dma_wait3A_586 = tpu.memref_slice %arg8[%dma_wait3A_573, %dma_wait3A_584, %dma_wait3A_585] : memref<2x512x64xf32, #tpu.memory_space<vmem>> -> memref<1x512x64xf32, #tpu.memory_space<vmem>>
      %dma_wait3A_587 = tpu.memref_squeeze %dma_wait3A_586 : memref<1x512x64xf32, #tpu.memory_space<vmem>> -> memref<512x64xf32, #tpu.memory_space<vmem>>
      tpu.wait_dma2 semaphore(%arg13 : memref<!tpu.dma_semaphore, #tpu.memory_space<semaphore_mem>>) src(%dma_wait3A_587 : memref<512x64xf32, #tpu.memory_space<vmem>>) dst(%dma_wait3A_583 : memref<512x64xf32, #tpu.memory_space<hbm>>)
      %dma_start3A_588 = arith.constant 1 : i32
      %dma_start3A_589 = arith.constant 1 : i32
      %dma_start3A_590 = arith.constant 0 : i32
      %dma_start3A_591 = arith.constant 0 : i32
      %dma_start3A_592 = tpu.memref_slice %arg8[%dma_start3A_589, %dma_start3A_590, %dma_start3A_591] : memref<2x512x64xf32, #tpu.memory_space<vmem>> -> memref<1x128x64xf32, #tpu.memory_space<vmem>>
      %dma_start3A_593 = tpu.memref_squeeze %dma_start3A_592 : memref<1x128x64xf32, #tpu.memory_space<vmem>> -> memref<128x64xf32, #tpu.memory_space<vmem>>
      %dma_start3A_594 = arith.constant 0 : i32
      %dma_start3A_595 = tpu.memref_slice %arg7[%dma_start3A_588, %dma_start3A_594] : memref<2x512xi32, #tpu.memory_space<vmem>> -> memref<1x128xi32, #tpu.memory_space<vmem>>
      %dma_start3A_596 = tpu.memref_squeeze %dma_start3A_595 : memref<1x128xi32, #tpu.memory_space<vmem>> -> memref<128xi32, #tpu.memory_space<vmem>>
      %dma_start3A_597 = arith.constant 0 : i32
      %dma_start3A_598 = arith.constant 0 : i32
      %dma_start3A_599 = tpu.memref_slice %arg3[%dma_start3A_597, %dma_start3A_598] : memref<1000000x64xf32, #tpu.memory_space<hbm>> -> memref<1000000x64xf32, #tpu.memory_space<hbm>>
      tpu.enqueue_indirect_dma source(%dma_start3A_599 : memref<1000000x64xf32, #tpu.memory_space<hbm>>) target(%dma_start3A_593 : memref<128x64xf32, #tpu.memory_space<vmem>>) offsets(%dma_start3A_596 : memref<128xi32, #tpu.memory_space<vmem>>) semaphore(%arg11 : memref<!tpu.dma_semaphore, #tpu.memory_space<semaphore_mem>>)
      %dma_start3A_600 = arith.constant 1 : i32
      %dma_start3A_601 = arith.constant 1 : i32
      %dma_start3A_602 = arith.constant 128 : i32
      %dma_start3A_603 = arith.constant 0 : i32
      %dma_start3A_604 = tpu.memref_slice %arg8[%dma_start3A_601, %dma_start3A_602, %dma_start3A_603] : memref<2x512x64xf32, #tpu.memory_space<vmem>> -> memref<1x128x64xf32, #tpu.memory_space<vmem>>
      %dma_start3A_605 = tpu.memref_squeeze %dma_start3A_604 : memref<1x128x64xf32, #tpu.memory_space<vmem>> -> memref<128x64xf32, #tpu.memory_space<vmem>>
      %dma_start3A_606 = arith.constant 128 : i32
      %dma_start3A_607 = tpu.memref_slice %arg7[%dma_start3A_600, %dma_start3A_606] : memref<2x512xi32, #tpu.memory_space<vmem>> -> memref<1x128xi32, #tpu.memory_space<vmem>>
      %dma_start3A_608 = tpu.memref_squeeze %dma_start3A_607 : memref<1x128xi32, #tpu.memory_space<vmem>> -> memref<128xi32, #tpu.memory_space<vmem>>
      %dma_start3A_609 = arith.constant 0 : i32
      %dma_start3A_610 = arith.constant 0 : i32
      %dma_start3A_611 = tpu.memref_slice %arg3[%dma_start3A_609, %dma_start3A_610] : memref<1000000x64xf32, #tpu.memory_space<hbm>> -> memref<1000000x64xf32, #tpu.memory_space<hbm>>
      tpu.enqueue_indirect_dma source(%dma_start3A_611 : memref<1000000x64xf32, #tpu.memory_space<hbm>>) target(%dma_start3A_605 : memref<128x64xf32, #tpu.memory_space<vmem>>) offsets(%dma_start3A_608 : memref<128xi32, #tpu.memory_space<vmem>>) semaphore(%arg11 : memref<!tpu.dma_semaphore, #tpu.memory_space<semaphore_mem>>)
      %dma_start3A_612 = arith.constant 1 : i32
      %dma_start3A_613 = arith.constant 1 : i32
      %dma_start3A_614 = arith.constant 256 : i32
      %dma_start3A_615 = arith.constant 0 : i32
      %dma_start3A_616 = tpu.memref_slice %arg8[%dma_start3A_613, %dma_start3A_614, %dma_start3A_615] : memref<2x512x64xf32, #tpu.memory_space<vmem>> -> memref<1x128x64xf32, #tpu.memory_space<vmem>>
      %dma_start3A_617 = tpu.memref_squeeze %dma_start3A_616 : memref<1x128x64xf32, #tpu.memory_space<vmem>> -> memref<128x64xf32, #tpu.memory_space<vmem>>
      %dma_start3A_618 = arith.constant 256 : i32
      %dma_start3A_619 = tpu.memref_slice %arg7[%dma_start3A_612, %dma_start3A_618] : memref<2x512xi32, #tpu.memory_space<vmem>> -> memref<1x128xi32, #tpu.memory_space<vmem>>
      %dma_start3A_620 = tpu.memref_squeeze %dma_start3A_619 : memref<1x128xi32, #tpu.memory_space<vmem>> -> memref<128xi32, #tpu.memory_space<vmem>>
      %dma_start3A_621 = arith.constant 0 : i32
      %dma_start3A_622 = arith.constant 0 : i32
      %dma_start3A_623 = tpu.memref_slice %arg3[%dma_start3A_621, %dma_start3A_622] : memref<1000000x64xf32, #tpu.memory_space<hbm>> -> memref<1000000x64xf32, #tpu.memory_space<hbm>>
      tpu.enqueue_indirect_dma source(%dma_start3A_623 : memref<1000000x64xf32, #tpu.memory_space<hbm>>) target(%dma_start3A_617 : memref<128x64xf32, #tpu.memory_space<vmem>>) offsets(%dma_start3A_620 : memref<128xi32, #tpu.memory_space<vmem>>) semaphore(%arg11 : memref<!tpu.dma_semaphore, #tpu.memory_space<semaphore_mem>>)
      %dma_start3A_624 = arith.constant 1 : i32
      %dma_start3A_625 = arith.constant 1 : i32
      %dma_start3A_626 = arith.constant 384 : i32
      %dma_start3A_627 = arith.constant 0 : i32
      %dma_start3A_628 = tpu.memref_slice %arg8[%dma_start3A_625, %dma_start3A_626, %dma_start3A_627] : memref<2x512x64xf32, #tpu.memory_space<vmem>> -> memref<1x128x64xf32, #tpu.memory_space<vmem>>
      %dma_start3A_629 = tpu.memref_squeeze %dma_start3A_628 : memref<1x128x64xf32, #tpu.memory_space<vmem>> -> memref<128x64xf32, #tpu.memory_space<vmem>>
      %dma_start3A_630 = arith.constant 384 : i32
      %dma_start3A_631 = tpu.memref_slice %arg7[%dma_start3A_624, %dma_start3A_630] : memref<2x512xi32, #tpu.memory_space<vmem>> -> memref<1x128xi32, #tpu.memory_space<vmem>>
      %dma_start3A_632 = tpu.memref_squeeze %dma_start3A_631 : memref<1x128xi32, #tpu.memory_space<vmem>> -> memref<128xi32, #tpu.memory_space<vmem>>
      %dma_start3A_633 = arith.constant 0 : i32
      %dma_start3A_634 = arith.constant 0 : i32
      %dma_start3A_635 = tpu.memref_slice %arg3[%dma_start3A_633, %dma_start3A_634] : memref<1000000x64xf32, #tpu.memory_space<hbm>> -> memref<1000000x64xf32, #tpu.memory_space<hbm>>
      tpu.enqueue_indirect_dma source(%dma_start3A_635 : memref<1000000x64xf32, #tpu.memory_space<hbm>>) target(%dma_start3A_629 : memref<128x64xf32, #tpu.memory_space<vmem>>) offsets(%dma_start3A_632 : memref<128xi32, #tpu.memory_space<vmem>>) semaphore(%arg11 : memref<!tpu.dma_semaphore, #tpu.memory_space<semaphore_mem>>)
      %dma_wait3A_636 = arith.constant 0 : i32
      %dma_wait3A_637 = arith.constant 0 : i32
      %dma_wait3A_638 = arith.constant 0 : i32
      %dma_wait3A_639 = arith.constant 0 : i32
      %dma_wait3A_640 = tpu.memref_slice %arg8[%dma_wait3A_637, %dma_wait3A_638, %dma_wait3A_639] : memref<2x512x64xf32, #tpu.memory_space<vmem>> -> memref<1x128x64xf32, #tpu.memory_space<vmem>>
      %dma_wait3A_641 = tpu.memref_squeeze %dma_wait3A_640 : memref<1x128x64xf32, #tpu.memory_space<vmem>> -> memref<128x64xf32, #tpu.memory_space<vmem>>
      %dma_wait3A_642 = arith.constant 0 : i32
      %dma_wait3A_643 = tpu.memref_slice %arg7[%dma_wait3A_636, %dma_wait3A_642] : memref<2x512xi32, #tpu.memory_space<vmem>> -> memref<1x128xi32, #tpu.memory_space<vmem>>
      %dma_wait3A_644 = tpu.memref_squeeze %dma_wait3A_643 : memref<1x128xi32, #tpu.memory_space<vmem>> -> memref<128xi32, #tpu.memory_space<vmem>>
      %dma_wait3A_645 = arith.constant 0 : i32
      %dma_wait3A_646 = arith.constant 0 : i32
      %dma_wait3A_647 = tpu.memref_slice %arg3[%dma_wait3A_645, %dma_wait3A_646] : memref<1000000x64xf32, #tpu.memory_space<hbm>> -> memref<1000000x64xf32, #tpu.memory_space<hbm>>
      tpu.wait_indirect_dma semaphore(%arg10 : memref<!tpu.dma_semaphore, #tpu.memory_space<semaphore_mem>>) src(%dma_wait3A_647 : memref<1000000x64xf32, #tpu.memory_space<hbm>>) dst(%dma_wait3A_641 : memref<128x64xf32, #tpu.memory_space<vmem>>)
      %dma_wait3A_648 = arith.constant 0 : i32
      %dma_wait3A_649 = arith.constant 0 : i32
      %dma_wait3A_650 = arith.constant 128 : i32
      %dma_wait3A_651 = arith.constant 0 : i32
      %dma_wait3A_652 = tpu.memref_slice %arg8[%dma_wait3A_649, %dma_wait3A_650, %dma_wait3A_651] : memref<2x512x64xf32, #tpu.memory_space<vmem>> -> memref<1x128x64xf32, #tpu.memory_space<vmem>>
      %dma_wait3A_653 = tpu.memref_squeeze %dma_wait3A_652 : memref<1x128x64xf32, #tpu.memory_space<vmem>> -> memref<128x64xf32, #tpu.memory_space<vmem>>
      %dma_wait3A_654 = arith.constant 128 : i32
      %dma_wait3A_655 = tpu.memref_slice %arg7[%dma_wait3A_648, %dma_wait3A_654] : memref<2x512xi32, #tpu.memory_space<vmem>> -> memref<1x128xi32, #tpu.memory_space<vmem>>
      %dma_wait3A_656 = tpu.memref_squeeze %dma_wait3A_655 : memref<1x128xi32, #tpu.memory_space<vmem>> -> memref<128xi32, #tpu.memory_space<vmem>>
      %dma_wait3A_657 = arith.constant 0 : i32
      %dma_wait3A_658 = arith.constant 0 : i32
      %dma_wait3A_659 = tpu.memref_slice %arg3[%dma_wait3A_657, %dma_wait3A_658] : memref<1000000x64xf32, #tpu.memory_space<hbm>> -> memref<1000000x64xf32, #tpu.memory_space<hbm>>
      tpu.wait_indirect_dma semaphore(%arg10 : memref<!tpu.dma_semaphore, #tpu.memory_space<semaphore_mem>>) src(%dma_wait3A_659 : memref<1000000x64xf32, #tpu.memory_space<hbm>>) dst(%dma_wait3A_653 : memref<128x64xf32, #tpu.memory_space<vmem>>)
      %dma_wait3A_660 = arith.constant 0 : i32
      %dma_wait3A_661 = arith.constant 0 : i32
      %dma_wait3A_662 = arith.constant 256 : i32
      %dma_wait3A_663 = arith.constant 0 : i32
      %dma_wait3A_664 = tpu.memref_slice %arg8[%dma_wait3A_661, %dma_wait3A_662, %dma_wait3A_663] : memref<2x512x64xf32, #tpu.memory_space<vmem>> -> memref<1x128x64xf32, #tpu.memory_space<vmem>>
      %dma_wait3A_665 = tpu.memref_squeeze %dma_wait3A_664 : memref<1x128x64xf32, #tpu.memory_space<vmem>> -> memref<128x64xf32, #tpu.memory_space<vmem>>
      %dma_wait3A_666 = arith.constant 256 : i32
      %dma_wait3A_667 = tpu.memref_slice %arg7[%dma_wait3A_660, %dma_wait3A_666] : memref<2x512xi32, #tpu.memory_space<vmem>> -> memref<1x128xi32, #tpu.memory_space<vmem>>
      %dma_wait3A_668 = tpu.memref_squeeze %dma_wait3A_667 : memref<1x128xi32, #tpu.memory_space<vmem>> -> memref<128xi32, #tpu.memory_space<vmem>>
      %dma_wait3A_669 = arith.constant 0 : i32
      %dma_wait3A_670 = arith.constant 0 : i32
      %dma_wait3A_671 = tpu.memref_slice %arg3[%dma_wait3A_669, %dma_wait3A_670] : memref<1000000x64xf32, #tpu.memory_space<hbm>> -> memref<1000000x64xf32, #tpu.memory_space<hbm>>
      tpu.wait_indirect_dma semaphore(%arg10 : memref<!tpu.dma_semaphore, #tpu.memory_space<semaphore_mem>>) src(%dma_wait3A_671 : memref<1000000x64xf32, #tpu.memory_space<hbm>>) dst(%dma_wait3A_665 : memref<128x64xf32, #tpu.memory_space<vmem>>)
      %dma_wait3A_672 = arith.constant 0 : i32
      %dma_wait3A_673 = arith.constant 0 : i32
      %dma_wait3A_674 = arith.constant 384 : i32
      %dma_wait3A_675 = arith.constant 0 : i32
      %dma_wait3A_676 = tpu.memref_slice %arg8[%dma_wait3A_673, %dma_wait3A_674, %dma_wait3A_675] : memref<2x512x64xf32, #tpu.memory_space<vmem>> -> memref<1x128x64xf32, #tpu.memory_space<vmem>>
      %dma_wait3A_677 = tpu.memref_squeeze %dma_wait3A_676 : memref<1x128x64xf32, #tpu.memory_space<vmem>> -> memref<128x64xf32, #tpu.memory_space<vmem>>
      %dma_wait3A_678 = arith.constant 384 : i32
      %dma_wait3A_679 = tpu.memref_slice %arg7[%dma_wait3A_672, %dma_wait3A_678] : memref<2x512xi32, #tpu.memory_space<vmem>> -> memref<1x128xi32, #tpu.memory_space<vmem>>
      %dma_wait3A_680 = tpu.memref_squeeze %dma_wait3A_679 : memref<1x128xi32, #tpu.memory_space<vmem>> -> memref<128xi32, #tpu.memory_space<vmem>>
      %dma_wait3A_681 = arith.constant 0 : i32
      %dma_wait3A_682 = arith.constant 0 : i32
      %dma_wait3A_683 = tpu.memref_slice %arg3[%dma_wait3A_681, %dma_wait3A_682] : memref<1000000x64xf32, #tpu.memory_space<hbm>> -> memref<1000000x64xf32, #tpu.memory_space<hbm>>
      tpu.wait_indirect_dma semaphore(%arg10 : memref<!tpu.dma_semaphore, #tpu.memory_space<semaphore_mem>>) src(%dma_wait3A_683 : memref<1000000x64xf32, #tpu.memory_space<hbm>>) dst(%dma_wait3A_677 : memref<128x64xf32, #tpu.memory_space<vmem>>)
      %mul3A_684 = arith.constant 512 : i32
      %mul3A_685 = arith.muli %add3A_564, %mul3A_684 : i32
      %rem3A_686 = arith.constant 200 : i32
      %rem3A_687 = arith.remsi %mul3A_685, %rem3A_686 : i32
      %parallel_loop3A_688 = arith.constant 0 : i32
      %parallel_loop3A_689 = arith.constant 512 : i32
      %parallel_loop3A_690 = arith.constant 1 : i32
      scf.for %parallel_loop3A_857 = %parallel_loop3A_688 to %parallel_loop3A_689 step %parallel_loop3A_690  : i32 {
        %parallel_loop3A_858 = arith.addi %rem3A_687, %parallel_loop3A_857 : i32
        %parallel_loop3A_859 = arith.index_cast %parallel_loop3A_858 : i32 to index
        %parallel_loop3A_860 = arith.constant 0 : index
        %parallel_loop3A_861 = tpu.vector_load %arg9[%parallel_loop3A_859, %parallel_loop3A_860] {strides = array<i32>} : memref<800x64xf32, #tpu.memory_space<vmem>>, vector<1x16xf32>,
        %parallel_loop3A_862 = vector.shape_cast %parallel_loop3A_861 : vector<1x16xf32> to vector<16xf32>
        %parallel_loop3A_863 = arith.constant 0 : i32
        %parallel_loop3A_864 = arith.index_cast %parallel_loop3A_863 : i32 to index
        %parallel_loop3A_865 = arith.index_cast %parallel_loop3A_857 : i32 to index
        %parallel_loop3A_866 = arith.constant 0 : index
        %parallel_loop3A_867 = tpu.vector_load %arg8[%parallel_loop3A_864, %parallel_loop3A_865, %parallel_loop3A_866] {strides = array<i32>} : memref<2x512x64xf32, #tpu.memory_space<vmem>>, vector<1x1x16xf32>,
        %parallel_loop3A_868 = vector.shape_cast %parallel_loop3A_867 : vector<1x1x16xf32> to vector<16xf32>
        %parallel_loop3A_869 = vector.shape_cast %parallel_loop3A_862 : vector<16xf32> to vector<1x1x16xf32>
        tpu.vector_store %arg8[%parallel_loop3A_864, %parallel_loop3A_865, %parallel_loop3A_866], %parallel_loop3A_869 {add = true, strides = array<i32>} : memref<2x512x64xf32, #tpu.memory_space<vmem>>, vector<1x1x16xf32>,
        %parallel_loop3A_870 = arith.addi %rem3A_687, %parallel_loop3A_857 : i32
        %parallel_loop3A_871 = arith.index_cast %parallel_loop3A_870 : i32 to index
        %parallel_loop3A_872 = arith.constant 16 : index
        %parallel_loop3A_873 = tpu.vector_load %arg9[%parallel_loop3A_871, %parallel_loop3A_872] {strides = array<i32>} : memref<800x64xf32, #tpu.memory_space<vmem>>, vector<1x16xf32>,
        %parallel_loop3A_874 = vector.shape_cast %parallel_loop3A_873 : vector<1x16xf32> to vector<16xf32>
        %parallel_loop3A_875 = arith.constant 0 : i32
        %parallel_loop3A_876 = arith.index_cast %parallel_loop3A_875 : i32 to index
        %parallel_loop3A_877 = arith.index_cast %parallel_loop3A_857 : i32 to index
        %parallel_loop3A_878 = arith.constant 16 : index
        %parallel_loop3A_879 = tpu.vector_load %arg8[%parallel_loop3A_876, %parallel_loop3A_877, %parallel_loop3A_878] {strides = array<i32>} : memref<2x512x64xf32, #tpu.memory_space<vmem>>, vector<1x1x16xf32>,
        %parallel_loop3A_880 = vector.shape_cast %parallel_loop3A_879 : vector<1x1x16xf32> to vector<16xf32>
        %parallel_loop3A_881 = vector.shape_cast %parallel_loop3A_874 : vector<16xf32> to vector<1x1x16xf32>
        tpu.vector_store %arg8[%parallel_loop3A_876, %parallel_loop3A_877, %parallel_loop3A_878], %parallel_loop3A_881 {add = true, strides = array<i32>} : memref<2x512x64xf32, #tpu.memory_space<vmem>>, vector<1x1x16xf32>,
        %parallel_loop3A_882 = arith.addi %rem3A_687, %parallel_loop3A_857 : i32
        %parallel_loop3A_883 = arith.index_cast %parallel_loop3A_882 : i32 to index
        %parallel_loop3A_884 = arith.constant 32 : index
        %parallel_loop3A_885 = tpu.vector_load %arg9[%parallel_loop3A_883, %parallel_loop3A_884] {strides = array<i32>} : memref<800x64xf32, #tpu.memory_space<vmem>>, vector<1x16xf32>,
        %parallel_loop3A_886 = vector.shape_cast %parallel_loop3A_885 : vector<1x16xf32> to vector<16xf32>
        %parallel_loop3A_887 = arith.constant 0 : i32
        %parallel_loop3A_888 = arith.index_cast %parallel_loop3A_887 : i32 to index
        %parallel_loop3A_889 = arith.index_cast %parallel_loop3A_857 : i32 to index
        %parallel_loop3A_890 = arith.constant 32 : index
        %parallel_loop3A_891 = tpu.vector_load %arg8[%parallel_loop3A_888, %parallel_loop3A_889, %parallel_loop3A_890] {strides = array<i32>} : memref<2x512x64xf32, #tpu.memory_space<vmem>>, vector<1x1x16xf32>,
        %parallel_loop3A_892 = vector.shape_cast %parallel_loop3A_891 : vector<1x1x16xf32> to vector<16xf32>
        %parallel_loop3A_893 = vector.shape_cast %parallel_loop3A_886 : vector<16xf32> to vector<1x1x16xf32>
        tpu.vector_store %arg8[%parallel_loop3A_888, %parallel_loop3A_889, %parallel_loop3A_890], %parallel_loop3A_893 {add = true, strides = array<i32>} : memref<2x512x64xf32, #tpu.memory_space<vmem>>, vector<1x1x16xf32>,
        %parallel_loop3A_894 = arith.addi %rem3A_687, %parallel_loop3A_857 : i32
        %parallel_loop3A_895 = arith.index_cast %parallel_loop3A_894 : i32 to index
        %parallel_loop3A_896 = arith.constant 48 : index
        %parallel_loop3A_897 = tpu.vector_load %arg9[%parallel_loop3A_895, %parallel_loop3A_896] {strides = array<i32>} : memref<800x64xf32, #tpu.memory_space<vmem>>, vector<1x16xf32>,
        %parallel_loop3A_898 = vector.shape_cast %parallel_loop3A_897 : vector<1x16xf32> to vector<16xf32>
        %parallel_loop3A_899 = arith.constant 0 : i32
        %parallel_loop3A_900 = arith.index_cast %parallel_loop3A_899 : i32 to index
        %parallel_loop3A_901 = arith.index_cast %parallel_loop3A_857 : i32 to index
        %parallel_loop3A_902 = arith.constant 48 : index
        %parallel_loop3A_903 = tpu.vector_load %arg8[%parallel_loop3A_900, %parallel_loop3A_901, %parallel_loop3A_902] {strides = array<i32>} : memref<2x512x64xf32, #tpu.memory_space<vmem>>, vector<1x1x16xf32>,
        %parallel_loop3A_904 = vector.shape_cast %parallel_loop3A_903 : vector<1x1x16xf32> to vector<16xf32>
        %parallel_loop3A_905 = vector.shape_cast %parallel_loop3A_898 : vector<16xf32> to vector<1x1x16xf32>
        tpu.vector_store %arg8[%parallel_loop3A_900, %parallel_loop3A_901, %parallel_loop3A_902], %parallel_loop3A_905 {add = true, strides = array<i32>} : memref<2x512x64xf32, #tpu.memory_space<vmem>>, vector<1x1x16xf32>,
      } {sc.loop_unroll_factor = 8 : i64, sc.parallel_access}
      %mul3A_691 = arith.constant 25600 : i32
      %mul3A_692 = arith.muli %add3A, %mul3A_691 : i32
      %mul3A_693 = arith.constant 512 : i32
      %mul3A_694 = arith.muli %add3A_564, %mul3A_693 : i32
      %add3A_695 = arith.addi %mul3A_692, %mul3A_694 : i32
      %dma_start3A_696 = arith.constant 0 : i32
      %dma_start3A_697 = arith.constant 0 : i32
      %dma_start3A_698 = arith.constant 0 : i32
      %dma_start3A_699 = tpu.memref_slice %arg8[%dma_start3A_696, %dma_start3A_697, %dma_start3A_698] : memref<2x512x64xf32, #tpu.memory_space<vmem>> -> memref<1x512x64xf32, #tpu.memory_space<vmem>>
      %dma_start3A_700 = tpu.memref_squeeze %dma_start3A_699 : memref<1x512x64xf32, #tpu.memory_space<vmem>> -> memref<512x64xf32, #tpu.memory_space<vmem>>
      %dma_start3A_701 = arith.constant 0 : i32
      %dma_start3A_702 = tpu.memref_slice %arg6[%add3A_695, %dma_start3A_701] : memref<819200x64xf32, #tpu.memory_space<hbm>> -> memref<512x64xf32, #tpu.memory_space<hbm>>
      %dma_start3A_703 = arith.constant 0 : i32
      %dma_start3A_704 = tpu.memref_slice %arg6[%add3A_695, %dma_start3A_703] : memref<819200x64xf32, #tpu.memory_space<hbm>> -> memref<512x64xf32, #tpu.memory_space<hbm>>
      %dma_start3A_705 = arith.constant 0 : i32
      %dma_start3A_706 = arith.constant 0 : i32
      %dma_start3A_707 = tpu.memref_slice %arg8[%dma_start3A_696, %dma_start3A_705, %dma_start3A_706] : memref<2x512x64xf32, #tpu.memory_space<vmem>> -> memref<1x512x64xf32, #tpu.memory_space<vmem>>
      %dma_start3A_708 = tpu.memref_squeeze %dma_start3A_707 : memref<1x512x64xf32, #tpu.memory_space<vmem>> -> memref<512x64xf32, #tpu.memory_space<vmem>>
      tpu.enqueue_dma source(%dma_start3A_708 : memref<512x64xf32, #tpu.memory_space<vmem>>) target(%dma_start3A_704 : memref<512x64xf32, #tpu.memory_space<hbm>>) target_semaphore(%arg12 : memref<!tpu.dma_semaphore, #tpu.memory_space<semaphore_mem>>)
      %mul3A_709 = arith.constant 2 : i32
      %mul3A_710 = arith.muli %add3A_560, %mul3A_709 : i32
      %add3A_711 = arith.constant 1 : i32
      %add3A_712 = arith.addi %mul3A_710, %add3A_711 : i32
      %add3A_713 = arith.constant 1 : i32
      %add3A_714 = arith.addi %add3A_712, %add3A_713 : i32
      %mul3A_715 = arith.constant 25600 : i32
      %mul3A_716 = arith.muli %add3A, %mul3A_715 : i32
      %mul3A_717 = arith.constant 512 : i32
      %mul3A_718 = arith.muli %add3A_714, %mul3A_717 : i32
      %add3A_719 = arith.addi %mul3A_716, %mul3A_718 : i32
      %run_scoped3A_720 = arith.constant 0 : i32
      "tpu.region"() ({
        %run_scoped3A_857 = tpu.sem_alloc : memref<!tpu.dma_semaphore, #tpu.memory_space<semaphore_mem>>
        %dma_start3A_858 = arith.constant 0 : i32
        %dma_start3A_859 = tpu.memref_slice %arg7[%run_scoped3A_720, %dma_start3A_858] : memref<2x512xi32, #tpu.memory_space<vmem>> -> memref<1x512xi32, #tpu.memory_space<vmem>>
        %dma_start3A_860 = tpu.memref_squeeze %dma_start3A_859 : memref<1x512xi32, #tpu.memory_space<vmem>> -> memref<512xi32, #tpu.memory_space<vmem>>
        %dma_start3A_861 = tpu.memref_slice %arg2[%add3A_719] : memref<819200xi32, #tpu.memory_space<hbm>> -> memref<512xi32, #tpu.memory_space<hbm>>
        %dma_start3A_862 = arith.constant 0 : i32
        %dma_start3A_863 = tpu.memref_slice %arg7[%run_scoped3A_720, %dma_start3A_862] : memref<2x512xi32, #tpu.memory_space<vmem>> -> memref<1x512xi32, #tpu.memory_space<vmem>>
        %dma_start3A_864 = tpu.memref_squeeze %dma_start3A_863 : memref<1x512xi32, #tpu.memory_space<vmem>> -> memref<512xi32, #tpu.memory_space<vmem>>
        %dma_start3A_865 = tpu.memref_slice %arg2[%add3A_719] : memref<819200xi32, #tpu.memory_space<hbm>> -> memref<512xi32, #tpu.memory_space<hbm>>
        tpu.enqueue_dma source(%dma_start3A_865 : memref<512xi32, #tpu.memory_space<hbm>>) target(%dma_start3A_864 : memref<512xi32, #tpu.memory_space<vmem>>) target_semaphore(%run_scoped3A_857 : memref<!tpu.dma_semaphore, #tpu.memory_space<semaphore_mem>>)
        %dma_wait3A_866 = arith.constant 0 : i32
        %dma_wait3A_867 = tpu.memref_slice %arg7[%run_scoped3A_720, %dma_wait3A_866] : memref<2x512xi32, #tpu.memory_space<vmem>> -> memref<1x512xi32, #tpu.memory_space<vmem>>
        %dma_wait3A_868 = tpu.memref_squeeze %dma_wait3A_867 : memref<1x512xi32, #tpu.memory_space<vmem>> -> memref<512xi32, #tpu.memory_space<vmem>>
        %dma_wait3A_869 = tpu.memref_slice %arg2[%add3A_719] : memref<819200xi32, #tpu.memory_space<hbm>> -> memref<512xi32, #tpu.memory_space<hbm>>
        %dma_wait3A_870 = arith.constant 0 : i32
        %dma_wait3A_871 = tpu.memref_slice %arg7[%run_scoped3A_720, %dma_wait3A_870] : memref<2x512xi32, #tpu.memory_space<vmem>> -> memref<1x512xi32, #tpu.memory_space<vmem>>
        %dma_wait3A_872 = tpu.memref_squeeze %dma_wait3A_871 : memref<1x512xi32, #tpu.memory_space<vmem>> -> memref<512xi32, #tpu.memory_space<vmem>>
        %dma_wait3A_873 = tpu.memref_slice %arg2[%add3A_719] : memref<819200xi32, #tpu.memory_space<hbm>> -> memref<512xi32, #tpu.memory_space<hbm>>
        tpu.wait_dma2 semaphore(%run_scoped3A_857 : memref<!tpu.dma_semaphore, #tpu.memory_space<semaphore_mem>>) src(%dma_wait3A_873 : memref<512xi32, #tpu.memory_space<hbm>>) dst(%dma_wait3A_872 : memref<512xi32, #tpu.memory_space<vmem>>)
        tpu.yield
      }) : () -> ()
      %dma_wait3A_721 = arith.constant 0 : i32
      %dma_wait3A_722 = arith.constant 0 : i32
      %dma_wait3A_723 = arith.constant 0 : i32
      %dma_wait3A_724 = tpu.memref_slice %arg8[%dma_wait3A_721, %dma_wait3A_722, %dma_wait3A_723] : memref<2x512x64xf32, #tpu.memory_space<vmem>> -> memref<1x512x64xf32, #tpu.memory_space<vmem>>
      %dma_wait3A_725 = tpu.memref_squeeze %dma_wait3A_724 : memref<1x512x64xf32, #tpu.memory_space<vmem>> -> memref<512x64xf32, #tpu.memory_space<vmem>>
      %dma_wait3A_726 = arith.constant 0 : i32
      %dma_wait3A_727 = arith.constant 0 : i32
      %dma_wait3A_728 = tpu.memref_slice %arg6[%dma_wait3A_726, %dma_wait3A_727] : memref<819200x64xf32, #tpu.memory_space<hbm>> -> memref<512x64xf32, #tpu.memory_space<hbm>>
      %dma_wait3A_729 = arith.constant 0 : i32
      %dma_wait3A_730 = arith.constant 0 : i32
      %dma_wait3A_731 = tpu.memref_slice %arg6[%dma_wait3A_729, %dma_wait3A_730] : memref<819200x64xf32, #tpu.memory_space<hbm>> -> memref<512x64xf32, #tpu.memory_space<hbm>>
      %dma_wait3A_732 = arith.constant 0 : i32
      %dma_wait3A_733 = arith.constant 0 : i32
      %dma_wait3A_734 = tpu.memref_slice %arg8[%dma_wait3A_721, %dma_wait3A_732, %dma_wait3A_733] : memref<2x512x64xf32, #tpu.memory_space<vmem>> -> memref<1x512x64xf32, #tpu.memory_space<vmem>>
      %dma_wait3A_735 = tpu.memref_squeeze %dma_wait3A_734 : memref<1x512x64xf32, #tpu.memory_space<vmem>> -> memref<512x64xf32, #tpu.memory_space<vmem>>
      tpu.wait_dma2 semaphore(%arg12 : memref<!tpu.dma_semaphore, #tpu.memory_space<semaphore_mem>>) src(%dma_wait3A_735 : memref<512x64xf32, #tpu.memory_space<vmem>>) dst(%dma_wait3A_731 : memref<512x64xf32, #tpu.memory_space<hbm>>)
      %dma_start3A_736 = arith.constant 0 : i32
      %dma_start3A_737 = arith.constant 0 : i32
      %dma_start3A_738 = arith.constant 0 : i32
      %dma_start3A_739 = arith.constant 0 : i32
      %dma_start3A_740 = tpu.memref_slice %arg8[%dma_start3A_737, %dma_start3A_738, %dma_start3A_739] : memref<2x512x64xf32, #tpu.memory_space<vmem>> -> memref<1x128x64xf32, #tpu.memory_space<vmem>>
      %dma_start3A_741 = tpu.memref_squeeze %dma_start3A_740 : memref<1x128x64xf32, #tpu.memory_space<vmem>> -> memref<128x64xf32, #tpu.memory_space<vmem>>
      %dma_start3A_742 = arith.constant 0 : i32
      %dma_start3A_743 = tpu.memref_slice %arg7[%dma_start3A_736, %dma_start3A_742] : memref<2x512xi32, #tpu.memory_space<vmem>> -> memref<1x128xi32, #tpu.memory_space<vmem>>
      %dma_start3A_744 = tpu.memref_squeeze %dma_start3A_743 : memref<1x128xi32, #tpu.memory_space<vmem>> -> memref<128xi32, #tpu.memory_space<vmem>>
      %dma_start3A_745 = arith.constant 0 : i32
      %dma_start3A_746 = arith.constant 0 : i32
      %dma_start3A_747 = tpu.memref_slice %arg3[%dma_start3A_745, %dma_start3A_746] : memref<1000000x64xf32, #tpu.memory_space<hbm>> -> memref<1000000x64xf32, #tpu.memory_space<hbm>>
      tpu.enqueue_indirect_dma source(%dma_start3A_747 : memref<1000000x64xf32, #tpu.memory_space<hbm>>) target(%dma_start3A_741 : memref<128x64xf32, #tpu.memory_space<vmem>>) offsets(%dma_start3A_744 : memref<128xi32, #tpu.memory_space<vmem>>) semaphore(%arg10 : memref<!tpu.dma_semaphore, #tpu.memory_space<semaphore_mem>>)
      %dma_start3A_748 = arith.constant 0 : i32
      %dma_start3A_749 = arith.constant 0 : i32
      %dma_start3A_750 = arith.constant 128 : i32
      %dma_start3A_751 = arith.constant 0 : i32
      %dma_start3A_752 = tpu.memref_slice %arg8[%dma_start3A_749, %dma_start3A_750, %dma_start3A_751] : memref<2x512x64xf32, #tpu.memory_space<vmem>> -> memref<1x128x64xf32, #tpu.memory_space<vmem>>
      %dma_start3A_753 = tpu.memref_squeeze %dma_start3A_752 : memref<1x128x64xf32, #tpu.memory_space<vmem>> -> memref<128x64xf32, #tpu.memory_space<vmem>>
      %dma_start3A_754 = arith.constant 128 : i32
      %dma_start3A_755 = tpu.memref_slice %arg7[%dma_start3A_748, %dma_start3A_754] : memref<2x512xi32, #tpu.memory_space<vmem>> -> memref<1x128xi32, #tpu.memory_space<vmem>>
      %dma_start3A_756 = tpu.memref_squeeze %dma_start3A_755 : memref<1x128xi32, #tpu.memory_space<vmem>> -> memref<128xi32, #tpu.memory_space<vmem>>
      %dma_start3A_757 = arith.constant 0 : i32
      %dma_start3A_758 = arith.constant 0 : i32
      %dma_start3A_759 = tpu.memref_slice %arg3[%dma_start3A_757, %dma_start3A_758] : memref<1000000x64xf32, #tpu.memory_space<hbm>> -> memref<1000000x64xf32, #tpu.memory_space<hbm>>
      tpu.enqueue_indirect_dma source(%dma_start3A_759 : memref<1000000x64xf32, #tpu.memory_space<hbm>>) target(%dma_start3A_753 : memref<128x64xf32, #tpu.memory_space<vmem>>) offsets(%dma_start3A_756 : memref<128xi32, #tpu.memory_space<vmem>>) semaphore(%arg10 : memref<!tpu.dma_semaphore, #tpu.memory_space<semaphore_mem>>)
      %dma_start3A_760 = arith.constant 0 : i32
      %dma_start3A_761 = arith.constant 0 : i32
      %dma_start3A_762 = arith.constant 256 : i32
      %dma_start3A_763 = arith.constant 0 : i32
      %dma_start3A_764 = tpu.memref_slice %arg8[%dma_start3A_761, %dma_start3A_762, %dma_start3A_763] : memref<2x512x64xf32, #tpu.memory_space<vmem>> -> memref<1x128x64xf32, #tpu.memory_space<vmem>>
      %dma_start3A_765 = tpu.memref_squeeze %dma_start3A_764 : memref<1x128x64xf32, #tpu.memory_space<vmem>> -> memref<128x64xf32, #tpu.memory_space<vmem>>
      %dma_start3A_766 = arith.constant 256 : i32
      %dma_start3A_767 = tpu.memref_slice %arg7[%dma_start3A_760, %dma_start3A_766] : memref<2x512xi32, #tpu.memory_space<vmem>> -> memref<1x128xi32, #tpu.memory_space<vmem>>
      %dma_start3A_768 = tpu.memref_squeeze %dma_start3A_767 : memref<1x128xi32, #tpu.memory_space<vmem>> -> memref<128xi32, #tpu.memory_space<vmem>>
      %dma_start3A_769 = arith.constant 0 : i32
      %dma_start3A_770 = arith.constant 0 : i32
      %dma_start3A_771 = tpu.memref_slice %arg3[%dma_start3A_769, %dma_start3A_770] : memref<1000000x64xf32, #tpu.memory_space<hbm>> -> memref<1000000x64xf32, #tpu.memory_space<hbm>>
      tpu.enqueue_indirect_dma source(%dma_start3A_771 : memref<1000000x64xf32, #tpu.memory_space<hbm>>) target(%dma_start3A_765 : memref<128x64xf32, #tpu.memory_space<vmem>>) offsets(%dma_start3A_768 : memref<128xi32, #tpu.memory_space<vmem>>) semaphore(%arg10 : memref<!tpu.dma_semaphore, #tpu.memory_space<semaphore_mem>>)
      %dma_start3A_772 = arith.constant 0 : i32
      %dma_start3A_773 = arith.constant 0 : i32
      %dma_start3A_774 = arith.constant 384 : i32
      %dma_start3A_775 = arith.constant 0 : i32
      %dma_start3A_776 = tpu.memref_slice %arg8[%dma_start3A_773, %dma_start3A_774, %dma_start3A_775] : memref<2x512x64xf32, #tpu.memory_space<vmem>> -> memref<1x128x64xf32, #tpu.memory_space<vmem>>
      %dma_start3A_777 = tpu.memref_squeeze %dma_start3A_776 : memref<1x128x64xf32, #tpu.memory_space<vmem>> -> memref<128x64xf32, #tpu.memory_space<vmem>>
      %dma_start3A_778 = arith.constant 384 : i32
      %dma_start3A_779 = tpu.memref_slice %arg7[%dma_start3A_772, %dma_start3A_778] : memref<2x512xi32, #tpu.memory_space<vmem>> -> memref<1x128xi32, #tpu.memory_space<vmem>>
      %dma_start3A_780 = tpu.memref_squeeze %dma_start3A_779 : memref<1x128xi32, #tpu.memory_space<vmem>> -> memref<128xi32, #tpu.memory_space<vmem>>
      %dma_start3A_781 = arith.constant 0 : i32
      %dma_start3A_782 = arith.constant 0 : i32
      %dma_start3A_783 = tpu.memref_slice %arg3[%dma_start3A_781, %dma_start3A_782] : memref<1000000x64xf32, #tpu.memory_space<hbm>> -> memref<1000000x64xf32, #tpu.memory_space<hbm>>
      tpu.enqueue_indirect_dma source(%dma_start3A_783 : memref<1000000x64xf32, #tpu.memory_space<hbm>>) target(%dma_start3A_777 : memref<128x64xf32, #tpu.memory_space<vmem>>) offsets(%dma_start3A_780 : memref<128xi32, #tpu.memory_space<vmem>>) semaphore(%arg10 : memref<!tpu.dma_semaphore, #tpu.memory_space<semaphore_mem>>)
      %dma_wait3A_784 = arith.constant 1 : i32
      %dma_wait3A_785 = arith.constant 1 : i32
      %dma_wait3A_786 = arith.constant 0 : i32
      %dma_wait3A_787 = arith.constant 0 : i32
      %dma_wait3A_788 = tpu.memref_slice %arg8[%dma_wait3A_785, %dma_wait3A_786, %dma_wait3A_787] : memref<2x512x64xf32, #tpu.memory_space<vmem>> -> memref<1x128x64xf32, #tpu.memory_space<vmem>>
      %dma_wait3A_789 = tpu.memref_squeeze %dma_wait3A_788 : memref<1x128x64xf32, #tpu.memory_space<vmem>> -> memref<128x64xf32, #tpu.memory_space<vmem>>
      %dma_wait3A_790 = arith.constant 0 : i32
      %dma_wait3A_791 = tpu.memref_slice %arg7[%dma_wait3A_784, %dma_wait3A_790] : memref<2x512xi32, #tpu.memory_space<vmem>> -> memref<1x128xi32, #tpu.memory_space<vmem>>
      %dma_wait3A_792 = tpu.memref_squeeze %dma_wait3A_791 : memref<1x128xi32, #tpu.memory_space<vmem>> -> memref<128xi32, #tpu.memory_space<vmem>>
      %dma_wait3A_793 = arith.constant 0 : i32
      %dma_wait3A_794 = arith.constant 0 : i32
      %dma_wait3A_795 = tpu.memref_slice %arg3[%dma_wait3A_793, %dma_wait3A_794] : memref<1000000x64xf32, #tpu.memory_space<hbm>> -> memref<1000000x64xf32, #tpu.memory_space<hbm>>
      tpu.wait_indirect_dma semaphore(%arg11 : memref<!tpu.dma_semaphore, #tpu.memory_space<semaphore_mem>>) src(%dma_wait3A_795 : memref<1000000x64xf32, #tpu.memory_space<hbm>>) dst(%dma_wait3A_789 : memref<128x64xf32, #tpu.memory_space<vmem>>)
      %dma_wait3A_796 = arith.constant 1 : i32
      %dma_wait3A_797 = arith.constant 1 : i32
      %dma_wait3A_798 = arith.constant 128 : i32
      %dma_wait3A_799 = arith.constant 0 : i32
      %dma_wait3A_800 = tpu.memref_slice %arg8[%dma_wait3A_797, %dma_wait3A_798, %dma_wait3A_799] : memref<2x512x64xf32, #tpu.memory_space<vmem>> -> memref<1x128x64xf32, #tpu.memory_space<vmem>>
      %dma_wait3A_801 = tpu.memref_squeeze %dma_wait3A_800 : memref<1x128x64xf32, #tpu.memory_space<vmem>> -> memref<128x64xf32, #tpu.memory_space<vmem>>
      %dma_wait3A_802 = arith.constant 128 : i32
      %dma_wait3A_803 = tpu.memref_slice %arg7[%dma_wait3A_796, %dma_wait3A_802] : memref<2x512xi32, #tpu.memory_space<vmem>> -> memref<1x128xi32, #tpu.memory_space<vmem>>
      %dma_wait3A_804 = tpu.memref_squeeze %dma_wait3A_803 : memref<1x128xi32, #tpu.memory_space<vmem>> -> memref<128xi32, #tpu.memory_space<vmem>>
      %dma_wait3A_805 = arith.constant 0 : i32
      %dma_wait3A_806 = arith.constant 0 : i32
      %dma_wait3A_807 = tpu.memref_slice %arg3[%dma_wait3A_805, %dma_wait3A_806] : memref<1000000x64xf32, #tpu.memory_space<hbm>> -> memref<1000000x64xf32, #tpu.memory_space<hbm>>
      tpu.wait_indirect_dma semaphore(%arg11 : memref<!tpu.dma_semaphore, #tpu.memory_space<semaphore_mem>>) src(%dma_wait3A_807 : memref<1000000x64xf32, #tpu.memory_space<hbm>>) dst(%dma_wait3A_801 : memref<128x64xf32, #tpu.memory_space<vmem>>)
      %dma_wait3A_808 = arith.constant 1 : i32
      %dma_wait3A_809 = arith.constant 1 : i32
      %dma_wait3A_810 = arith.constant 256 : i32
      %dma_wait3A_811 = arith.constant 0 : i32
      %dma_wait3A_812 = tpu.memref_slice %arg8[%dma_wait3A_809, %dma_wait3A_810, %dma_wait3A_811] : memref<2x512x64xf32, #tpu.memory_space<vmem>> -> memref<1x128x64xf32, #tpu.memory_space<vmem>>
      %dma_wait3A_813 = tpu.memref_squeeze %dma_wait3A_812 : memref<1x128x64xf32, #tpu.memory_space<vmem>> -> memref<128x64xf32, #tpu.memory_space<vmem>>
      %dma_wait3A_814 = arith.constant 256 : i32
      %dma_wait3A_815 = tpu.memref_slice %arg7[%dma_wait3A_808, %dma_wait3A_814] : memref<2x512xi32, #tpu.memory_space<vmem>> -> memref<1x128xi32, #tpu.memory_space<vmem>>
      %dma_wait3A_816 = tpu.memref_squeeze %dma_wait3A_815 : memref<1x128xi32, #tpu.memory_space<vmem>> -> memref<128xi32, #tpu.memory_space<vmem>>
      %dma_wait3A_817 = arith.constant 0 : i32
      %dma_wait3A_818 = arith.constant 0 : i32
      %dma_wait3A_819 = tpu.memref_slice %arg3[%dma_wait3A_817, %dma_wait3A_818] : memref<1000000x64xf32, #tpu.memory_space<hbm>> -> memref<1000000x64xf32, #tpu.memory_space<hbm>>
      tpu.wait_indirect_dma semaphore(%arg11 : memref<!tpu.dma_semaphore, #tpu.memory_space<semaphore_mem>>) src(%dma_wait3A_819 : memref<1000000x64xf32, #tpu.memory_space<hbm>>) dst(%dma_wait3A_813 : memref<128x64xf32, #tpu.memory_space<vmem>>)
      %dma_wait3A_820 = arith.constant 1 : i32
      %dma_wait3A_821 = arith.constant 1 : i32
      %dma_wait3A_822 = arith.constant 384 : i32
      %dma_wait3A_823 = arith.constant 0 : i32
      %dma_wait3A_824 = tpu.memref_slice %arg8[%dma_wait3A_821, %dma_wait3A_822, %dma_wait3A_823] : memref<2x512x64xf32, #tpu.memory_space<vmem>> -> memref<1x128x64xf32, #tpu.memory_space<vmem>>
      %dma_wait3A_825 = tpu.memref_squeeze %dma_wait3A_824 : memref<1x128x64xf32, #tpu.memory_space<vmem>> -> memref<128x64xf32, #tpu.memory_space<vmem>>
      %dma_wait3A_826 = arith.constant 384 : i32
      %dma_wait3A_827 = tpu.memref_slice %arg7[%dma_wait3A_820, %dma_wait3A_826] : memref<2x512xi32, #tpu.memory_space<vmem>> -> memref<1x128xi32, #tpu.memory_space<vmem>>
      %dma_wait3A_828 = tpu.memref_squeeze %dma_wait3A_827 : memref<1x128xi32, #tpu.memory_space<vmem>> -> memref<128xi32, #tpu.memory_space<vmem>>
      %dma_wait3A_829 = arith.constant 0 : i32
      %dma_wait3A_830 = arith.constant 0 : i32
      %dma_wait3A_831 = tpu.memref_slice %arg3[%dma_wait3A_829, %dma_wait3A_830] : memref<1000000x64xf32, #tpu.memory_space<hbm>> -> memref<1000000x64xf32, #tpu.memory_space<hbm>>
      tpu.wait_indirect_dma semaphore(%arg11 : memref<!tpu.dma_semaphore, #tpu.memory_space<semaphore_mem>>) src(%dma_wait3A_831 : memref<1000000x64xf32, #tpu.memory_space<hbm>>) dst(%dma_wait3A_825 : memref<128x64xf32, #tpu.memory_space<vmem>>)
      %mul3A_832 = arith.constant 512 : i32
      %mul3A_833 = arith.muli %add3A_712, %mul3A_832 : i32
      %rem3A_834 = arith.constant 200 : i32
      %rem3A_835 = arith.remsi %mul3A_833, %rem3A_834 : i32
      %parallel_loop3A_836 = arith.constant 0 : i32
      %parallel_loop3A_837 = arith.constant 512 : i32
      %parallel_loop3A_838 = arith.constant 1 : i32
      scf.for %parallel_loop3A_857 = %parallel_loop3A_836 to %parallel_loop3A_837 step %parallel_loop3A_838  : i32 {
        %parallel_loop3A_858 = arith.addi %rem3A_835, %parallel_loop3A_857 : i32
        %parallel_loop3A_859 = arith.index_cast %parallel_loop3A_858 : i32 to index
        %parallel_loop3A_860 = arith.constant 0 : index
        %parallel_loop3A_861 = tpu.vector_load %arg9[%parallel_loop3A_859, %parallel_loop3A_860] {strides = array<i32>} : memref<800x64xf32, #tpu.memory_space<vmem>>, vector<1x16xf32>,
        %parallel_loop3A_862 = vector.shape_cast %parallel_loop3A_861 : vector<1x16xf32> to vector<16xf32>
        %parallel_loop3A_863 = arith.constant 1 : i32
        %parallel_loop3A_864 = arith.index_cast %parallel_loop3A_863 : i32 to index
        %parallel_loop3A_865 = arith.index_cast %parallel_loop3A_857 : i32 to index
        %parallel_loop3A_866 = arith.constant 0 : index
        %parallel_loop3A_867 = tpu.vector_load %arg8[%parallel_loop3A_864, %parallel_loop3A_865, %parallel_loop3A_866] {strides = array<i32>} : memref<2x512x64xf32, #tpu.memory_space<vmem>>, vector<1x1x16xf32>,
        %parallel_loop3A_868 = vector.shape_cast %parallel_loop3A_867 : vector<1x1x16xf32> to vector<16xf32>
        %parallel_loop3A_869 = vector.shape_cast %parallel_loop3A_862 : vector<16xf32> to vector<1x1x16xf32>
        tpu.vector_store %arg8[%parallel_loop3A_864, %parallel_loop3A_865, %parallel_loop3A_866], %parallel_loop3A_869 {add = true, strides = array<i32>} : memref<2x512x64xf32, #tpu.memory_space<vmem>>, vector<1x1x16xf32>,
        %parallel_loop3A_870 = arith.addi %rem3A_835, %parallel_loop3A_857 : i32
        %parallel_loop3A_871 = arith.index_cast %parallel_loop3A_870 : i32 to index
        %parallel_loop3A_872 = arith.constant 16 : index
        %parallel_loop3A_873 = tpu.vector_load %arg9[%parallel_loop3A_871, %parallel_loop3A_872] {strides = array<i32>} : memref<800x64xf32, #tpu.memory_space<vmem>>, vector<1x16xf32>,
        %parallel_loop3A_874 = vector.shape_cast %parallel_loop3A_873 : vector<1x16xf32> to vector<16xf32>
        %parallel_loop3A_875 = arith.constant 1 : i32
        %parallel_loop3A_876 = arith.index_cast %parallel_loop3A_875 : i32 to index
        %parallel_loop3A_877 = arith.index_cast %parallel_loop3A_857 : i32 to index
        %parallel_loop3A_878 = arith.constant 16 : index
        %parallel_loop3A_879 = tpu.vector_load %arg8[%parallel_loop3A_876, %parallel_loop3A_877, %parallel_loop3A_878] {strides = array<i32>} : memref<2x512x64xf32, #tpu.memory_space<vmem>>, vector<1x1x16xf32>,
        %parallel_loop3A_880 = vector.shape_cast %parallel_loop3A_879 : vector<1x1x16xf32> to vector<16xf32>
        %parallel_loop3A_881 = vector.shape_cast %parallel_loop3A_874 : vector<16xf32> to vector<1x1x16xf32>
        tpu.vector_store %arg8[%parallel_loop3A_876, %parallel_loop3A_877, %parallel_loop3A_878], %parallel_loop3A_881 {add = true, strides = array<i32>} : memref<2x512x64xf32, #tpu.memory_space<vmem>>, vector<1x1x16xf32>,
        %parallel_loop3A_882 = arith.addi %rem3A_835, %parallel_loop3A_857 : i32
        %parallel_loop3A_883 = arith.index_cast %parallel_loop3A_882 : i32 to index
        %parallel_loop3A_884 = arith.constant 32 : index
        %parallel_loop3A_885 = tpu.vector_load %arg9[%parallel_loop3A_883, %parallel_loop3A_884] {strides = array<i32>} : memref<800x64xf32, #tpu.memory_space<vmem>>, vector<1x16xf32>,
        %parallel_loop3A_886 = vector.shape_cast %parallel_loop3A_885 : vector<1x16xf32> to vector<16xf32>
        %parallel_loop3A_887 = arith.constant 1 : i32
        %parallel_loop3A_888 = arith.index_cast %parallel_loop3A_887 : i32 to index
        %parallel_loop3A_889 = arith.index_cast %parallel_loop3A_857 : i32 to index
        %parallel_loop3A_890 = arith.constant 32 : index
        %parallel_loop3A_891 = tpu.vector_load %arg8[%parallel_loop3A_888, %parallel_loop3A_889, %parallel_loop3A_890] {strides = array<i32>} : memref<2x512x64xf32, #tpu.memory_space<vmem>>, vector<1x1x16xf32>,
        %parallel_loop3A_892 = vector.shape_cast %parallel_loop3A_891 : vector<1x1x16xf32> to vector<16xf32>
        %parallel_loop3A_893 = vector.shape_cast %parallel_loop3A_886 : vector<16xf32> to vector<1x1x16xf32>
        tpu.vector_store %arg8[%parallel_loop3A_888, %parallel_loop3A_889, %parallel_loop3A_890], %parallel_loop3A_893 {add = true, strides = array<i32>} : memref<2x512x64xf32, #tpu.memory_space<vmem>>, vector<1x1x16xf32>,
        %parallel_loop3A_894 = arith.addi %rem3A_835, %parallel_loop3A_857 : i32
        %parallel_loop3A_895 = arith.index_cast %parallel_loop3A_894 : i32 to index
        %parallel_loop3A_896 = arith.constant 48 : index
        %parallel_loop3A_897 = tpu.vector_load %arg9[%parallel_loop3A_895, %parallel_loop3A_896] {strides = array<i32>} : memref<800x64xf32, #tpu.memory_space<vmem>>, vector<1x16xf32>,
        %parallel_loop3A_898 = vector.shape_cast %parallel_loop3A_897 : vector<1x16xf32> to vector<16xf32>
        %parallel_loop3A_899 = arith.constant 1 : i32
        %parallel_loop3A_900 = arith.index_cast %parallel_loop3A_899 : i32 to index
        %parallel_loop3A_901 = arith.index_cast %parallel_loop3A_857 : i32 to index
        %parallel_loop3A_902 = arith.constant 48 : index
        %parallel_loop3A_903 = tpu.vector_load %arg8[%parallel_loop3A_900, %parallel_loop3A_901, %parallel_loop3A_902] {strides = array<i32>} : memref<2x512x64xf32, #tpu.memory_space<vmem>>, vector<1x1x16xf32>,
        %parallel_loop3A_904 = vector.shape_cast %parallel_loop3A_903 : vector<1x1x16xf32> to vector<16xf32>
        %parallel_loop3A_905 = vector.shape_cast %parallel_loop3A_898 : vector<16xf32> to vector<1x1x16xf32>
        tpu.vector_store %arg8[%parallel_loop3A_900, %parallel_loop3A_901, %parallel_loop3A_902], %parallel_loop3A_905 {add = true, strides = array<i32>} : memref<2x512x64xf32, #tpu.memory_space<vmem>>, vector<1x1x16xf32>,
      } {sc.loop_unroll_factor = 8 : i64, sc.parallel_access}
      %mul3A_839 = arith.constant 25600 : i32
      %mul3A_840 = arith.muli %add3A, %mul3A_839 : i32
      %mul3A_841 = arith.constant 512 : i32
      %mul3A_842 = arith.muli %add3A_712, %mul3A_841 : i32
      %add3A_843 = arith.addi %mul3A_840, %mul3A_842 : i32
      %dma_start3A_844 = arith.constant 1 : i32
      %dma_start3A_845 = arith.constant 0 : i32
      %dma_start3A_846 = arith.constant 0 : i32
      %dma_start3A_847 = tpu.memref_slice %arg8[%dma_start3A_844, %dma_start3A_845, %dma_start3A_846] : memref<2x512x64xf32, #tpu.memory_space<vmem>> -> memref<1x512x64xf32, #tpu.memory_space<vmem>>
      %dma_start3A_848 = tpu.memref_squeeze %dma_start3A_847 : memref<1x512x64xf32, #tpu.memory_space<vmem>> -> memref<512x64xf32, #tpu.memory_space<vmem>>
      %dma_start3A_849 = arith.constant 0 : i32
      %dma_start3A_850 = tpu.memref_slice %arg6[%add3A_843, %dma_start3A_849] : memref<819200x64xf32, #tpu.memory_space<hbm>> -> memref<512x64xf32, #tpu.memory_space<hbm>>
      %dma_start3A_851 = arith.constant 0 : i32
      %dma_start3A_852 = tpu.memref_slice %arg6[%add3A_843, %dma_start3A_851] : memref<819200x64xf32, #tpu.memory_space<hbm>> -> memref<512x64xf32, #tpu.memory_space<hbm>>
      %dma_start3A_853 = arith.constant 0 : i32
      %dma_start3A_854 = arith.constant 0 : i32
      %dma_start3A_855 = tpu.memref_slice %arg8[%dma_start3A_844, %dma_start3A_853, %dma_start3A_854] : memref<2x512x64xf32, #tpu.memory_space<vmem>> -> memref<1x512x64xf32, #tpu.memory_space<vmem>>
      %dma_start3A_856 = tpu.memref_squeeze %dma_start3A_855 : memref<1x512x64xf32, #tpu.memory_space<vmem>> -> memref<512x64xf32, #tpu.memory_space<vmem>>
      tpu.enqueue_dma source(%dma_start3A_856 : memref<512x64xf32, #tpu.memory_space<vmem>>) target(%dma_start3A_852 : memref<512x64xf32, #tpu.memory_space<hbm>>) target_semaphore(%arg13 : memref<!tpu.dma_semaphore, #tpu.memory_space<semaphore_mem>>)
    }
    %scan3A_315 = arith.constant 23 : i32
    %mul3A_316 = arith.constant 25600 : i32
    %mul3A_317 = arith.muli %add3A, %mul3A_316 : i32
    %add3A_318 = arith.constant 25088 : i32
    %add3A_319 = arith.addi %mul3A_317, %add3A_318 : i32
    %run_scoped3A_320 = arith.constant 1 : i32
    "tpu.region"() ({
      %run_scoped3A_556 = tpu.sem_alloc : memref<!tpu.dma_semaphore, #tpu.memory_space<semaphore_mem>>
      %dma_start3A_557 = arith.constant 0 : i32
      %dma_start3A_558 = tpu.memref_slice %arg7[%run_scoped3A_320, %dma_start3A_557] : memref<2x512xi32, #tpu.memory_space<vmem>> -> memref<1x512xi32, #tpu.memory_space<vmem>>
      %dma_start3A_559 = tpu.memref_squeeze %dma_start3A_558 : memref<1x512xi32, #tpu.memory_space<vmem>> -> memref<512xi32, #tpu.memory_space<vmem>>
      %dma_start3A_560 = tpu.memref_slice %arg2[%add3A_319] : memref<819200xi32, #tpu.memory_space<hbm>> -> memref<512xi32, #tpu.memory_space<hbm>>
      %dma_start3A_561 = arith.constant 0 : i32
      %dma_start3A_562 = tpu.memref_slice %arg7[%run_scoped3A_320, %dma_start3A_561] : memref<2x512xi32, #tpu.memory_space<vmem>> -> memref<1x512xi32, #tpu.memory_space<vmem>>
      %dma_start3A_563 = tpu.memref_squeeze %dma_start3A_562 : memref<1x512xi32, #tpu.memory_space<vmem>> -> memref<512xi32, #tpu.memory_space<vmem>>
      %dma_start3A_564 = tpu.memref_slice %arg2[%add3A_319] : memref<819200xi32, #tpu.memory_space<hbm>> -> memref<512xi32, #tpu.memory_space<hbm>>
      tpu.enqueue_dma source(%dma_start3A_564 : memref<512xi32, #tpu.memory_space<hbm>>) target(%dma_start3A_563 : memref<512xi32, #tpu.memory_space<vmem>>) target_semaphore(%run_scoped3A_556 : memref<!tpu.dma_semaphore, #tpu.memory_space<semaphore_mem>>)
      %dma_wait3A_565 = arith.constant 0 : i32
      %dma_wait3A_566 = tpu.memref_slice %arg7[%run_scoped3A_320, %dma_wait3A_565] : memref<2x512xi32, #tpu.memory_space<vmem>> -> memref<1x512xi32, #tpu.memory_space<vmem>>
      %dma_wait3A_567 = tpu.memref_squeeze %dma_wait3A_566 : memref<1x512xi32, #tpu.memory_space<vmem>> -> memref<512xi32, #tpu.memory_space<vmem>>
      %dma_wait3A_568 = tpu.memref_slice %arg2[%add3A_319] : memref<819200xi32, #tpu.memory_space<hbm>> -> memref<512xi32, #tpu.memory_space<hbm>>
      %dma_wait3A_569 = arith.constant 0 : i32
      %dma_wait3A_570 = tpu.memref_slice %arg7[%run_scoped3A_320, %dma_wait3A_569] : memref<2x512xi32, #tpu.memory_space<vmem>> -> memref<1x512xi32, #tpu.memory_space<vmem>>
      %dma_wait3A_571 = tpu.memref_squeeze %dma_wait3A_570 : memref<1x512xi32, #tpu.memory_space<vmem>> -> memref<512xi32, #tpu.memory_space<vmem>>
      %dma_wait3A_572 = tpu.memref_slice %arg2[%add3A_319] : memref<819200xi32, #tpu.memory_space<hbm>> -> memref<512xi32, #tpu.memory_space<hbm>>
      tpu.wait_dma2 semaphore(%run_scoped3A_556 : memref<!tpu.dma_semaphore, #tpu.memory_space<semaphore_mem>>) src(%dma_wait3A_572 : memref<512xi32, #tpu.memory_space<hbm>>) dst(%dma_wait3A_571 : memref<512xi32, #tpu.memory_space<vmem>>)
      tpu.yield
    }) : () -> ()
    %dma_wait3A_321 = arith.constant 1 : i32
    %dma_wait3A_322 = arith.constant 0 : i32
    %dma_wait3A_323 = arith.constant 0 : i32
    %dma_wait3A_324 = tpu.memref_slice %arg8[%dma_wait3A_321, %dma_wait3A_322, %dma_wait3A_323] : memref<2x512x64xf32, #tpu.memory_space<vmem>> -> memref<1x512x64xf32, #tpu.memory_space<vmem>>
    %dma_wait3A_325 = tpu.memref_squeeze %dma_wait3A_324 : memref<1x512x64xf32, #tpu.memory_space<vmem>> -> memref<512x64xf32, #tpu.memory_space<vmem>>
    %dma_wait3A_326 = arith.constant 0 : i32
    %dma_wait3A_327 = arith.constant 0 : i32
    %dma_wait3A_328 = tpu.memref_slice %arg6[%dma_wait3A_326, %dma_wait3A_327] : memref<819200x64xf32, #tpu.memory_space<hbm>> -> memref<512x64xf32, #tpu.memory_space<hbm>>
    %dma_wait3A_329 = arith.constant 0 : i32
    %dma_wait3A_330 = arith.constant 0 : i32
    %dma_wait3A_331 = tpu.memref_slice %arg6[%dma_wait3A_329, %dma_wait3A_330] : memref<819200x64xf32, #tpu.memory_space<hbm>> -> memref<512x64xf32, #tpu.memory_space<hbm>>
    %dma_wait3A_332 = arith.constant 0 : i32
    %dma_wait3A_333 = arith.constant 0 : i32
    %dma_wait3A_334 = tpu.memref_slice %arg8[%dma_wait3A_321, %dma_wait3A_332, %dma_wait3A_333] : memref<2x512x64xf32, #tpu.memory_space<vmem>> -> memref<1x512x64xf32, #tpu.memory_space<vmem>>
    %dma_wait3A_335 = tpu.memref_squeeze %dma_wait3A_334 : memref<1x512x64xf32, #tpu.memory_space<vmem>> -> memref<512x64xf32, #tpu.memory_space<vmem>>
    tpu.wait_dma2 semaphore(%arg13 : memref<!tpu.dma_semaphore, #tpu.memory_space<semaphore_mem>>) src(%dma_wait3A_335 : memref<512x64xf32, #tpu.memory_space<vmem>>) dst(%dma_wait3A_331 : memref<512x64xf32, #tpu.memory_space<hbm>>)
    %dma_start3A_336 = arith.constant 1 : i32
    %dma_start3A_337 = arith.constant 1 : i32
    %dma_start3A_338 = arith.constant 0 : i32
    %dma_start3A_339 = arith.constant 0 : i32
    %dma_start3A_340 = tpu.memref_slice %arg8[%dma_start3A_337, %dma_start3A_338, %dma_start3A_339] : memref<2x512x64xf32, #tpu.memory_space<vmem>> -> memref<1x128x64xf32, #tpu.memory_space<vmem>>
    %dma_start3A_341 = tpu.memref_squeeze %dma_start3A_340 : memref<1x128x64xf32, #tpu.memory_space<vmem>> -> memref<128x64xf32, #tpu.memory_space<vmem>>
    %dma_start3A_342 = arith.constant 0 : i32
    %dma_start3A_343 = tpu.memref_slice %arg7[%dma_start3A_336, %dma_start3A_342] : memref<2x512xi32, #tpu.memory_space<vmem>> -> memref<1x128xi32, #tpu.memory_space<vmem>>
    %dma_start3A_344 = tpu.memref_squeeze %dma_start3A_343 : memref<1x128xi32, #tpu.memory_space<vmem>> -> memref<128xi32, #tpu.memory_space<vmem>>
    %dma_start3A_345 = arith.constant 0 : i32
    %dma_start3A_346 = arith.constant 0 : i32
    %dma_start3A_347 = tpu.memref_slice %arg3[%dma_start3A_345, %dma_start3A_346] : memref<1000000x64xf32, #tpu.memory_space<hbm>> -> memref<1000000x64xf32, #tpu.memory_space<hbm>>
    tpu.enqueue_indirect_dma source(%dma_start3A_347 : memref<1000000x64xf32, #tpu.memory_space<hbm>>) target(%dma_start3A_341 : memref<128x64xf32, #tpu.memory_space<vmem>>) offsets(%dma_start3A_344 : memref<128xi32, #tpu.memory_space<vmem>>) semaphore(%arg11 : memref<!tpu.dma_semaphore, #tpu.memory_space<semaphore_mem>>)
    %dma_start3A_348 = arith.constant 1 : i32
    %dma_start3A_349 = arith.constant 1 : i32
    %dma_start3A_350 = arith.constant 128 : i32
    %dma_start3A_351 = arith.constant 0 : i32
    %dma_start3A_352 = tpu.memref_slice %arg8[%dma_start3A_349, %dma_start3A_350, %dma_start3A_351] : memref<2x512x64xf32, #tpu.memory_space<vmem>> -> memref<1x128x64xf32, #tpu.memory_space<vmem>>
    %dma_start3A_353 = tpu.memref_squeeze %dma_start3A_352 : memref<1x128x64xf32, #tpu.memory_space<vmem>> -> memref<128x64xf32, #tpu.memory_space<vmem>>
    %dma_start3A_354 = arith.constant 128 : i32
    %dma_start3A_355 = tpu.memref_slice %arg7[%dma_start3A_348, %dma_start3A_354] : memref<2x512xi32, #tpu.memory_space<vmem>> -> memref<1x128xi32, #tpu.memory_space<vmem>>
    %dma_start3A_356 = tpu.memref_squeeze %dma_start3A_355 : memref<1x128xi32, #tpu.memory_space<vmem>> -> memref<128xi32, #tpu.memory_space<vmem>>
    %dma_start3A_357 = arith.constant 0 : i32
    %dma_start3A_358 = arith.constant 0 : i32
    %dma_start3A_359 = tpu.memref_slice %arg3[%dma_start3A_357, %dma_start3A_358] : memref<1000000x64xf32, #tpu.memory_space<hbm>> -> memref<1000000x64xf32, #tpu.memory_space<hbm>>
    tpu.enqueue_indirect_dma source(%dma_start3A_359 : memref<1000000x64xf32, #tpu.memory_space<hbm>>) target(%dma_start3A_353 : memref<128x64xf32, #tpu.memory_space<vmem>>) offsets(%dma_start3A_356 : memref<128xi32, #tpu.memory_space<vmem>>) semaphore(%arg11 : memref<!tpu.dma_semaphore, #tpu.memory_space<semaphore_mem>>)
    %dma_start3A_360 = arith.constant 1 : i32
    %dma_start3A_361 = arith.constant 1 : i32
    %dma_start3A_362 = arith.constant 256 : i32
    %dma_start3A_363 = arith.constant 0 : i32
    %dma_start3A_364 = tpu.memref_slice %arg8[%dma_start3A_361, %dma_start3A_362, %dma_start3A_363] : memref<2x512x64xf32, #tpu.memory_space<vmem>> -> memref<1x128x64xf32, #tpu.memory_space<vmem>>
    %dma_start3A_365 = tpu.memref_squeeze %dma_start3A_364 : memref<1x128x64xf32, #tpu.memory_space<vmem>> -> memref<128x64xf32, #tpu.memory_space<vmem>>
    %dma_start3A_366 = arith.constant 256 : i32
    %dma_start3A_367 = tpu.memref_slice %arg7[%dma_start3A_360, %dma_start3A_366] : memref<2x512xi32, #tpu.memory_space<vmem>> -> memref<1x128xi32, #tpu.memory_space<vmem>>
    %dma_start3A_368 = tpu.memref_squeeze %dma_start3A_367 : memref<1x128xi32, #tpu.memory_space<vmem>> -> memref<128xi32, #tpu.memory_space<vmem>>
    %dma_start3A_369 = arith.constant 0 : i32
    %dma_start3A_370 = arith.constant 0 : i32
    %dma_start3A_371 = tpu.memref_slice %arg3[%dma_start3A_369, %dma_start3A_370] : memref<1000000x64xf32, #tpu.memory_space<hbm>> -> memref<1000000x64xf32, #tpu.memory_space<hbm>>
    tpu.enqueue_indirect_dma source(%dma_start3A_371 : memref<1000000x64xf32, #tpu.memory_space<hbm>>) target(%dma_start3A_365 : memref<128x64xf32, #tpu.memory_space<vmem>>) offsets(%dma_start3A_368 : memref<128xi32, #tpu.memory_space<vmem>>) semaphore(%arg11 : memref<!tpu.dma_semaphore, #tpu.memory_space<semaphore_mem>>)
    %dma_start3A_372 = arith.constant 1 : i32
    %dma_start3A_373 = arith.constant 1 : i32
    %dma_start3A_374 = arith.constant 384 : i32
    %dma_start3A_375 = arith.constant 0 : i32
    %dma_start3A_376 = tpu.memref_slice %arg8[%dma_start3A_373, %dma_start3A_374, %dma_start3A_375] : memref<2x512x64xf32, #tpu.memory_space<vmem>> -> memref<1x128x64xf32, #tpu.memory_space<vmem>>
    %dma_start3A_377 = tpu.memref_squeeze %dma_start3A_376 : memref<1x128x64xf32, #tpu.memory_space<vmem>> -> memref<128x64xf32, #tpu.memory_space<vmem>>
    %dma_start3A_378 = arith.constant 384 : i32
    %dma_start3A_379 = tpu.memref_slice %arg7[%dma_start3A_372, %dma_start3A_378] : memref<2x512xi32, #tpu.memory_space<vmem>> -> memref<1x128xi32, #tpu.memory_space<vmem>>
    %dma_start3A_380 = tpu.memref_squeeze %dma_start3A_379 : memref<1x128xi32, #tpu.memory_space<vmem>> -> memref<128xi32, #tpu.memory_space<vmem>>
    %dma_start3A_381 = arith.constant 0 : i32
    %dma_start3A_382 = arith.constant 0 : i32
    %dma_start3A_383 = tpu.memref_slice %arg3[%dma_start3A_381, %dma_start3A_382] : memref<1000000x64xf32, #tpu.memory_space<hbm>> -> memref<1000000x64xf32, #tpu.memory_space<hbm>>
    tpu.enqueue_indirect_dma source(%dma_start3A_383 : memref<1000000x64xf32, #tpu.memory_space<hbm>>) target(%dma_start3A_377 : memref<128x64xf32, #tpu.memory_space<vmem>>) offsets(%dma_start3A_380 : memref<128xi32, #tpu.memory_space<vmem>>) semaphore(%arg11 : memref<!tpu.dma_semaphore, #tpu.memory_space<semaphore_mem>>)
    %dma_wait3A_384 = arith.constant 0 : i32
    %dma_wait3A_385 = arith.constant 0 : i32
    %dma_wait3A_386 = arith.constant 0 : i32
    %dma_wait3A_387 = arith.constant 0 : i32
    %dma_wait3A_388 = tpu.memref_slice %arg8[%dma_wait3A_385, %dma_wait3A_386, %dma_wait3A_387] : memref<2x512x64xf32, #tpu.memory_space<vmem>> -> memref<1x128x64xf32, #tpu.memory_space<vmem>>
    %dma_wait3A_389 = tpu.memref_squeeze %dma_wait3A_388 : memref<1x128x64xf32, #tpu.memory_space<vmem>> -> memref<128x64xf32, #tpu.memory_space<vmem>>
    %dma_wait3A_390 = arith.constant 0 : i32
    %dma_wait3A_391 = tpu.memref_slice %arg7[%dma_wait3A_384, %dma_wait3A_390] : memref<2x512xi32, #tpu.memory_space<vmem>> -> memref<1x128xi32, #tpu.memory_space<vmem>>
    %dma_wait3A_392 = tpu.memref_squeeze %dma_wait3A_391 : memref<1x128xi32, #tpu.memory_space<vmem>> -> memref<128xi32, #tpu.memory_space<vmem>>
    %dma_wait3A_393 = arith.constant 0 : i32
    %dma_wait3A_394 = arith.constant 0 : i32
    %dma_wait3A_395 = tpu.memref_slice %arg3[%dma_wait3A_393, %dma_wait3A_394] : memref<1000000x64xf32, #tpu.memory_space<hbm>> -> memref<1000000x64xf32, #tpu.memory_space<hbm>>
    tpu.wait_indirect_dma semaphore(%arg10 : memref<!tpu.dma_semaphore, #tpu.memory_space<semaphore_mem>>) src(%dma_wait3A_395 : memref<1000000x64xf32, #tpu.memory_space<hbm>>) dst(%dma_wait3A_389 : memref<128x64xf32, #tpu.memory_space<vmem>>)
    %dma_wait3A_396 = arith.constant 0 : i32
    %dma_wait3A_397 = arith.constant 0 : i32
    %dma_wait3A_398 = arith.constant 128 : i32
    %dma_wait3A_399 = arith.constant 0 : i32
    %dma_wait3A_400 = tpu.memref_slice %arg8[%dma_wait3A_397, %dma_wait3A_398, %dma_wait3A_399] : memref<2x512x64xf32, #tpu.memory_space<vmem>> -> memref<1x128x64xf32, #tpu.memory_space<vmem>>
    %dma_wait3A_401 = tpu.memref_squeeze %dma_wait3A_400 : memref<1x128x64xf32, #tpu.memory_space<vmem>> -> memref<128x64xf32, #tpu.memory_space<vmem>>
    %dma_wait3A_402 = arith.constant 128 : i32
    %dma_wait3A_403 = tpu.memref_slice %arg7[%dma_wait3A_396, %dma_wait3A_402] : memref<2x512xi32, #tpu.memory_space<vmem>> -> memref<1x128xi32, #tpu.memory_space<vmem>>
    %dma_wait3A_404 = tpu.memref_squeeze %dma_wait3A_403 : memref<1x128xi32, #tpu.memory_space<vmem>> -> memref<128xi32, #tpu.memory_space<vmem>>
    %dma_wait3A_405 = arith.constant 0 : i32
    %dma_wait3A_406 = arith.constant 0 : i32
    %dma_wait3A_407 = tpu.memref_slice %arg3[%dma_wait3A_405, %dma_wait3A_406] : memref<1000000x64xf32, #tpu.memory_space<hbm>> -> memref<1000000x64xf32, #tpu.memory_space<hbm>>
    tpu.wait_indirect_dma semaphore(%arg10 : memref<!tpu.dma_semaphore, #tpu.memory_space<semaphore_mem>>) src(%dma_wait3A_407 : memref<1000000x64xf32, #tpu.memory_space<hbm>>) dst(%dma_wait3A_401 : memref<128x64xf32, #tpu.memory_space<vmem>>)
    %dma_wait3A_408 = arith.constant 0 : i32
    %dma_wait3A_409 = arith.constant 0 : i32
    %dma_wait3A_410 = arith.constant 256 : i32
    %dma_wait3A_411 = arith.constant 0 : i32
    %dma_wait3A_412 = tpu.memref_slice %arg8[%dma_wait3A_409, %dma_wait3A_410, %dma_wait3A_411] : memref<2x512x64xf32, #tpu.memory_space<vmem>> -> memref<1x128x64xf32, #tpu.memory_space<vmem>>
    %dma_wait3A_413 = tpu.memref_squeeze %dma_wait3A_412 : memref<1x128x64xf32, #tpu.memory_space<vmem>> -> memref<128x64xf32, #tpu.memory_space<vmem>>
    %dma_wait3A_414 = arith.constant 256 : i32
    %dma_wait3A_415 = tpu.memref_slice %arg7[%dma_wait3A_408, %dma_wait3A_414] : memref<2x512xi32, #tpu.memory_space<vmem>> -> memref<1x128xi32, #tpu.memory_space<vmem>>
    %dma_wait3A_416 = tpu.memref_squeeze %dma_wait3A_415 : memref<1x128xi32, #tpu.memory_space<vmem>> -> memref<128xi32, #tpu.memory_space<vmem>>
    %dma_wait3A_417 = arith.constant 0 : i32
    %dma_wait3A_418 = arith.constant 0 : i32
    %dma_wait3A_419 = tpu.memref_slice %arg3[%dma_wait3A_417, %dma_wait3A_418] : memref<1000000x64xf32, #tpu.memory_space<hbm>> -> memref<1000000x64xf32, #tpu.memory_space<hbm>>
    tpu.wait_indirect_dma semaphore(%arg10 : memref<!tpu.dma_semaphore, #tpu.memory_space<semaphore_mem>>) src(%dma_wait3A_419 : memref<1000000x64xf32, #tpu.memory_space<hbm>>) dst(%dma_wait3A_413 : memref<128x64xf32, #tpu.memory_space<vmem>>)
    %dma_wait3A_420 = arith.constant 0 : i32
    %dma_wait3A_421 = arith.constant 0 : i32
    %dma_wait3A_422 = arith.constant 384 : i32
    %dma_wait3A_423 = arith.constant 0 : i32
    %dma_wait3A_424 = tpu.memref_slice %arg8[%dma_wait3A_421, %dma_wait3A_422, %dma_wait3A_423] : memref<2x512x64xf32, #tpu.memory_space<vmem>> -> memref<1x128x64xf32, #tpu.memory_space<vmem>>
    %dma_wait3A_425 = tpu.memref_squeeze %dma_wait3A_424 : memref<1x128x64xf32, #tpu.memory_space<vmem>> -> memref<128x64xf32, #tpu.memory_space<vmem>>
    %dma_wait3A_426 = arith.constant 384 : i32
    %dma_wait3A_427 = tpu.memref_slice %arg7[%dma_wait3A_420, %dma_wait3A_426] : memref<2x512xi32, #tpu.memory_space<vmem>> -> memref<1x128xi32, #tpu.memory_space<vmem>>
    %dma_wait3A_428 = tpu.memref_squeeze %dma_wait3A_427 : memref<1x128xi32, #tpu.memory_space<vmem>> -> memref<128xi32, #tpu.memory_space<vmem>>
    %dma_wait3A_429 = arith.constant 0 : i32
    %dma_wait3A_430 = arith.constant 0 : i32
    %dma_wait3A_431 = tpu.memref_slice %arg3[%dma_wait3A_429, %dma_wait3A_430] : memref<1000000x64xf32, #tpu.memory_space<hbm>> -> memref<1000000x64xf32, #tpu.memory_space<hbm>>
    tpu.wait_indirect_dma semaphore(%arg10 : memref<!tpu.dma_semaphore, #tpu.memory_space<semaphore_mem>>) src(%dma_wait3A_431 : memref<1000000x64xf32, #tpu.memory_space<hbm>>) dst(%dma_wait3A_425 : memref<128x64xf32, #tpu.memory_space<vmem>>)
    %rem3A_432 = arith.constant 24576 : i32
    %rem3A_433 = arith.constant 200 : i32
    %rem3A_434 = arith.remsi %rem3A_432, %rem3A_433 : i32
    %parallel_loop3A_435 = arith.constant 0 : i32
    %parallel_loop3A_436 = arith.constant 512 : i32
    %parallel_loop3A_437 = arith.constant 1 : i32
    scf.for %parallel_loop3A_556 = %parallel_loop3A_435 to %parallel_loop3A_436 step %parallel_loop3A_437  : i32 {
      %parallel_loop3A_557 = arith.addi %rem3A_434, %parallel_loop3A_556 : i32
      %parallel_loop3A_558 = arith.index_cast %parallel_loop3A_557 : i32 to index
      %parallel_loop3A_559 = arith.constant 0 : index
      %parallel_loop3A_560 = tpu.vector_load %arg9[%parallel_loop3A_558, %parallel_loop3A_559] {strides = array<i32>} : memref<800x64xf32, #tpu.memory_space<vmem>>, vector<1x16xf32>,
      %parallel_loop3A_561 = vector.shape_cast %parallel_loop3A_560 : vector<1x16xf32> to vector<16xf32>
      %parallel_loop3A_562 = arith.constant 0 : i32
      %parallel_loop3A_563 = arith.index_cast %parallel_loop3A_562 : i32 to index
      %parallel_loop3A_564 = arith.index_cast %parallel_loop3A_556 : i32 to index
      %parallel_loop3A_565 = arith.constant 0 : index
      %parallel_loop3A_566 = tpu.vector_load %arg8[%parallel_loop3A_563, %parallel_loop3A_564, %parallel_loop3A_565] {strides = array<i32>} : memref<2x512x64xf32, #tpu.memory_space<vmem>>, vector<1x1x16xf32>,
      %parallel_loop3A_567 = vector.shape_cast %parallel_loop3A_566 : vector<1x1x16xf32> to vector<16xf32>
      %parallel_loop3A_568 = vector.shape_cast %parallel_loop3A_561 : vector<16xf32> to vector<1x1x16xf32>
      tpu.vector_store %arg8[%parallel_loop3A_563, %parallel_loop3A_564, %parallel_loop3A_565], %parallel_loop3A_568 {add = true, strides = array<i32>} : memref<2x512x64xf32, #tpu.memory_space<vmem>>, vector<1x1x16xf32>,
      %parallel_loop3A_569 = arith.addi %rem3A_434, %parallel_loop3A_556 : i32
      %parallel_loop3A_570 = arith.index_cast %parallel_loop3A_569 : i32 to index
      %parallel_loop3A_571 = arith.constant 16 : index
      %parallel_loop3A_572 = tpu.vector_load %arg9[%parallel_loop3A_570, %parallel_loop3A_571] {strides = array<i32>} : memref<800x64xf32, #tpu.memory_space<vmem>>, vector<1x16xf32>,
      %parallel_loop3A_573 = vector.shape_cast %parallel_loop3A_572 : vector<1x16xf32> to vector<16xf32>
      %parallel_loop3A_574 = arith.constant 0 : i32
      %parallel_loop3A_575 = arith.index_cast %parallel_loop3A_574 : i32 to index
      %parallel_loop3A_576 = arith.index_cast %parallel_loop3A_556 : i32 to index
      %parallel_loop3A_577 = arith.constant 16 : index
      %parallel_loop3A_578 = tpu.vector_load %arg8[%parallel_loop3A_575, %parallel_loop3A_576, %parallel_loop3A_577] {strides = array<i32>} : memref<2x512x64xf32, #tpu.memory_space<vmem>>, vector<1x1x16xf32>,
      %parallel_loop3A_579 = vector.shape_cast %parallel_loop3A_578 : vector<1x1x16xf32> to vector<16xf32>
      %parallel_loop3A_580 = vector.shape_cast %parallel_loop3A_573 : vector<16xf32> to vector<1x1x16xf32>
      tpu.vector_store %arg8[%parallel_loop3A_575, %parallel_loop3A_576, %parallel_loop3A_577], %parallel_loop3A_580 {add = true, strides = array<i32>} : memref<2x512x64xf32, #tpu.memory_space<vmem>>, vector<1x1x16xf32>,
      %parallel_loop3A_581 = arith.addi %rem3A_434, %parallel_loop3A_556 : i32
      %parallel_loop3A_582 = arith.index_cast %parallel_loop3A_581 : i32 to index
      %parallel_loop3A_583 = arith.constant 32 : index
      %parallel_loop3A_584 = tpu.vector_load %arg9[%parallel_loop3A_582, %parallel_loop3A_583] {strides = array<i32>} : memref<800x64xf32, #tpu.memory_space<vmem>>, vector<1x16xf32>,
      %parallel_loop3A_585 = vector.shape_cast %parallel_loop3A_584 : vector<1x16xf32> to vector<16xf32>
      %parallel_loop3A_586 = arith.constant 0 : i32
      %parallel_loop3A_587 = arith.index_cast %parallel_loop3A_586 : i32 to index
      %parallel_loop3A_588 = arith.index_cast %parallel_loop3A_556 : i32 to index
      %parallel_loop3A_589 = arith.constant 32 : index
      %parallel_loop3A_590 = tpu.vector_load %arg8[%parallel_loop3A_587, %parallel_loop3A_588, %parallel_loop3A_589] {strides = array<i32>} : memref<2x512x64xf32, #tpu.memory_space<vmem>>, vector<1x1x16xf32>,
      %parallel_loop3A_591 = vector.shape_cast %parallel_loop3A_590 : vector<1x1x16xf32> to vector<16xf32>
      %parallel_loop3A_592 = vector.shape_cast %parallel_loop3A_585 : vector<16xf32> to vector<1x1x16xf32>
      tpu.vector_store %arg8[%parallel_loop3A_587, %parallel_loop3A_588, %parallel_loop3A_589], %parallel_loop3A_592 {add = true, strides = array<i32>} : memref<2x512x64xf32, #tpu.memory_space<vmem>>, vector<1x1x16xf32>,
      %parallel_loop3A_593 = arith.addi %rem3A_434, %parallel_loop3A_556 : i32
      %parallel_loop3A_594 = arith.index_cast %parallel_loop3A_593 : i32 to index
      %parallel_loop3A_595 = arith.constant 48 : index
      %parallel_loop3A_596 = tpu.vector_load %arg9[%parallel_loop3A_594, %parallel_loop3A_595] {strides = array<i32>} : memref<800x64xf32, #tpu.memory_space<vmem>>, vector<1x16xf32>,
      %parallel_loop3A_597 = vector.shape_cast %parallel_loop3A_596 : vector<1x16xf32> to vector<16xf32>
      %parallel_loop3A_598 = arith.constant 0 : i32
      %parallel_loop3A_599 = arith.index_cast %parallel_loop3A_598 : i32 to index
      %parallel_loop3A_600 = arith.index_cast %parallel_loop3A_556 : i32 to index
      %parallel_loop3A_601 = arith.constant 48 : index
      %parallel_loop3A_602 = tpu.vector_load %arg8[%parallel_loop3A_599, %parallel_loop3A_600, %parallel_loop3A_601] {strides = array<i32>} : memref<2x512x64xf32, #tpu.memory_space<vmem>>, vector<1x1x16xf32>,
      %parallel_loop3A_603 = vector.shape_cast %parallel_loop3A_602 : vector<1x1x16xf32> to vector<16xf32>
      %parallel_loop3A_604 = vector.shape_cast %parallel_loop3A_597 : vector<16xf32> to vector<1x1x16xf32>
      tpu.vector_store %arg8[%parallel_loop3A_599, %parallel_loop3A_600, %parallel_loop3A_601], %parallel_loop3A_604 {add = true, strides = array<i32>} : memref<2x512x64xf32, #tpu.memory_space<vmem>>, vector<1x1x16xf32>,
    } {sc.loop_unroll_factor = 8 : i64, sc.parallel_access}
    %mul3A_438 = arith.constant 25600 : i32
    %mul3A_439 = arith.muli %add3A, %mul3A_438 : i32
    %add3A_440 = arith.constant 24576 : i32
    %add3A_441 = arith.addi %mul3A_439, %add3A_440 : i32
    %dma_start3A_442 = arith.constant 0 : i32
    %dma_start3A_443 = arith.constant 0 : i32
    %dma_start3A_444 = arith.constant 0 : i32
    %dma_start3A_445 = tpu.memref_slice %arg8[%dma_start3A_442, %dma_start3A_443, %dma_start3A_444] : memref<2x512x64xf32, #tpu.memory_space<vmem>> -> memref<1x512x64xf32, #tpu.memory_space<vmem>>
    %dma_start3A_446 = tpu.memref_squeeze %dma_start3A_445 : memref<1x512x64xf32, #tpu.memory_space<vmem>> -> memref<512x64xf32, #tpu.memory_space<vmem>>
    %dma_start3A_447 = arith.constant 0 : i32
    %dma_start3A_448 = tpu.memref_slice %arg6[%add3A_441, %dma_start3A_447] : memref<819200x64xf32, #tpu.memory_space<hbm>> -> memref<512x64xf32, #tpu.memory_space<hbm>>
    %dma_start3A_449 = arith.constant 0 : i32
    %dma_start3A_450 = tpu.memref_slice %arg6[%add3A_441, %dma_start3A_449] : memref<819200x64xf32, #tpu.memory_space<hbm>> -> memref<512x64xf32, #tpu.memory_space<hbm>>
    %dma_start3A_451 = arith.constant 0 : i32
    %dma_start3A_452 = arith.constant 0 : i32
    %dma_start3A_453 = tpu.memref_slice %arg8[%dma_start3A_442, %dma_start3A_451, %dma_start3A_452] : memref<2x512x64xf32, #tpu.memory_space<vmem>> -> memref<1x512x64xf32, #tpu.memory_space<vmem>>
    %dma_start3A_454 = tpu.memref_squeeze %dma_start3A_453 : memref<1x512x64xf32, #tpu.memory_space<vmem>> -> memref<512x64xf32, #tpu.memory_space<vmem>>
    tpu.enqueue_dma source(%dma_start3A_454 : memref<512x64xf32, #tpu.memory_space<vmem>>) target(%dma_start3A_450 : memref<512x64xf32, #tpu.memory_space<hbm>>) target_semaphore(%arg12 : memref<!tpu.dma_semaphore, #tpu.memory_space<semaphore_mem>>)
    %dma_wait3A_455 = arith.constant 1 : i32
    %dma_wait3A_456 = arith.constant 1 : i32
    %dma_wait3A_457 = arith.constant 0 : i32
    %dma_wait3A_458 = arith.constant 0 : i32
    %dma_wait3A_459 = tpu.memref_slice %arg8[%dma_wait3A_456, %dma_wait3A_457, %dma_wait3A_458] : memref<2x512x64xf32, #tpu.memory_space<vmem>> -> memref<1x128x64xf32, #tpu.memory_space<vmem>>
    %dma_wait3A_460 = tpu.memref_squeeze %dma_wait3A_459 : memref<1x128x64xf32, #tpu.memory_space<vmem>> -> memref<128x64xf32, #tpu.memory_space<vmem>>
    %dma_wait3A_461 = arith.constant 0 : i32
    %dma_wait3A_462 = tpu.memref_slice %arg7[%dma_wait3A_455, %dma_wait3A_461] : memref<2x512xi32, #tpu.memory_space<vmem>> -> memref<1x128xi32, #tpu.memory_space<vmem>>
    %dma_wait3A_463 = tpu.memref_squeeze %dma_wait3A_462 : memref<1x128xi32, #tpu.memory_space<vmem>> -> memref<128xi32, #tpu.memory_space<vmem>>
    %dma_wait3A_464 = arith.constant 0 : i32
    %dma_wait3A_465 = arith.constant 0 : i32
    %dma_wait3A_466 = tpu.memref_slice %arg3[%dma_wait3A_464, %dma_wait3A_465] : memref<1000000x64xf32, #tpu.memory_space<hbm>> -> memref<1000000x64xf32, #tpu.memory_space<hbm>>
    tpu.wait_indirect_dma semaphore(%arg11 : memref<!tpu.dma_semaphore, #tpu.memory_space<semaphore_mem>>) src(%dma_wait3A_466 : memref<1000000x64xf32, #tpu.memory_space<hbm>>) dst(%dma_wait3A_460 : memref<128x64xf32, #tpu.memory_space<vmem>>)
    %dma_wait3A_467 = arith.constant 1 : i32
    %dma_wait3A_468 = arith.constant 1 : i32
    %dma_wait3A_469 = arith.constant 128 : i32
    %dma_wait3A_470 = arith.constant 0 : i32
    %dma_wait3A_471 = tpu.memref_slice %arg8[%dma_wait3A_468, %dma_wait3A_469, %dma_wait3A_470] : memref<2x512x64xf32, #tpu.memory_space<vmem>> -> memref<1x128x64xf32, #tpu.memory_space<vmem>>
    %dma_wait3A_472 = tpu.memref_squeeze %dma_wait3A_471 : memref<1x128x64xf32, #tpu.memory_space<vmem>> -> memref<128x64xf32, #tpu.memory_space<vmem>>
    %dma_wait3A_473 = arith.constant 128 : i32
    %dma_wait3A_474 = tpu.memref_slice %arg7[%dma_wait3A_467, %dma_wait3A_473] : memref<2x512xi32, #tpu.memory_space<vmem>> -> memref<1x128xi32, #tpu.memory_space<vmem>>
    %dma_wait3A_475 = tpu.memref_squeeze %dma_wait3A_474 : memref<1x128xi32, #tpu.memory_space<vmem>> -> memref<128xi32, #tpu.memory_space<vmem>>
    %dma_wait3A_476 = arith.constant 0 : i32
    %dma_wait3A_477 = arith.constant 0 : i32
    %dma_wait3A_478 = tpu.memref_slice %arg3[%dma_wait3A_476, %dma_wait3A_477] : memref<1000000x64xf32, #tpu.memory_space<hbm>> -> memref<1000000x64xf32, #tpu.memory_space<hbm>>
    tpu.wait_indirect_dma semaphore(%arg11 : memref<!tpu.dma_semaphore, #tpu.memory_space<semaphore_mem>>) src(%dma_wait3A_478 : memref<1000000x64xf32, #tpu.memory_space<hbm>>) dst(%dma_wait3A_472 : memref<128x64xf32, #tpu.memory_space<vmem>>)
    %dma_wait3A_479 = arith.constant 1 : i32
    %dma_wait3A_480 = arith.constant 1 : i32
    %dma_wait3A_481 = arith.constant 256 : i32
    %dma_wait3A_482 = arith.constant 0 : i32
    %dma_wait3A_483 = tpu.memref_slice %arg8[%dma_wait3A_480, %dma_wait3A_481, %dma_wait3A_482] : memref<2x512x64xf32, #tpu.memory_space<vmem>> -> memref<1x128x64xf32, #tpu.memory_space<vmem>>
    %dma_wait3A_484 = tpu.memref_squeeze %dma_wait3A_483 : memref<1x128x64xf32, #tpu.memory_space<vmem>> -> memref<128x64xf32, #tpu.memory_space<vmem>>
    %dma_wait3A_485 = arith.constant 256 : i32
    %dma_wait3A_486 = tpu.memref_slice %arg7[%dma_wait3A_479, %dma_wait3A_485] : memref<2x512xi32, #tpu.memory_space<vmem>> -> memref<1x128xi32, #tpu.memory_space<vmem>>
    %dma_wait3A_487 = tpu.memref_squeeze %dma_wait3A_486 : memref<1x128xi32, #tpu.memory_space<vmem>> -> memref<128xi32, #tpu.memory_space<vmem>>
    %dma_wait3A_488 = arith.constant 0 : i32
    %dma_wait3A_489 = arith.constant 0 : i32
    %dma_wait3A_490 = tpu.memref_slice %arg3[%dma_wait3A_488, %dma_wait3A_489] : memref<1000000x64xf32, #tpu.memory_space<hbm>> -> memref<1000000x64xf32, #tpu.memory_space<hbm>>
    tpu.wait_indirect_dma semaphore(%arg11 : memref<!tpu.dma_semaphore, #tpu.memory_space<semaphore_mem>>) src(%dma_wait3A_490 : memref<1000000x64xf32, #tpu.memory_space<hbm>>) dst(%dma_wait3A_484 : memref<128x64xf32, #tpu.memory_space<vmem>>)
    %dma_wait3A_491 = arith.constant 1 : i32
    %dma_wait3A_492 = arith.constant 1 : i32
    %dma_wait3A_493 = arith.constant 384 : i32
    %dma_wait3A_494 = arith.constant 0 : i32
    %dma_wait3A_495 = tpu.memref_slice %arg8[%dma_wait3A_492, %dma_wait3A_493, %dma_wait3A_494] : memref<2x512x64xf32, #tpu.memory_space<vmem>> -> memref<1x128x64xf32, #tpu.memory_space<vmem>>
    %dma_wait3A_496 = tpu.memref_squeeze %dma_wait3A_495 : memref<1x128x64xf32, #tpu.memory_space<vmem>> -> memref<128x64xf32, #tpu.memory_space<vmem>>
    %dma_wait3A_497 = arith.constant 384 : i32
    %dma_wait3A_498 = tpu.memref_slice %arg7[%dma_wait3A_491, %dma_wait3A_497] : memref<2x512xi32, #tpu.memory_space<vmem>> -> memref<1x128xi32, #tpu.memory_space<vmem>>
    %dma_wait3A_499 = tpu.memref_squeeze %dma_wait3A_498 : memref<1x128xi32, #tpu.memory_space<vmem>> -> memref<128xi32, #tpu.memory_space<vmem>>
    %dma_wait3A_500 = arith.constant 0 : i32
    %dma_wait3A_501 = arith.constant 0 : i32
    %dma_wait3A_502 = tpu.memref_slice %arg3[%dma_wait3A_500, %dma_wait3A_501] : memref<1000000x64xf32, #tpu.memory_space<hbm>> -> memref<1000000x64xf32, #tpu.memory_space<hbm>>
    tpu.wait_indirect_dma semaphore(%arg11 : memref<!tpu.dma_semaphore, #tpu.memory_space<semaphore_mem>>) src(%dma_wait3A_502 : memref<1000000x64xf32, #tpu.memory_space<hbm>>) dst(%dma_wait3A_496 : memref<128x64xf32, #tpu.memory_space<vmem>>)
    %rem3A_503 = arith.constant 25088 : i32
    %rem3A_504 = arith.constant 200 : i32
    %rem3A_505 = arith.remsi %rem3A_503, %rem3A_504 : i32
    %parallel_loop3A_506 = arith.constant 0 : i32
    %parallel_loop3A_507 = arith.constant 512 : i32
    %parallel_loop3A_508 = arith.constant 1 : i32
    scf.for %parallel_loop3A_556 = %parallel_loop3A_506 to %parallel_loop3A_507 step %parallel_loop3A_508  : i32 {
      %parallel_loop3A_557 = arith.addi %rem3A_505, %parallel_loop3A_556 : i32
      %parallel_loop3A_558 = arith.index_cast %parallel_loop3A_557 : i32 to index
      %parallel_loop3A_559 = arith.constant 0 : index
      %parallel_loop3A_560 = tpu.vector_load %arg9[%parallel_loop3A_558, %parallel_loop3A_559] {strides = array<i32>} : memref<800x64xf32, #tpu.memory_space<vmem>>, vector<1x16xf32>,
      %parallel_loop3A_561 = vector.shape_cast %parallel_loop3A_560 : vector<1x16xf32> to vector<16xf32>
      %parallel_loop3A_562 = arith.constant 1 : i32
      %parallel_loop3A_563 = arith.index_cast %parallel_loop3A_562 : i32 to index
      %parallel_loop3A_564 = arith.index_cast %parallel_loop3A_556 : i32 to index
      %parallel_loop3A_565 = arith.constant 0 : index
      %parallel_loop3A_566 = tpu.vector_load %arg8[%parallel_loop3A_563, %parallel_loop3A_564, %parallel_loop3A_565] {strides = array<i32>} : memref<2x512x64xf32, #tpu.memory_space<vmem>>, vector<1x1x16xf32>,
      %parallel_loop3A_567 = vector.shape_cast %parallel_loop3A_566 : vector<1x1x16xf32> to vector<16xf32>
      %parallel_loop3A_568 = vector.shape_cast %parallel_loop3A_561 : vector<16xf32> to vector<1x1x16xf32>
      tpu.vector_store %arg8[%parallel_loop3A_563, %parallel_loop3A_564, %parallel_loop3A_565], %parallel_loop3A_568 {add = true, strides = array<i32>} : memref<2x512x64xf32, #tpu.memory_space<vmem>>, vector<1x1x16xf32>,
      %parallel_loop3A_569 = arith.addi %rem3A_505, %parallel_loop3A_556 : i32
      %parallel_loop3A_570 = arith.index_cast %parallel_loop3A_569 : i32 to index
      %parallel_loop3A_571 = arith.constant 16 : index
      %parallel_loop3A_572 = tpu.vector_load %arg9[%parallel_loop3A_570, %parallel_loop3A_571] {strides = array<i32>} : memref<800x64xf32, #tpu.memory_space<vmem>>, vector<1x16xf32>,
      %parallel_loop3A_573 = vector.shape_cast %parallel_loop3A_572 : vector<1x16xf32> to vector<16xf32>
      %parallel_loop3A_574 = arith.constant 1 : i32
      %parallel_loop3A_575 = arith.index_cast %parallel_loop3A_574 : i32 to index
      %parallel_loop3A_576 = arith.index_cast %parallel_loop3A_556 : i32 to index
      %parallel_loop3A_577 = arith.constant 16 : index
      %parallel_loop3A_578 = tpu.vector_load %arg8[%parallel_loop3A_575, %parallel_loop3A_576, %parallel_loop3A_577] {strides = array<i32>} : memref<2x512x64xf32, #tpu.memory_space<vmem>>, vector<1x1x16xf32>,
      %parallel_loop3A_579 = vector.shape_cast %parallel_loop3A_578 : vector<1x1x16xf32> to vector<16xf32>
      %parallel_loop3A_580 = vector.shape_cast %parallel_loop3A_573 : vector<16xf32> to vector<1x1x16xf32>
      tpu.vector_store %arg8[%parallel_loop3A_575, %parallel_loop3A_576, %parallel_loop3A_577], %parallel_loop3A_580 {add = true, strides = array<i32>} : memref<2x512x64xf32, #tpu.memory_space<vmem>>, vector<1x1x16xf32>,
      %parallel_loop3A_581 = arith.addi %rem3A_505, %parallel_loop3A_556 : i32
      %parallel_loop3A_582 = arith.index_cast %parallel_loop3A_581 : i32 to index
      %parallel_loop3A_583 = arith.constant 32 : index
      %parallel_loop3A_584 = tpu.vector_load %arg9[%parallel_loop3A_582, %parallel_loop3A_583] {strides = array<i32>} : memref<800x64xf32, #tpu.memory_space<vmem>>, vector<1x16xf32>,
      %parallel_loop3A_585 = vector.shape_cast %parallel_loop3A_584 : vector<1x16xf32> to vector<16xf32>
      %parallel_loop3A_586 = arith.constant 1 : i32
      %parallel_loop3A_587 = arith.index_cast %parallel_loop3A_586 : i32 to index
      %parallel_loop3A_588 = arith.index_cast %parallel_loop3A_556 : i32 to index
      %parallel_loop3A_589 = arith.constant 32 : index
      %parallel_loop3A_590 = tpu.vector_load %arg8[%parallel_loop3A_587, %parallel_loop3A_588, %parallel_loop3A_589] {strides = array<i32>} : memref<2x512x64xf32, #tpu.memory_space<vmem>>, vector<1x1x16xf32>,
      %parallel_loop3A_591 = vector.shape_cast %parallel_loop3A_590 : vector<1x1x16xf32> to vector<16xf32>
      %parallel_loop3A_592 = vector.shape_cast %parallel_loop3A_585 : vector<16xf32> to vector<1x1x16xf32>
      tpu.vector_store %arg8[%parallel_loop3A_587, %parallel_loop3A_588, %parallel_loop3A_589], %parallel_loop3A_592 {add = true, strides = array<i32>} : memref<2x512x64xf32, #tpu.memory_space<vmem>>, vector<1x1x16xf32>,
      %parallel_loop3A_593 = arith.addi %rem3A_505, %parallel_loop3A_556 : i32
      %parallel_loop3A_594 = arith.index_cast %parallel_loop3A_593 : i32 to index
      %parallel_loop3A_595 = arith.constant 48 : index
      %parallel_loop3A_596 = tpu.vector_load %arg9[%parallel_loop3A_594, %parallel_loop3A_595] {strides = array<i32>} : memref<800x64xf32, #tpu.memory_space<vmem>>, vector<1x16xf32>,
      %parallel_loop3A_597 = vector.shape_cast %parallel_loop3A_596 : vector<1x16xf32> to vector<16xf32>
      %parallel_loop3A_598 = arith.constant 1 : i32
      %parallel_loop3A_599 = arith.index_cast %parallel_loop3A_598 : i32 to index
      %parallel_loop3A_600 = arith.index_cast %parallel_loop3A_556 : i32 to index
      %parallel_loop3A_601 = arith.constant 48 : index
      %parallel_loop3A_602 = tpu.vector_load %arg8[%parallel_loop3A_599, %parallel_loop3A_600, %parallel_loop3A_601] {strides = array<i32>} : memref<2x512x64xf32, #tpu.memory_space<vmem>>, vector<1x1x16xf32>,
      %parallel_loop3A_603 = vector.shape_cast %parallel_loop3A_602 : vector<1x1x16xf32> to vector<16xf32>
      %parallel_loop3A_604 = vector.shape_cast %parallel_loop3A_597 : vector<16xf32> to vector<1x1x16xf32>
      tpu.vector_store %arg8[%parallel_loop3A_599, %parallel_loop3A_600, %parallel_loop3A_601], %parallel_loop3A_604 {add = true, strides = array<i32>} : memref<2x512x64xf32, #tpu.memory_space<vmem>>, vector<1x1x16xf32>,
    } {sc.loop_unroll_factor = 8 : i64, sc.parallel_access}
    %mul3A_509 = arith.constant 25600 : i32
    %mul3A_510 = arith.muli %add3A, %mul3A_509 : i32
    %add3A_511 = arith.constant 25088 : i32
    %add3A_512 = arith.addi %mul3A_510, %add3A_511 : i32
    %dma_start3A_513 = arith.constant 1 : i32
    %dma_start3A_514 = arith.constant 0 : i32
    %dma_start3A_515 = arith.constant 0 : i32
    %dma_start3A_516 = tpu.memref_slice %arg8[%dma_start3A_513, %dma_start3A_514, %dma_start3A_515] : memref<2x512x64xf32, #tpu.memory_space<vmem>> -> memref<1x512x64xf32, #tpu.memory_space<vmem>>
    %dma_start3A_517 = tpu.memref_squeeze %dma_start3A_516 : memref<1x512x64xf32, #tpu.memory_space<vmem>> -> memref<512x64xf32, #tpu.memory_space<vmem>>
    %dma_start3A_518 = arith.constant 0 : i32
    %dma_start3A_519 = tpu.memref_slice %arg6[%add3A_512, %dma_start3A_518] : memref<819200x64xf32, #tpu.memory_space<hbm>> -> memref<512x64xf32, #tpu.memory_space<hbm>>
    %dma_start3A_520 = arith.constant 0 : i32
    %dma_start3A_521 = tpu.memref_slice %arg6[%add3A_512, %dma_start3A_520] : memref<819200x64xf32, #tpu.memory_space<hbm>> -> memref<512x64xf32, #tpu.memory_space<hbm>>
    %dma_start3A_522 = arith.constant 0 : i32
    %dma_start3A_523 = arith.constant 0 : i32
    %dma_start3A_524 = tpu.memref_slice %arg8[%dma_start3A_513, %dma_start3A_522, %dma_start3A_523] : memref<2x512x64xf32, #tpu.memory_space<vmem>> -> memref<1x512x64xf32, #tpu.memory_space<vmem>>
    %dma_start3A_525 = tpu.memref_squeeze %dma_start3A_524 : memref<1x512x64xf32, #tpu.memory_space<vmem>> -> memref<512x64xf32, #tpu.memory_space<vmem>>
    tpu.enqueue_dma source(%dma_start3A_525 : memref<512x64xf32, #tpu.memory_space<vmem>>) target(%dma_start3A_521 : memref<512x64xf32, #tpu.memory_space<hbm>>) target_semaphore(%arg13 : memref<!tpu.dma_semaphore, #tpu.memory_space<semaphore_mem>>)
    %dma_wait3A_526 = arith.constant 0 : i32
    %dma_wait3A_527 = arith.constant 0 : i32
    %dma_wait3A_528 = arith.constant 0 : i32
    %dma_wait3A_529 = tpu.memref_slice %arg8[%dma_wait3A_526, %dma_wait3A_527, %dma_wait3A_528] : memref<2x512x64xf32, #tpu.memory_space<vmem>> -> memref<1x512x64xf32, #tpu.memory_space<vmem>>
    %dma_wait3A_530 = tpu.memref_squeeze %dma_wait3A_529 : memref<1x512x64xf32, #tpu.memory_space<vmem>> -> memref<512x64xf32, #tpu.memory_space<vmem>>
    %dma_wait3A_531 = arith.constant 0 : i32
    %dma_wait3A_532 = arith.constant 0 : i32
    %dma_wait3A_533 = tpu.memref_slice %arg6[%dma_wait3A_531, %dma_wait3A_532] : memref<819200x64xf32, #tpu.memory_space<hbm>> -> memref<512x64xf32, #tpu.memory_space<hbm>>
    %dma_wait3A_534 = arith.constant 0 : i32
    %dma_wait3A_535 = arith.constant 0 : i32
    %dma_wait3A_536 = tpu.memref_slice %arg6[%dma_wait3A_534, %dma_wait3A_535] : memref<819200x64xf32, #tpu.memory_space<hbm>> -> memref<512x64xf32, #tpu.memory_space<hbm>>
    %dma_wait3A_537 = arith.constant 0 : i32
    %dma_wait3A_538 = arith.constant 0 : i32
    %dma_wait3A_539 = tpu.memref_slice %arg8[%dma_wait3A_526, %dma_wait3A_537, %dma_wait3A_538] : memref<2x512x64xf32, #tpu.memory_space<vmem>> -> memref<1x512x64xf32, #tpu.memory_space<vmem>>
    %dma_wait3A_540 = tpu.memref_squeeze %dma_wait3A_539 : memref<1x512x64xf32, #tpu.memory_space<vmem>> -> memref<512x64xf32, #tpu.memory_space<vmem>>
    tpu.wait_dma2 semaphore(%arg12 : memref<!tpu.dma_semaphore, #tpu.memory_space<semaphore_mem>>) src(%dma_wait3A_540 : memref<512x64xf32, #tpu.memory_space<vmem>>) dst(%dma_wait3A_536 : memref<512x64xf32, #tpu.memory_space<hbm>>)
    %dma_wait3A_541 = arith.constant 1 : i32
    %dma_wait3A_542 = arith.constant 0 : i32
    %dma_wait3A_543 = arith.constant 0 : i32
    %dma_wait3A_544 = tpu.memref_slice %arg8[%dma_wait3A_541, %dma_wait3A_542, %dma_wait3A_543] : memref<2x512x64xf32, #tpu.memory_space<vmem>> -> memref<1x512x64xf32, #tpu.memory_space<vmem>>
    %dma_wait3A_545 = tpu.memref_squeeze %dma_wait3A_544 : memref<1x512x64xf32, #tpu.memory_space<vmem>> -> memref<512x64xf32, #tpu.memory_space<vmem>>
    %dma_wait3A_546 = arith.constant 0 : i32
    %dma_wait3A_547 = arith.constant 0 : i32
    %dma_wait3A_548 = tpu.memref_slice %arg6[%dma_wait3A_546, %dma_wait3A_547] : memref<819200x64xf32, #tpu.memory_space<hbm>> -> memref<512x64xf32, #tpu.memory_space<hbm>>
    %dma_wait3A_549 = arith.constant 0 : i32
    %dma_wait3A_550 = arith.constant 0 : i32
    %dma_wait3A_551 = tpu.memref_slice %arg6[%dma_wait3A_549, %dma_wait3A_550] : memref<819200x64xf32, #tpu.memory_space<hbm>> -> memref<512x64xf32, #tpu.memory_space<hbm>>
    %dma_wait3A_552 = arith.constant 0 : i32
    %dma_wait3A_553 = arith.constant 0 : i32
    %dma_wait3A_554 = tpu.memref_slice %arg8[%dma_wait3A_541, %dma_wait3A_552, %dma_wait3A_553] : memref<2x512x64xf32, #tpu.memory_space<vmem>> -> memref<1x512x64xf32, #tpu.memory_space<vmem>>
    %dma_wait3A_555 = tpu.memref_squeeze %dma_wait3A_554 : memref<1x512x64xf32, #tpu.memory_space<vmem>> -> memref<512x64xf32, #tpu.memory_space<vmem>>
    tpu.wait_dma2 semaphore(%arg13 : memref<!tpu.dma_semaphore, #tpu.memory_space<semaphore_mem>>) src(%dma_wait3A_555 : memref<512x64xf32, #tpu.memory_space<vmem>>) dst(%dma_wait3A_551 : memref<512x64xf32, #tpu.memory_space<hbm>>)
    return
  }
}

</mosaic_0001>

<sc_bundles>
// kernel: kernel.3.cloned.1.call-start
scs
__scs_entry_jumppad:
0x0: {  	(pc) =	sbr.rel $0x88, $3  }
0x1: {  	(tag) =	ssettag $0x0;
	lr =	simm.s32 $0x1  }
0x2: {  	[smem:$0x3F9E] =	sst lr;
	_ =	strace $0xD0000000  }
0x3: {  	_ = 	snop  }
0x4: {  	_ = 	snop  }
0x5: {  	_ = 	snop  }
0x6: {  	_ = 	snop  }
0x7: {  	_ = 	snop  }
__scs_overlays_trampoline_lowered:
0x8: {  	[smem:$0x3FAD] =	sst s0  }
0x9: {  	[smem:$0x3FAE] =	sst s1  }
0xa: {  	[smem:$0x3FAF] =	sst s2  }
0xb: {  	[smem:$0x3FB0] =	sst s3  }
0xc: {  	[smem:$0x3FB1] =	sst s4  }
0xd: {  	[smem:$0x3FB2] =	sst s5  }
0xe: {  	[smem:$0x3FB3] =	sst s6  }
0xf: {  	[smem:$0x3FB4] =	sst s7  }
0x10: {  	[smem:$0x3FB5] =	sst s8  }
0x11: {  	[smem:$0x3FB6] =	sst s9;
	s0 =	simm.s32 @!p0 $0x0  }
0x12: {  	s1 =	sld [smem:$0x3F9C];
	s0 =	simm.s32 @p0 $0x1  }
0x13: {  	[smem:$0x3FB7] =	sst s0;
	s0 =	simm.s32 @!p1 $0x0  }
0x14: {  	s2 =	sld [smem:$0x3F9B];
	s0 =	simm.s32 @p1 $0x1  }
0x15: {  	[smem:$0x3FB8] =	sst s0;
	s0 =	simm.s32 @!p2 $0x0  }
0x16: {  	s3 =	sld [smem:$0x3FDB];
	s0 =	simm.s32 @p2 $0x1  }
0x17: {  	s4 =	simm.s32 $0x1BF5;
	[smem:$0x3FBA] =	sst s0  }
0x18: {  	s0 =	sld [smem:$0x3F9D];
	_ =	swait.ge [sflag:s4], $0x0  }
0x19: {  	s7 =	sld [smem:$0x3F9E]  }
0x1a: {  	s8 =	sadd.s32 $0xFFFFE003, lr  }
0x1b: {  	s9 =	sadd.s32 $0xFFFFFEF7, lr;
	s5 =	simm.s32 $0xFFFFFFFF;
	p2 =	slt.u32 s8, $0xFFFFF086  }
0x1c: {  	p1 =	slt.u32 s9, $0xF7A;
	s5 =	simm.s32 @!p2 $0x0  }
0x1d: {  	s5 =	simm.s32 @p1 $0x1;
	p0 =	seq.s32 s7, s2  }
0x1e: {  	s7 =	smul.u32 @!p0 $0xF7A, s2;
	p2 =	seq.s32 @!p0 s5, $0x0  }
0x1f: {  	s9 =	smul.u32 $0xF7A, s1;
	s8 =	simm.s32 @!p0 $0x1BF5;
	p2 =	por !p2, p0  }
0x20: {  	[sflag:s8] =	ssyncset.s32 @!p0 $0xFFFFF086;
	s6 =	sadd.s32 @!p0 s3, s7;
	s7 =	simm.s32 @!p0 $0x108  }
0x21: {  	s3 =	sadd.s32 s3, s9;
	s6 =	sadd.s32 @!p0 $0x88, s6;
	s7 =	simm.s32 @p2 $0x1082  }
0x22: {  	[simem:s7], [sflag:s8] =	dma.local @!p0 [hbm:s6], $0xF7A  }
0x23: {  	s9 =	sor.u32 $0xD0000000, s2;
	s6 =	simm.s32 $0x108;
	_ =	swait.ge @!p0 [sflag:s8], $0x0  }
0x24: {  	s3 =	sadd.s32 $0x88, s3;
	s6 =	simm.s32 @!p1 $0x1082;
	[sflag:s4] =	ssyncset.s32 $0xFFFFF086  }
0x25: {  	[simem:s6], [sflag:s4] =	dma.local [hbm:s3], $0xF7A  }
0x26: {  	[smem:$0x3F9E] =	sst s1;
	(tag) =	ssettag s2;
	_ =	strace s9  }
0x27: {  	s1 =	sld [smem:$0x3FAE]  }
0x28: {  	s2 =	sld [smem:$0x3FAF]  }
0x29: {  	s4 =	sld [smem:$0x3FB1]  }
0x2a: {  	p0 =	seq.s32 s5, $0x0;
	s5 =	sld [smem:$0x3FB2]  }
0x2b: {  	s6 =	sld [smem:$0x3FB3]  }
0x2c: {  	s7 =	sld [smem:$0x3FB4]  }
0x2d: {  	s3 =	simm.s32 $0x108;
	s8 =	sld [smem:$0x3FB5]  }
0x2e: {  	s3 =	simm.s32 @!p0 $0x1082;
	s9 =	sld [smem:$0x3FB6]  }
0x2f: {  	lr =	sadd.s32 s0, s3;
	s0 =	sld [smem:$0x3FAD]  }
0x30: {  	s3 =	sld [smem:$0x3FB0]  }
0x31: {  	[smem:$0x3FB9] =	sst s10  }
0x32: {  	s10 =	sld [smem:$0x3FB7];
	_ =	sdelay $0x3  }
0x33: {  	p0 =	seq.s32 s10, $0x1;
	s10 =	sld [smem:$0x3FB9];
	_ =	sdelay $0x3  }
0x34: {  	[smem:$0x3FB9] =	sst s10  }
0x35: {  	s10 =	sld [smem:$0x3FB8];
	_ =	sdelay $0x3  }
0x36: {  	p1 =	seq.s32 s10, $0x1;
	s10 =	sld [smem:$0x3FB9];
	_ =	sdelay $0x3  }
0x37: {  	[smem:$0x3FB9] =	sst s10  }
0x38: {  	s10 =	sld [smem:$0x3FBA]  }
0x39: {  	_ = 	snop;
	(pc) =	sbr.ind lr, $3  }
0x3a: {  	_ = 	snop  }
0x3b: {  	_ = 	snop  }
0x3c: {  	p2 =	seq.s32 s10, $0x1;
	s10 =	sld [smem:$0x3FB9]  }
0x3d: {  	_ =	shalt  }
0x3e: {  	_ =	shalt  }
0x3f: {  	_ =	shalt  }
0x40: {  	_ =	shalt  }
0x41: {  	_ =	shalt  }
0x42: {  	_ =	shalt  }
0x43: {  	_ =	shalt  }
0x44: {  	_ =	shalt  }
0x45: {  	_ =	shalt  }
0x46: {  	_ =	shalt  }
0x47: {  	_ =	shalt  }
0x48: {  	_ =	shalt  }
0x49: {  	_ =	shalt  }
0x4a: {  	_ =	shalt  }
0x4b: {  	_ =	shalt  }
0x4c: {  	_ =	shalt  }
0x4d: {  	_ =	shalt  }
0x4e: {  	_ =	shalt  }
0x4f: {  	_ =	shalt  }
0x50: {  	_ =	shalt  }
0x51: {  	_ =	shalt  }
0x52: {  	_ =	shalt  }
0x53: {  	_ =	shalt  }
0x54: {  	_ =	shalt  }
0x55: {  	_ =	shalt  }
0x56: {  	_ =	shalt  }
0x57: {  	_ =	shalt  }
0x58: {  	_ =	shalt  }
0x59: {  	_ =	shalt  }
0x5a: {  	_ =	shalt  }
0x5b: {  	_ =	shalt  }
0x5c: {  	_ =	shalt  }
0x5d: {  	_ =	shalt  }
0x5e: {  	_ =	shalt  }
0x5f: {  	_ =	shalt  }
0x60: {  	_ =	shalt  }
0x61: {  	_ =	shalt  }
0x62: {  	_ =	shalt  }
0x63: {  	_ =	shalt  }
0x64: {  	_ =	shalt  }
0x65: {  	_ =	shalt  }
0x66: {  	_ =	shalt  }
0x67: {  	_ =	shalt  }
0x68: {  	_ =	shalt  }
0x69: {  	_ =	shalt  }
0x6a: {  	_ =	shalt  }
0x6b: {  	_ =	shalt  }
0x6c: {  	_ =	shalt  }
0x6d: {  	_ =	shalt  }
0x6e: {  	_ =	shalt  }
0x6f: {  	_ =	shalt  }
0x70: {  	_ =	shalt  }
0x71: {  	_ =	shalt  }
0x72: {  	_ =	shalt  }
0x73: {  	_ =	shalt  }
0x74: {  	_ =	shalt  }
0x75: {  	_ =	shalt  }
0x76: {  	_ =	shalt  }
0x77: {  	_ =	shalt  }
0x78: {  	_ =	shalt  }
0x79: {  	_ =	shalt  }
0x7a: {  	_ =	shalt  }
0x7b: {  	_ =	shalt  }
0x7c: {  	_ =	shalt  }
0x7d: {  	_ =	shalt  }
0x7e: {  	_ =	shalt  }
0x7f: {  	_ =	shalt  }
0x80: {  	_ =	shalt  }
0x81: {  	_ =	shalt  }
0x82: {  	_ =	shalt  }
0x83: {  	_ =	shalt  }
0x84: {  	_ =	shalt  }
0x85: {  	_ =	shalt  }
0x86: {  	_ =	shalt  }
0x87: {  	_ =	shalt  }
.Lfunc_end0:
.L_simem_size_0:
called_computation.1_lowered:
.L_overlay_start_0:
0x88: {  	s2 =	sld [smem:$0x3FD9]  }
0x89: {  	s3 =	sld [smem:$0x3FFE];
	_ =	sdelay $0x1  }
0x8a: {  	s1 =	srdreg.scid  }
0x8b: {  	s0 =	sand.u32 $0x1, s1  }
0x8c: {  	s17 =	sshll.u32 s0, $0xA;
	s2 =	sadd.s32 s3, s2  }
0x8d: {  	s2 =	sadd.s32 s2, s17  }
0x8e: {  	[smem:$0x3FC5] =	sst s2  }
0x8f: {  	_ = 	snop  }
0x90: {  	s2 =	sld [smem:$0x3FD0];
	(tm) =	ssettm $0x1  }
0x91: {  	s18 =	sld [smem:$0x3FFB];
	_ =	sdelay $0x3  }
0x92: {  	_ =	strace s18  }
0x93: {  	s3 =	sld [smem:$0x3FFC];
	_ =	sdelay $0x3  }
0x94: {  	_ =	strace s3  }
0x95: {  	s3 =	sld [smem:$0x3FFD];
	_ =	sdelay $0x3  }
0x96: {  	_ =	strace s3  }
0x97: {  	_ =	strace $0x8FFFFFFF  }
0x98: {  	s19 =	sld [smem:$0x3FDB];
	_ =	sdelay $0x1  }
0x99: {  	s4 =	simm.s32 $_scs_section_size  }
0x9a: {  	s5 =	simm.s32 $_size__tile_overlayer_lowered;
	s6 =	simm.s32 $_tile_overlayer_lowered  }
0x9b: {  	s22 =	simm.s32 $0x1BFF;
	s21 =	sshll.u32 s6, $0x1;
	s3 =	sadd.s32 s4, s19  }
0x9c: {  	s7 =	simm.s32 $0x0;
	s20 =	sshll.u32 s5, $0x1;
	s5 =	sadd.s32 s21, s3  }
0x9d: {  	[timem:s7], [sflag:s22] =	dma.local [hbm:s5], s20  }
0x9e: {  	_ =	swait.ge [sflag:s22], s20  }
0x9f: {  	s4 =	ssub.s32 $0x0, s20;
	[sflag:s22] =	ssyncset.done $0x0  }
0xa0: {  	[sflag:s22] =	ssyncadd.s32 s4;
	_ =	sdelay $0x1  }
0xa1: {  	s23 =	simm.s32 $0x1B8B  }
0xa2: {  	_ =	swait.ge [sflag:s23], $0x1  }
0xa3: {  	[sflag:s23] =	ssyncset.done $0x0  }
0xa4: {  	s25 =	simm.s32 $0x1B8E;
	s24 =	sld [smem:$0x3FFE];
	[sflag:s23] =	ssyncadd.s32 $0xFFFFFFFF  }
0xa5: {  	s26 =	simm.s32 $execute0_lowered;
	[smem:$0x3FD2] =	sst s25  }
0xa6: {  	s5 =	sshll.u32 s26, $0x1;
	_ =	strace $0x80000046;
	[dreg:$0x1] =	wrdreg $0xFFFFFFFF  }
0xa7: {  	s28 =	simm.s32 $_size_execute0_lowered;
	s3 =	sadd.s32 s3, s5;
	[dreg:$0x0] =	wrdreg $0x0  }
0xa8: {  	s5 =	sshll.u32 s28, $0x1;
	[dreg:$0x2] =	wrdreg s3  }
0xa9: {  	[dreg:$0x3] =	wrdreg s5  }
0xaa: {  	[dreg:$0x4] =	wrdreg $0xC0  }
0xab: {  	_ =	task [dreg:s7], $0x5FFFF  }
0xac: {  	[dreg:$0x1] =	wrdreg $0xFFFFFFFF  }
0xad: {  	[dreg:$0x0] =	wrdreg $0x60  }
0xae: {  	[dreg:$0x2] =	wrdreg s24  }
0xaf: {  	[dreg:$0x3] =	wrdreg s2  }
0xb0: {  	[dreg:$0x4] =	wrdreg $0x9  }
0xb1: {  	_ =	task.clear_ibuf [dreg:s7], $0x5FFFF;
	_ =	strace $0x90000046  }
0xb2: {  	s29 =	simm.s32 $0x9;
	_ =	strace $0x80000048  }
0xb3: {  	_ =	swait.ge [sflag:s29], $0x1  }
0xb4: {  	[sflag:s29] =	ssyncadd.s32 $0xFFFFFFFF  }
0xb5: {  	_ =	strace $0x90000048  }
0xb6: {  	_ =	sfence  }
0xb7: {  	s30 =	sld [smem:$0x0];
	_ =	sdelay $0x2  }
0xb8: {  	s31 =	sshll.u32 s1, $0xD;
	s1 =	sshrl.u32 s1, $0x2  }
0xb9: {  	s3 =	sand.u32 $0x4000, s31;
	s1 =	sadd.s32 s1, s30  }
0xba: {  	s0 =	sor.u32 s3, s0;
	s1 =	sshll.u32 s1, $0x11  }
0xbb: {  	s0 =	sor.u32 s1, s0  }
0xbc: {  	s0 =	sadd.s32 $0x8F2B, s0  }
0xbd: {  	[sflag:s0] =	ssyncadd.remote.s32 $0x1  }
0xbe: {  	_ =	sfence.sel $0xFFFF  }
0xbf: {  	[dreg:$0x0] =	wrdreg $0xFFFFFFFF;
	(pc) =	sbr.abs _section_cstart, $3  }
0xc0: {  	[dreg:$0x1] =	wrdreg $0xFFFFFFFF  }
0xc1: {  	_ =	task.clear_ibuf [dreg:s7], $0x2FFFF;
	_ =	strace $0x9FFFFFFF  }
0xc2: {  	(tm) =	ssettm $0x7FFFFFFF  }
0xc3: {  	_ =	shalt  }
tec
execute0_lowered:
.L_overlay_start_1:
0x0: {  	(tag) =	ssettag $0x1  }
0x1: {  	s0 =	rddreg [dreg:$0x0]  }
0x2: {  	s1 =	srdreg.scid;
	s3 =	stileid.u32  }
0x3: {  	s2 =	rddreg [dreg:$0x1];
	s19 =	simm.s32 $0x5;
	s28 =	simm.s32 $0x200  }
0x4: {  	s29 =	simm.s32 $0x8400;
	s18 =	simm.s32 $0x380;
	s12 =	simm.s32 $0x4  }
0x5: {  	s14 =	simm.s32 $0x0;
	s1 =	sand.u32 $0x1, s1;
	s4 =	sshll.u32 s3, $0x1  }
0x6: {  	s3 =	simm.s32 $0x0;
	s5 =	sadd.s32 $0x2C00, s0;
	s6 =	sadd.s32 $0xF45000, s0  }
0x7: {  	s0 =	sadd.s32 $0x1200, s0;
	s7 =	sor.u32 s1, s4;
	[smem:$0x7FF] =	sst s3  }
0x8: {  	s1 =	ssub.s32 $0x2, s1;
	s4 =	smul.u32 $0x6400, s7;
	_ =	strace $0x80000047  }
0x9: {  	s8 =	sshrl.u32 s1, $0x1;
	[dreg:$0x3] =	wrdreg s0;
	s23 =	smul.u32 $0x32000, s7  }
0xa: {  	s7 =	smul.u32 $0x190000, s7;
	s20 =	ssub.s32 s1, s8;
	s9 =	sshrl.u32 s4, $0x3  }
0xb: {  	s22 =	sor.u32 $0x200, s4;
	s8 =	sadd.s32 s2, s23;
	s25 =	sadd.s32 $0x6200, s4  }
0xc: {  	s7 =	sshrl.u32 s7, $0x3;
	s0 =	smax.u32 s20, $0x1;
	s20 =	simm.s32 $0x80  }
0xd: {  	s21 =	sadd.s32 s5, s9;
	s9 =	sadd.s32 $0x400, s4;
	s10 =	sshrl.u32 s22, $0x3  }
0xe: {  	[dreg:$0x6] =	wrdreg s8;
	s1 =	sshll.u32 s22, $0x3;
	s26 =	sshrl.u32 s25, $0x3  }
0xf: {  	s7 =	sadd.s32 s2, s7;
	s31 =	sshll.u32 s25, $0x3;
	[dreg:$0xc] =	wrdreg s0  }
0x10: {  	s0 =	simm.s32 $0xC400;
	[dreg:$0x4] =	wrdreg s21;
	s10 =	sadd.s32 s5, s10  }
0x11: {  	s8 =	simm.s32 $0x1;
	s1 =	sadd.s32 s2, s1;
	[dreg:$0x5] =	wrdreg s10  }
0x12: {  	s11 =	sshrl.u32 s9, $0x3;
	s30 =	sadd.s32 $0x30000, s7;
	[dreg:$0x8] =	wrdreg s1  }
0x13: {  	s21 =	simm.s32 $0x400;
	s24 =	sadd.s32 s5, s11;
	[dreg:$0xa] =	wrdreg s30  }
0x14: {  	s7 =	simm.s32 $0xE400;
	s1 =	sadd.s32 s5, s26;
	[dreg:$0x7] =	wrdreg s24  }
0x15: {  	s10 =	simm.s32 $0x3;
	[dreg:$0x9] =	wrdreg s1;
	s1 =	sadd.s32 s2, s31  }
0x16: {  	s11 =	simm.s32 $0x2;
	[dreg:$0xb] =	wrdreg s1;
	s1 =	simm.s32 $0x300  }
.LBB2_1:
0x17: {  	[dreg:$0xd] =	wrdreg s14  }
0x18: {  	s13 =	rddreg [dreg:$0x3];
	s15 =	simm.s32 $0x10400  }
0x19: {  	[tilespmem:s15], [sflag:$0x5] =	stream.linear.gather [hbm4b:s13+s3], $0xC800, $0x38;
	[tilespmem:$0x1CC00] =	vst v63  }
0x1a: {  	_ =	swait.ge [sflag:s19], $0xC800  }
0x1b: {  	[sflag:s19] =	ssyncset.done $0x0  }
0x1c: {  	s16 =	rddreg [dreg:$0x4];
	[sflag:s19] =	ssyncadd.s32 $0xFFFF3800  }
0x1d: {  	[tilespmem:s3], [sflag:$0x5] =	stream.linear.gather [hbm4b:s16+s3], $0x200, $0x38;
	[tilespmem:$0x1CC00] =	vst v63  }
0x1e: {  	_ =	swait.ge [sflag:s19], $0x200  }
0x1f: {  	[sflag:s19] =	ssyncset.done $0x0  }
0x20: {  	[sflag:s19] =	ssyncadd.s32 $0xFFFFFE00  }
0x21: {  	[tilespmem:s21], [sflag:$0x1] =	stream.indirect.gather [hbm4b:s6+s20], $0x40, s3, s20, $0xb8;
	[tilespmem:$0x1CC00] =	vst v63  }
0x22: {  	s17 =	simm.s32 $0x2400  }
0x23: {  	[tilespmem:s17], [sflag:$0x1] =	stream.indirect.gather [hbm4b:s6+s20], $0x40, s20, s20, $0xb8;
	[tilespmem:$0x1CC00] =	vst v63  }
0x24: {  	s22 =	simm.s32 $0x100;
	s23 =	simm.s32 $0x4400  }
0x25: {  	[tilespmem:s23], [sflag:$0x1] =	stream.indirect.gather [hbm4b:s6+s20], $0x40, s22, s20, $0xb8;
	[tilespmem:$0x1CC00] =	vst v63  }
0x26: {  	s24 =	simm.s32 $0x180;
	s25 =	simm.s32 $0x6400  }
0x27: {  	[tilespmem:s25], [sflag:$0x1] =	stream.indirect.gather [hbm4b:s6+s20], $0x40, s24, s20, $0xb8;
	[tilespmem:$0x1CC00] =	vst v63  }
0x28: {  	s26 =	rddreg [dreg:$0x5]  }
0x29: {  	[tilespmem:s28], [sflag:$0x5] =	stream.linear.gather [hbm4b:s26+s3], $0x200, $0x38;
	[tilespmem:$0x1CC00] =	vst v63  }
0x2a: {  	_ =	swait.ge [sflag:s19], $0x200  }
0x2b: {  	[sflag:s19] =	ssyncset.done $0x0  }
0x2c: {  	[sflag:s19] =	ssyncadd.s32 $0xFFFFFE00  }
0x2d: {  	[tilespmem:s29], [sflag:$0x2] =	stream.indirect.gather [hbm4b:s6+s20], $0x40, s28, s20, $0xb8;
	[tilespmem:$0x1CC00] =	vst v63  }
0x2e: {  	s30 =	simm.s32 $0x280;
	s31 =	simm.s32 $0xA400  }
0x2f: {  	[tilespmem:s31], [sflag:$0x2] =	stream.indirect.gather [hbm4b:s6+s20], $0x40, s30, s20, $0xb8;
	[tilespmem:$0x1CC00] =	vst v63  }
0x30: {  	_ = 	snop  }
0x31: {  	[tilespmem:s0], [sflag:$0x2] =	stream.indirect.gather [hbm4b:s6+s20], $0x40, s1, s20, $0xb8;
	[tilespmem:$0x1CC00] =	vst v63  }
0x32: {  	_ = 	snop  }
0x33: {  	[tilespmem:s7], [sflag:$0x2] =	stream.indirect.gather [hbm4b:s6+s20], $0x40, s18, s20, $0xb8;
	[tilespmem:$0x1CC00] =	vst v63  }
0x34: {  	_ =	swait.ge [sflag:s8], $0x2000  }
0x35: {  	[sflag:s8] =	ssyncset.done $0x0  }
0x36: {  	[sflag:s8] =	ssyncadd.s32 $0xFFFFE000  }
0x37: {  	_ =	swait.ge [sflag:s8], $0x2000  }
0x38: {  	[sflag:s8] =	ssyncset.done $0x0  }
0x39: {  	[sflag:s8] =	ssyncadd.s32 $0xFFFFE000  }
0x3a: {  	_ =	swait.ge [sflag:s8], $0x2000  }
0x3b: {  	[sflag:s8] =	ssyncset.done $0x0  }
0x3c: {  	[sflag:s8] =	ssyncadd.s32 $0xFFFFE000  }
0x3d: {  	_ =	swait.ge [sflag:s8], $0x2000  }
0x3e: {  	[sflag:s8] =	ssyncset.done $0x0  }
0x3f: {  	s13 =	simm.s32 $0x0;
	[sflag:s8] =	ssyncadd.s32 $0xFFFFE000  }
0x40: {  	v0 =	vld [tilespmem:s13+$0x105F0]  }
0x41: {  	v1 =	vld [tilespmem:s13+$0x10400]  }
0x42: {  	v2 =	vld [tilespmem:s13+$0x10410]  }
0x43: {  	v3 =	vld [tilespmem:s13+$0x10420]  }
0x44: {  	v4 =	vld [tilespmem:s13+$0x10430]  }
0x45: {  	v5 =	vld [tilespmem:s13+$0x10440]  }
0x46: {  	v6 =	vld [tilespmem:s13+$0x10450]  }
0x47: {  	v7 =	vld [tilespmem:s13+$0x10460]  }
0x48: {  	v8 =	vld [tilespmem:s13+$0x10470]  }
0x49: {  	v9 =	vld [tilespmem:s13+$0x10480]  }
0x4a: {  	v10 =	vld [tilespmem:s13+$0x10490]  }
0x4b: {  	v11 =	vld [tilespmem:s13+$0x104A0]  }
0x4c: {  	v12 =	vld [tilespmem:s13+$0x104B0]  }
0x4d: {  	v13 =	vld [tilespmem:s13+$0x104C0]  }
0x4e: {  	v14 =	vld [tilespmem:s13+$0x104D0]  }
0x4f: {  	v15 =	vld [tilespmem:s13+$0x104E0]  }
0x50: {  	v16 =	vld [tilespmem:s13+$0x104F0]  }
0x51: {  	v17 =	vld [tilespmem:s13+$0x10500]  }
0x52: {  	v18 =	vld [tilespmem:s13+$0x10510]  }
0x53: {  	v19 =	vld [tilespmem:s13+$0x10520]  }
0x54: {  	v20 =	vld [tilespmem:s13+$0x10530]  }
0x55: {  	v21 =	vld [tilespmem:s13+$0x10540]  }
0x56: {  	v22 =	vld [tilespmem:s13+$0x10550]  }
0x57: {  	v23 =	vld [tilespmem:s13+$0x10560]  }
0x58: {  	v24 =	vld [tilespmem:s13+$0x10570]  }
0x59: {  	v25 =	vld [tilespmem:s13+$0x10580]  }
0x5a: {  	v26 =	vld [tilespmem:s13+$0x10590]  }
0x5b: {  	v27 =	vld [tilespmem:s13+$0x105A0]  }
0x5c: {  	v28 =	vld [tilespmem:s13+$0x105B0]  }
0x5d: {  	v29 =	vld [tilespmem:s13+$0x105C0]  }
0x5e: {  	v30 =	vld [tilespmem:s13+$0x105D0]  }
0x5f: {  	[tilespmem:s13+$0x5F0] =	vst.add.f32.msk $0xffff, v0  }
0x60: {  	v0 =	vld [tilespmem:s13+$0x105E0]  }
0x61: {  	[tilespmem:s13+$0x400] =	vst.add.f32.msk $0xffff, v1  }
0x62: {  	[tilespmem:s13+$0x410] =	vst.add.f32.msk $0xffff, v2  }
0x63: {  	[tilespmem:s13+$0x420] =	vst.add.f32.msk $0xffff, v3  }
0x64: {  	[tilespmem:s13+$0x430] =	vst.add.f32.msk $0xffff, v4  }
0x65: {  	[tilespmem:s13+$0x440] =	vst.add.f32.msk $0xffff, v5  }
0x66: {  	[tilespmem:s13+$0x450] =	vst.add.f32.msk $0xffff, v6  }
0x67: {  	[tilespmem:s13+$0x460] =	vst.add.f32.msk $0xffff, v7  }
0x68: {  	[tilespmem:s13+$0x470] =	vst.add.f32.msk $0xffff, v8  }
0x69: {  	[tilespmem:s13+$0x480] =	vst.add.f32.msk $0xffff, v9  }
0x6a: {  	[tilespmem:s13+$0x490] =	vst.add.f32.msk $0xffff, v10  }
0x6b: {  	[tilespmem:s13+$0x4A0] =	vst.add.f32.msk $0xffff, v11  }
0x6c: {  	[tilespmem:s13+$0x4B0] =	vst.add.f32.msk $0xffff, v12  }
0x6d: {  	[tilespmem:s13+$0x4C0] =	vst.add.f32.msk $0xffff, v13  }
0x6e: {  	[tilespmem:s13+$0x4D0] =	vst.add.f32.msk $0xffff, v14  }
0x6f: {  	[tilespmem:s13+$0x4E0] =	vst.add.f32.msk $0xffff, v15  }
0x70: {  	[tilespmem:s13+$0x4F0] =	vst.add.f32.msk $0xffff, v16  }
0x71: {  	[tilespmem:s13+$0x500] =	vst.add.f32.msk $0xffff, v17  }
0x72: {  	[tilespmem:s13+$0x510] =	vst.add.f32.msk $0xffff, v18  }
0x73: {  	[tilespmem:s13+$0x520] =	vst.add.f32.msk $0xffff, v19  }
0x74: {  	[tilespmem:s13+$0x530] =	vst.add.f32.msk $0xffff, v20  }
0x75: {  	[tilespmem:s13+$0x540] =	vst.add.f32.msk $0xffff, v21  }
0x76: {  	[tilespmem:s13+$0x550] =	vst.add.f32.msk $0xffff, v22  }
0x77: {  	[tilespmem:s13+$0x560] =	vst.add.f32.msk $0xffff, v23  }
0x78: {  	[tilespmem:s13+$0x570] =	vst.add.f32.msk $0xffff, v24  }
0x79: {  	[tilespmem:s13+$0x580] =	vst.add.f32.msk $0xffff, v25  }
0x7a: {  	[tilespmem:s13+$0x590] =	vst.add.f32.msk $0xffff, v26  }
0x7b: {  	[tilespmem:s13+$0x5A0] =	vst.add.f32.msk $0xffff, v27  }
0x7c: {  	[tilespmem:s13+$0x5B0] =	vst.add.f32.msk $0xffff, v28  }
0x7d: {  	[tilespmem:s13+$0x5C0] =	vst.add.f32.msk $0xffff, v29  }
0x7e: {  	s14 =	simm.s32 $0x0;
	s15 =	simm.s32 $0x800;
	[tilespmem:s13+$0x5D0] =	vst.add.f32.msk $0xffff, v30  }
.LBB2_2:
0x7f: {  	s14 =	sadd.s32 $0x8, s14;
	[tilespmem:s13+$0x5E0] =	vst.add.f32.msk $0xffff, v0;
	s13 =	sshra.s32 s15, $0x2  }
0x80: {  	v0 =	vld [tilespmem:s13+$0x105F0];
	p0 =	slt.u32 s14, $0x1F8  }
0x81: {  	v1 =	vld [tilespmem:s13+$0x10400]  }
0x82: {  	v2 =	vld [tilespmem:s13+$0x10410]  }
0x83: {  	v3 =	vld [tilespmem:s13+$0x10420]  }
0x84: {  	v4 =	vld [tilespmem:s13+$0x10430]  }
0x85: {  	[tilespmem:s13+$0x5F0] =	vst.add.f32.msk $0xffff, v0  }
0x86: {  	v5 =	vld [tilespmem:s13+$0x10440]  }
0x87: {  	v6 =	vld [tilespmem:s13+$0x10450]  }
0x88: {  	v7 =	vld [tilespmem:s13+$0x10460]  }
0x89: {  	v8 =	vld [tilespmem:s13+$0x10470]  }
0x8a: {  	v9 =	vld [tilespmem:s13+$0x10480]  }
0x8b: {  	v10 =	vld [tilespmem:s13+$0x10490]  }
0x8c: {  	v11 =	vld [tilespmem:s13+$0x104A0]  }
0x8d: {  	v12 =	vld [tilespmem:s13+$0x104B0]  }
0x8e: {  	v13 =	vld [tilespmem:s13+$0x104C0]  }
0x8f: {  	v14 =	vld [tilespmem:s13+$0x104D0]  }
0x90: {  	v15 =	vld [tilespmem:s13+$0x104E0]  }
0x91: {  	v16 =	vld [tilespmem:s13+$0x104F0]  }
0x92: {  	v17 =	vld [tilespmem:s13+$0x10500]  }
0x93: {  	v18 =	vld [tilespmem:s13+$0x10510]  }
0x94: {  	v19 =	vld [tilespmem:s13+$0x10520]  }
0x95: {  	v20 =	vld [tilespmem:s13+$0x10530]  }
0x96: {  	v21 =	vld [tilespmem:s13+$0x10540]  }
0x97: {  	v22 =	vld [tilespmem:s13+$0x10550]  }
0x98: {  	v23 =	vld [tilespmem:s13+$0x10560]  }
0x99: {  	v24 =	vld [tilespmem:s13+$0x10570]  }
0x9a: {  	v25 =	vld [tilespmem:s13+$0x10580]  }
0x9b: {  	v26 =	vld [tilespmem:s13+$0x10590]  }
0x9c: {  	v27 =	vld [tilespmem:s13+$0x105A0]  }
0x9d: {  	v28 =	vld [tilespmem:s13+$0x105B0]  }
0x9e: {  	v29 =	vld [tilespmem:s13+$0x105C0]  }
0x9f: {  	v30 =	vld [tilespmem:s13+$0x105D0]  }
0xa0: {  	v0 =	vld [tilespmem:s13+$0x105E0]  }
0xa1: {  	[tilespmem:s13+$0x400] =	vst.add.f32.msk $0xffff, v1  }
0xa2: {  	[tilespmem:s13+$0x410] =	vst.add.f32.msk $0xffff, v2  }
0xa3: {  	[tilespmem:s13+$0x420] =	vst.add.f32.msk $0xffff, v3  }
0xa4: {  	[tilespmem:s13+$0x430] =	vst.add.f32.msk $0xffff, v4  }
0xa5: {  	[tilespmem:s13+$0x440] =	vst.add.f32.msk $0xffff, v5  }
0xa6: {  	[tilespmem:s13+$0x450] =	vst.add.f32.msk $0xffff, v6  }
0xa7: {  	[tilespmem:s13+$0x460] =	vst.add.f32.msk $0xffff, v7  }
0xa8: {  	[tilespmem:s13+$0x470] =	vst.add.f32.msk $0xffff, v8  }
0xa9: {  	[tilespmem:s13+$0x480] =	vst.add.f32.msk $0xffff, v9  }
0xaa: {  	[tilespmem:s13+$0x490] =	vst.add.f32.msk $0xffff, v10  }
0xab: {  	[tilespmem:s13+$0x4A0] =	vst.add.f32.msk $0xffff, v11  }
0xac: {  	[tilespmem:s13+$0x4B0] =	vst.add.f32.msk $0xffff, v12  }
0xad: {  	[tilespmem:s13+$0x4C0] =	vst.add.f32.msk $0xffff, v13  }
0xae: {  	[tilespmem:s13+$0x4D0] =	vst.add.f32.msk $0xffff, v14  }
0xaf: {  	[tilespmem:s13+$0x4E0] =	vst.add.f32.msk $0xffff, v15  }
0xb0: {  	[tilespmem:s13+$0x4F0] =	vst.add.f32.msk $0xffff, v16  }
0xb1: {  	[tilespmem:s13+$0x500] =	vst.add.f32.msk $0xffff, v17  }
0xb2: {  	[tilespmem:s13+$0x510] =	vst.add.f32.msk $0xffff, v18  }
0xb3: {  	[tilespmem:s13+$0x520] =	vst.add.f32.msk $0xffff, v19  }
0xb4: {  	[tilespmem:s13+$0x530] =	vst.add.f32.msk $0xffff, v20  }
0xb5: {  	[tilespmem:s13+$0x540] =	vst.add.f32.msk $0xffff, v21  }
0xb6: {  	[tilespmem:s13+$0x550] =	vst.add.f32.msk $0xffff, v22  }
0xb7: {  	[tilespmem:s13+$0x560] =	vst.add.f32.msk $0xffff, v23  }
0xb8: {  	[tilespmem:s13+$0x570] =	vst.add.f32.msk $0xffff, v24  }
0xb9: {  	[tilespmem:s13+$0x580] =	vst.add.f32.msk $0xffff, v25  }
.Ltmp0:
0xba: {  	[tilespmem:s13+$0x590] =	vst.add.f32.msk $0xffff, v26;
	(pc) =	sbr.rel @p0 .LBB2_2-.Ltmp0, $4  }
0xbb: {  	[tilespmem:s13+$0x5A0] =	vst.add.f32.msk $0xffff, v27  }
0xbc: {  	[tilespmem:s13+$0x5B0] =	vst.add.f32.msk $0xffff, v28  }
0xbd: {  	[tilespmem:s13+$0x5C0] =	vst.add.f32.msk $0xffff, v29  }
0xbe: {  	s15 =	sadd.s32 $0x800, s15;
	[tilespmem:s13+$0x5D0] =	vst.add.f32.msk $0xffff, v30  }
0xbf: {  	[tilespmem:s13+$0x5E0] =	vst.add.f32.msk $0xffff, v0  }
0xc0: {  	s22 =	simm.s32 $0x0;
	s14 =	rddreg [dreg:$0x6]  }
0xc1: {  	[hbm4b:s14+s22] =	stream.linear.scatter [tilespmem:s21], [sflag:$0x3], $0x8000, $0x38;
	[tilespmem:$0x1CC00] =	vst v63  }
0xc2: {  	s23 =	rddreg [dreg:$0x7]  }
0xc3: {  	[tilespmem:s22], [sflag:$0x5] =	stream.linear.gather [hbm4b:s23+s22], $0x200, $0x38;
	[tilespmem:$0x1CC00] =	vst v63  }
0xc4: {  	_ =	swait.ge [sflag:s19], $0x200  }
0xc5: {  	[sflag:s19] =	ssyncset.done $0x0  }
0xc6: {  	[sflag:s19] =	ssyncadd.s32 $0xFFFFFE00  }
0xc7: {  	_ =	swait.ge [sflag:s10], $0x8000  }
0xc8: {  	[sflag:s10] =	ssyncset.done $0x0  }
0xc9: {  	[sflag:s10] =	ssyncadd.s32 $0xFFFF8000  }
0xca: {  	[tilespmem:s21], [sflag:$0x1] =	stream.indirect.gather [hbm4b:s6+s20], $0x40, s22, s20, $0xb8;
	[tilespmem:$0x1CC00] =	vst v63  }
0xcb: {  	s24 =	simm.s32 $0x2400  }
0xcc: {  	[tilespmem:s24], [sflag:$0x1] =	stream.indirect.gather [hbm4b:s6+s20], $0x40, s20, s20, $0xb8;
	[tilespmem:$0x1CC00] =	vst v63  }
0xcd: {  	s25 =	simm.s32 $0x100;
	s26 =	simm.s32 $0x4400  }
0xce: {  	[tilespmem:s26], [sflag:$0x1] =	stream.indirect.gather [hbm4b:s6+s20], $0x40, s25, s20, $0xb8;
	[tilespmem:$0x1CC00] =	vst v63  }
0xcf: {  	s30 =	simm.s32 $0x180;
	s31 =	simm.s32 $0x6400  }
0xd0: {  	[tilespmem:s31], [sflag:$0x1] =	stream.indirect.gather [hbm4b:s6+s20], $0x40, s30, s20, $0xb8;
	[tilespmem:$0x1CC00] =	vst v63  }
0xd1: {  	_ =	swait.ge [sflag:s11], $0x2000  }
0xd2: {  	[sflag:s11] =	ssyncset.done $0x0  }
0xd3: {  	[sflag:s11] =	ssyncadd.s32 $0xFFFFE000  }
0xd4: {  	_ =	swait.ge [sflag:s11], $0x2000  }
0xd5: {  	[sflag:s11] =	ssyncset.done $0x0  }
0xd6: {  	[sflag:s11] =	ssyncadd.s32 $0xFFFFE000  }
0xd7: {  	_ =	swait.ge [sflag:s11], $0x2000  }
0xd8: {  	[sflag:s11] =	ssyncset.done $0x0  }
0xd9: {  	[sflag:s11] =	ssyncadd.s32 $0xFFFFE000  }
0xda: {  	_ =	swait.ge [sflag:s11], $0x2000  }
0xdb: {  	[sflag:s11] =	ssyncset.done $0x0  }
0xdc: {  	s13 =	simm.s32 $0x0;
	[sflag:s11] =	ssyncadd.s32 $0xFFFFE000  }
0xdd: {  	v0 =	vld [tilespmem:s13+$0x121F0]  }
0xde: {  	v1 =	vld [tilespmem:s13+$0x12000]  }
0xdf: {  	v2 =	vld [tilespmem:s13+$0x12010]  }
0xe0: {  	v3 =	vld [tilespmem:s13+$0x12020]  }
0xe1: {  	v4 =	vld [tilespmem:s13+$0x12030]  }
0xe2: {  	v5 =	vld [tilespmem:s13+$0x12040]  }
0xe3: {  	v6 =	vld [tilespmem:s13+$0x12050]  }
0xe4: {  	v7 =	vld [tilespmem:s13+$0x12060]  }
0xe5: {  	v8 =	vld [tilespmem:s13+$0x12070]  }
0xe6: {  	v9 =	vld [tilespmem:s13+$0x12080]  }
0xe7: {  	v10 =	vld [tilespmem:s13+$0x12090]  }
0xe8: {  	v11 =	vld [tilespmem:s13+$0x120A0]  }
0xe9: {  	v12 =	vld [tilespmem:s13+$0x120B0]  }
0xea: {  	v13 =	vld [tilespmem:s13+$0x120C0]  }
0xeb: {  	v14 =	vld [tilespmem:s13+$0x120D0]  }
0xec: {  	v15 =	vld [tilespmem:s13+$0x120E0]  }
0xed: {  	v16 =	vld [tilespmem:s13+$0x120F0]  }
0xee: {  	v17 =	vld [tilespmem:s13+$0x12100]  }
0xef: {  	v18 =	vld [tilespmem:s13+$0x12110]  }
0xf0: {  	v19 =	vld [tilespmem:s13+$0x12120]  }
0xf1: {  	v20 =	vld [tilespmem:s13+$0x12130]  }
0xf2: {  	v21 =	vld [tilespmem:s13+$0x12140]  }
0xf3: {  	v22 =	vld [tilespmem:s13+$0x12150]  }
0xf4: {  	v23 =	vld [tilespmem:s13+$0x12160]  }
0xf5: {  	v24 =	vld [tilespmem:s13+$0x12170]  }
0xf6: {  	v25 =	vld [tilespmem:s13+$0x12180]  }
0xf7: {  	v26 =	vld [tilespmem:s13+$0x12190]  }
0xf8: {  	v27 =	vld [tilespmem:s13+$0x121A0]  }
0xf9: {  	v28 =	vld [tilespmem:s13+$0x121B0]  }
0xfa: {  	v29 =	vld [tilespmem:s13+$0x121C0]  }
0xfb: {  	v30 =	vld [tilespmem:s13+$0x121D0]  }
0xfc: {  	[tilespmem:s13+$0x85F0] =	vst.add.f32.msk $0xffff, v0  }
0xfd: {  	v0 =	vld [tilespmem:s13+$0x121E0]  }
0xfe: {  	[tilespmem:s13+$0x8400] =	vst.add.f32.msk $0xffff, v1  }
0xff: {  	[tilespmem:s13+$0x8410] =	vst.add.f32.msk $0xffff, v2  }
0x100: {  	[tilespmem:s13+$0x8420] =	vst.add.f32.msk $0xffff, v3  }
0x101: {  	[tilespmem:s13+$0x8430] =	vst.add.f32.msk $0xffff, v4  }
0x102: {  	[tilespmem:s13+$0x8440] =	vst.add.f32.msk $0xffff, v5  }
0x103: {  	[tilespmem:s13+$0x8450] =	vst.add.f32.msk $0xffff, v6  }
0x104: {  	[tilespmem:s13+$0x8460] =	vst.add.f32.msk $0xffff, v7  }
0x105: {  	[tilespmem:s13+$0x8470] =	vst.add.f32.msk $0xffff, v8  }
0x106: {  	[tilespmem:s13+$0x8480] =	vst.add.f32.msk $0xffff, v9  }
0x107: {  	[tilespmem:s13+$0x8490] =	vst.add.f32.msk $0xffff, v10  }
0x108: {  	[tilespmem:s13+$0x84A0] =	vst.add.f32.msk $0xffff, v11  }
0x109: {  	[tilespmem:s13+$0x84B0] =	vst.add.f32.msk $0xffff, v12  }
0x10a: {  	[tilespmem:s13+$0x84C0] =	vst.add.f32.msk $0xffff, v13  }
0x10b: {  	[tilespmem:s13+$0x84D0] =	vst.add.f32.msk $0xffff, v14  }
0x10c: {  	[tilespmem:s13+$0x84E0] =	vst.add.f32.msk $0xffff, v15  }
0x10d: {  	[tilespmem:s13+$0x84F0] =	vst.add.f32.msk $0xffff, v16  }
0x10e: {  	[tilespmem:s13+$0x8500] =	vst.add.f32.msk $0xffff, v17  }
0x10f: {  	[tilespmem:s13+$0x8510] =	vst.add.f32.msk $0xffff, v18  }
0x110: {  	[tilespmem:s13+$0x8520] =	vst.add.f32.msk $0xffff, v19  }
0x111: {  	[tilespmem:s13+$0x8530] =	vst.add.f32.msk $0xffff, v20  }
0x112: {  	[tilespmem:s13+$0x8540] =	vst.add.f32.msk $0xffff, v21  }
0x113: {  	[tilespmem:s13+$0x8550] =	vst.add.f32.msk $0xffff, v22  }
0x114: {  	[tilespmem:s13+$0x8560] =	vst.add.f32.msk $0xffff, v23  }
0x115: {  	[tilespmem:s13+$0x8570] =	vst.add.f32.msk $0xffff, v24  }
0x116: {  	[tilespmem:s13+$0x8580] =	vst.add.f32.msk $0xffff, v25  }
0x117: {  	[tilespmem:s13+$0x8590] =	vst.add.f32.msk $0xffff, v26  }
0x118: {  	[tilespmem:s13+$0x85A0] =	vst.add.f32.msk $0xffff, v27  }
0x119: {  	[tilespmem:s13+$0x85B0] =	vst.add.f32.msk $0xffff, v28  }
0x11a: {  	[tilespmem:s13+$0x85C0] =	vst.add.f32.msk $0xffff, v29  }
0x11b: {  	s15 =	simm.s32 $0x800;
	s14 =	simm.s32 $0x0;
	[tilespmem:s13+$0x85D0] =	vst.add.f32.msk $0xffff, v30  }
.LBB2_4:
0x11c: {  	s14 =	sadd.s32 $0x8, s14;
	[tilespmem:s13+$0x85E0] =	vst.add.f32.msk $0xffff, v0;
	s13 =	sshra.s32 s15, $0x2  }
0x11d: {  	v0 =	vld [tilespmem:s13+$0x121F0];
	p0 =	slt.u32 s14, $0x1F8  }
0x11e: {  	v1 =	vld [tilespmem:s13+$0x12000]  }
0x11f: {  	v2 =	vld [tilespmem:s13+$0x12010]  }
0x120: {  	v3 =	vld [tilespmem:s13+$0x12020]  }
0x121: {  	v4 =	vld [tilespmem:s13+$0x12030]  }
0x122: {  	[tilespmem:s13+$0x85F0] =	vst.add.f32.msk $0xffff, v0  }
0x123: {  	v5 =	vld [tilespmem:s13+$0x12040]  }
0x124: {  	v6 =	vld [tilespmem:s13+$0x12050]  }
0x125: {  	v7 =	vld [tilespmem:s13+$0x12060]  }
0x126: {  	v8 =	vld [tilespmem:s13+$0x12070]  }
0x127: {  	v9 =	vld [tilespmem:s13+$0x12080]  }
0x128: {  	v10 =	vld [tilespmem:s13+$0x12090]  }
0x129: {  	v11 =	vld [tilespmem:s13+$0x120A0]  }
0x12a: {  	v12 =	vld [tilespmem:s13+$0x120B0]  }
0x12b: {  	v13 =	vld [tilespmem:s13+$0x120C0]  }
0x12c: {  	v14 =	vld [tilespmem:s13+$0x120D0]  }
0x12d: {  	v15 =	vld [tilespmem:s13+$0x120E0]  }
0x12e: {  	v16 =	vld [tilespmem:s13+$0x120F0]  }
0x12f: {  	v17 =	vld [tilespmem:s13+$0x12100]  }
0x130: {  	v18 =	vld [tilespmem:s13+$0x12110]  }
0x131: {  	v19 =	vld [tilespmem:s13+$0x12120]  }
0x132: {  	v20 =	vld [tilespmem:s13+$0x12130]  }
0x133: {  	v21 =	vld [tilespmem:s13+$0x12140]  }
0x134: {  	v22 =	vld [tilespmem:s13+$0x12150]  }
0x135: {  	v23 =	vld [tilespmem:s13+$0x12160]  }
0x136: {  	v24 =	vld [tilespmem:s13+$0x12170]  }
0x137: {  	v25 =	vld [tilespmem:s13+$0x12180]  }
0x138: {  	v26 =	vld [tilespmem:s13+$0x12190]  }
0x139: {  	v27 =	vld [tilespmem:s13+$0x121A0]  }
0x13a: {  	v28 =	vld [tilespmem:s13+$0x121B0]  }
0x13b: {  	v29 =	vld [tilespmem:s13+$0x121C0]  }
0x13c: {  	v30 =	vld [tilespmem:s13+$0x121D0]  }
0x13d: {  	v0 =	vld [tilespmem:s13+$0x121E0]  }
0x13e: {  	[tilespmem:s13+$0x8400] =	vst.add.f32.msk $0xffff, v1  }
0x13f: {  	[tilespmem:s13+$0x8410] =	vst.add.f32.msk $0xffff, v2  }
0x140: {  	[tilespmem:s13+$0x8420] =	vst.add.f32.msk $0xffff, v3  }
0x141: {  	[tilespmem:s13+$0x8430] =	vst.add.f32.msk $0xffff, v4  }
0x142: {  	[tilespmem:s13+$0x8440] =	vst.add.f32.msk $0xffff, v5  }
0x143: {  	[tilespmem:s13+$0x8450] =	vst.add.f32.msk $0xffff, v6  }
0x144: {  	[tilespmem:s13+$0x8460] =	vst.add.f32.msk $0xffff, v7  }
0x145: {  	[tilespmem:s13+$0x8470] =	vst.add.f32.msk $0xffff, v8  }
0x146: {  	[tilespmem:s13+$0x8480] =	vst.add.f32.msk $0xffff, v9  }
0x147: {  	[tilespmem:s13+$0x8490] =	vst.add.f32.msk $0xffff, v10  }
0x148: {  	[tilespmem:s13+$0x84A0] =	vst.add.f32.msk $0xffff, v11  }
0x149: {  	[tilespmem:s13+$0x84B0] =	vst.add.f32.msk $0xffff, v12  }
0x14a: {  	[tilespmem:s13+$0x84C0] =	vst.add.f32.msk $0xffff, v13  }
0x14b: {  	[tilespmem:s13+$0x84D0] =	vst.add.f32.msk $0xffff, v14  }
0x14c: {  	[tilespmem:s13+$0x84E0] =	vst.add.f32.msk $0xffff, v15  }
0x14d: {  	[tilespmem:s13+$0x84F0] =	vst.add.f32.msk $0xffff, v16  }
0x14e: {  	[tilespmem:s13+$0x8500] =	vst.add.f32.msk $0xffff, v17  }
0x14f: {  	[tilespmem:s13+$0x8510] =	vst.add.f32.msk $0xffff, v18  }
0x150: {  	[tilespmem:s13+$0x8520] =	vst.add.f32.msk $0xffff, v19  }
0x151: {  	[tilespmem:s13+$0x8530] =	vst.add.f32.msk $0xffff, v20  }
0x152: {  	[tilespmem:s13+$0x8540] =	vst.add.f32.msk $0xffff, v21  }
0x153: {  	[tilespmem:s13+$0x8550] =	vst.add.f32.msk $0xffff, v22  }
0x154: {  	[tilespmem:s13+$0x8560] =	vst.add.f32.msk $0xffff, v23  }
0x155: {  	[tilespmem:s13+$0x8570] =	vst.add.f32.msk $0xffff, v24  }
0x156: {  	[tilespmem:s13+$0x8580] =	vst.add.f32.msk $0xffff, v25  }
.Ltmp1:
0x157: {  	[tilespmem:s13+$0x8590] =	vst.add.f32.msk $0xffff, v26;
	(pc) =	sbr.rel @p0 .LBB2_4-.Ltmp1, $4  }
0x158: {  	[tilespmem:s13+$0x85A0] =	vst.add.f32.msk $0xffff, v27  }
0x159: {  	[tilespmem:s13+$0x85B0] =	vst.add.f32.msk $0xffff, v28  }
0x15a: {  	[tilespmem:s13+$0x85C0] =	vst.add.f32.msk $0xffff, v29  }
0x15b: {  	s15 =	sadd.s32 $0x800, s15;
	[tilespmem:s13+$0x85D0] =	vst.add.f32.msk $0xffff, v30  }
0x15c: {  	[tilespmem:s13+$0x85E0] =	vst.add.f32.msk $0xffff, v0;
	s14 =	simm.s32 $0x0  }
0x15d: {  	s15 =	simm.s32 $0x20400;
	s16 =	simm.s32 $0x400;
	s13 =	rddreg [dreg:$0x8]  }
0x15e: {  	[hbm4b:s13+s14] =	stream.linear.scatter [tilespmem:s29], [sflag:$0x4], $0x8000, $0x38;
	[tilespmem:$0x1CC00] =	vst v63  }
0x15f: {  	s17 =	simm.s32 $0x28400;
	s22 =	simm.s32 $0x0;
	s13 =	simm.s32 $0x600  }
.LBB2_6:
0x160: {  	s22 =	sadd.s32 $0x1, s22  }
0x161: {  	s24 =	sshll.u32 s22, $0xA  }
0x162: {  	s23 =	sadd.s32 s24, s4  }
0x163: {  	s23 =	sadd.s32 $0x200, s23  }
0x164: {  	s25 =	sshrl.u32 s23, $0x3  }
0x165: {  	s25 =	sadd.s32 s5, s25  }
0x166: {  	[tilespmem:s28], [sflag:$0x5] =	stream.linear.gather [hbm4b:s25+s14], $0x200, $0x38;
	[tilespmem:$0x1CC00] =	vst v63  }
0x167: {  	_ =	swait.ge [sflag:s19], $0x200  }
0x168: {  	[sflag:s19] =	ssyncset.done $0x0  }
0x169: {  	[sflag:s19] =	ssyncadd.s32 $0xFFFFFE00  }
0x16a: {  	_ =	swait.ge [sflag:s12], $0x8000  }
0x16b: {  	[sflag:s12] =	ssyncset.done $0x0  }
0x16c: {  	[sflag:s12] =	ssyncadd.s32 $0xFFFF8000  }
0x16d: {  	[tilespmem:s29], [sflag:$0x2] =	stream.indirect.gather [hbm4b:s6+s20], $0x40, s28, s20, $0xb8;
	[tilespmem:$0x1CC00] =	vst v63  }
0x16e: {  	s26 =	simm.s32 $0xA400;
	s25 =	simm.s32 $0x280  }
0x16f: {  	[tilespmem:s26], [sflag:$0x2] =	stream.indirect.gather [hbm4b:s6+s20], $0x40, s25, s20, $0xb8;
	[tilespmem:$0x1CC00] =	vst v63  }
0x170: {  	_ = 	snop  }
0x171: {  	[tilespmem:s0], [sflag:$0x2] =	stream.indirect.gather [hbm4b:s6+s20], $0x40, s1, s20, $0xb8;
	[tilespmem:$0x1CC00] =	vst v63  }
0x172: {  	_ = 	snop  }
0x173: {  	[tilespmem:s7], [sflag:$0x2] =	stream.indirect.gather [hbm4b:s6+s20], $0x40, s18, s20, $0xb8;
	[tilespmem:$0x1CC00] =	vst v63  }
0x174: {  	s26 =	smulhi.u32 $0x51EB851F, s16;
	_ =	swait.ge [sflag:s8], $0x2000  }
0x175: {  	[sflag:s8] =	ssyncset.done $0x0  }
0x176: {  	s25 =	sshrl.u32 s26, $0x6;
	[sflag:s8] =	ssyncadd.s32 $0xFFFFE000  }
0x177: {  	s25 =	smul.u32 $0xFFFF3800, s25;
	_ =	swait.ge [sflag:s8], $0x2000  }
0x178: {  	[sflag:s8] =	ssyncset.done $0x0  }
0x179: {  	s25 =	sshra.s32 s25, $0x2;
	[sflag:s8] =	ssyncadd.s32 $0xFFFFE000  }
0x17a: {  	s25 =	sadd.s32 s25, s15;
	_ =	swait.ge [sflag:s8], $0x2000  }
0x17b: {  	v0 =	vmov s25;
	[sflag:s8] =	ssyncset.done $0x0  }
0x17c: {  	[sflag:s8] =	ssyncadd.s32 $0xFFFFE000  }
0x17d: {  	_ =	swait.ge [sflag:s8], $0x2000  }
0x17e: {  	[sflag:s8] =	ssyncset.done $0x0  }
0x17f: {  	s25 =	simm.s32 $0x0;
	[sflag:s8] =	ssyncadd.s32 $0xFFFFE000  }
0x180: {  	v1 =	vld.idx.msk [tilespmem:v0+s25+$0x1C0 ss:$0x1], $0xffff  }
0x181: {  	v2 =	vld.idx.msk [tilespmem:v0+s25+$0x0 ss:$0x1], $0xffff  }
0x182: {  	v3 =	vld.idx.msk [tilespmem:v0+s25+$0x40 ss:$0x1], $0xffff  }
0x183: {  	v4 =	vld.idx.msk [tilespmem:v0+s25+$0x80 ss:$0x1], $0xffff  }
0x184: {  	v5 =	vld.idx.msk [tilespmem:v0+s25+$0xC0 ss:$0x1], $0xffff  }
0x185: {  	v6 =	vld.idx.msk [tilespmem:v0+s25+$0x100 ss:$0x1], $0xffff  }
0x186: {  	v7 =	vld.idx.msk [tilespmem:v0+s25+$0x140 ss:$0x1], $0xffff  }
0x187: {  	v8 =	vld.idx.msk [tilespmem:v0+s25+$0x180 ss:$0x1], $0xffff  }
0x188: {  	[tilespmem:s25+$0x5C0] =	vst.add.f32.msk $0xffff, v1  }
0x189: {  	[tilespmem:s25+$0x400] =	vst.add.f32.msk $0xffff, v2  }
0x18a: {  	[tilespmem:s25+$0x440] =	vst.add.f32.msk $0xffff, v3  }
0x18b: {  	[tilespmem:s25+$0x480] =	vst.add.f32.msk $0xffff, v4  }
0x18c: {  	[tilespmem:s25+$0x4C0] =	vst.add.f32.msk $0xffff, v5  }
0x18d: {  	[tilespmem:s25+$0x500] =	vst.add.f32.msk $0xffff, v6  }
0x18e: {  	[tilespmem:s25+$0x540] =	vst.add.f32.msk $0xffff, v7  }
0x18f: {  	[tilespmem:s25+$0x580] =	vst.add.f32.msk $0xffff, v8  }
0x190: {  	v1 =	vld.idx.msk [tilespmem:v0+s25+$0x1D0 ss:$0x1], $0xffff  }
0x191: {  	v2 =	vld.idx.msk [tilespmem:v0+s25+$0x10 ss:$0x1], $0xffff  }
0x192: {  	v3 =	vld.idx.msk [tilespmem:v0+s25+$0x50 ss:$0x1], $0xffff  }
0x193: {  	v4 =	vld.idx.msk [tilespmem:v0+s25+$0x90 ss:$0x1], $0xffff  }
0x194: {  	v5 =	vld.idx.msk [tilespmem:v0+s25+$0xD0 ss:$0x1], $0xffff  }
0x195: {  	v6 =	vld.idx.msk [tilespmem:v0+s25+$0x110 ss:$0x1], $0xffff  }
0x196: {  	v7 =	vld.idx.msk [tilespmem:v0+s25+$0x150 ss:$0x1], $0xffff  }
0x197: {  	[tilespmem:s25+$0x5D0] =	vst.add.f32.msk $0xffff, v1  }
0x198: {  	[tilespmem:s25+$0x410] =	vst.add.f32.msk $0xffff, v2  }
0x199: {  	[tilespmem:s25+$0x450] =	vst.add.f32.msk $0xffff, v3  }
0x19a: {  	[tilespmem:s25+$0x490] =	vst.add.f32.msk $0xffff, v4  }
0x19b: {  	[tilespmem:s25+$0x4D0] =	vst.add.f32.msk $0xffff, v5  }
0x19c: {  	[tilespmem:s25+$0x510] =	vst.add.f32.msk $0xffff, v6  }
0x19d: {  	[tilespmem:s25+$0x550] =	vst.add.f32.msk $0xffff, v7  }
0x19e: {  	v1 =	vld.idx.msk [tilespmem:v0+s25+$0x1E0 ss:$0x1], $0xffff  }
0x19f: {  	v2 =	vld.idx.msk [tilespmem:v0+s25+$0x60 ss:$0x1], $0xffff  }
0x1a0: {  	v3 =	vld.idx.msk [tilespmem:v0+s25+$0xA0 ss:$0x1], $0xffff  }
0x1a1: {  	v56 =	vld.idx.msk [tilespmem:v0+s25+$0xE0 ss:$0x1], $0xffff  }
0x1a2: {  	v57 =	vld.idx.msk [tilespmem:v0+s25+$0x120 ss:$0x1], $0xffff  }
0x1a3: {  	v58 =	vld.idx.msk [tilespmem:v0+s25+$0x160 ss:$0x1], $0xffff  }
0x1a4: {  	[tilespmem:s25+$0x5E0] =	vst.add.f32.msk $0xffff, v1  }
0x1a5: {  	[tilespmem:s25+$0x460] =	vst.add.f32.msk $0xffff, v2  }
0x1a6: {  	v1 =	vld.idx.msk [tilespmem:v0+s25+$0x1F0 ss:$0x1], $0xffff  }
0x1a7: {  	[tilespmem:s25+$0x4A0] =	vst.add.f32.msk $0xffff, v3  }
0x1a8: {  	[tilespmem:s25+$0x4E0] =	vst.add.f32.msk $0xffff, v56  }
0x1a9: {  	[tilespmem:s25+$0x520] =	vst.add.f32.msk $0xffff, v57  }
0x1aa: {  	[tilespmem:s25+$0x560] =	vst.add.f32.msk $0xffff, v58  }
0x1ab: {  	[tilespmem:s25+$0x5F0] =	vst.add.f32.msk $0xffff, v1  }
0x1ac: {  	v1 =	vld.idx.msk [tilespmem:v0+s25+$0x190 ss:$0x1], $0xffff  }
0x1ad: {  	v3 =	vld.idx.msk [tilespmem:v0+s25+$0x70 ss:$0x1], $0xffff  }
0x1ae: {  	v60 =	vld.idx.msk [tilespmem:v0+s25+$0xB0 ss:$0x1], $0xffff  }
0x1af: {  	v61 =	vld.idx.msk [tilespmem:v0+s25+$0xF0 ss:$0x1], $0xffff  }
0x1b0: {  	v62 =	vld.idx.msk [tilespmem:v0+s25+$0x130 ss:$0x1], $0xffff  }
0x1b1: {  	[tilespmem:s25+$0x590] =	vst.add.f32.msk $0xffff, v1  }
0x1b2: {  	v1 =	vld.idx.msk [tilespmem:v0+s25+$0x20 ss:$0x1], $0xffff  }
0x1b3: {  	v59 =	vld.idx.msk [tilespmem:v0+s25+$0x1A0 ss:$0x1], $0xffff  }
0x1b4: {  	v63 =	vld.idx.msk [tilespmem:v0+s25+$0x170 ss:$0x1], $0xffff  }
0x1b5: {  	[tilespmem:s25+$0x470] =	vst.add.f32.msk $0xffff, v3  }
0x1b6: {  	[tilespmem:s25+$0x4B0] =	vst.add.f32.msk $0xffff, v60  }
0x1b7: {  	[tilespmem:s25+$0x420] =	vst.add.f32.msk $0xffff, v1  }
0x1b8: {  	s26 =	smulhi.u32 $0x51EB851F, s13;
	[tilespmem:s25+$0x5A0] =	vst.add.f32.msk $0xffff, v59  }
0x1b9: {  	v2 =	vld.idx.msk [tilespmem:v0+s25+$0x30 ss:$0x1], $0xffff  }
0x1ba: {  	s26 =	sshrl.u32 s26, $0x6;
	v1 =	vld.idx.msk [tilespmem:v0+s25+$0x1B0 ss:$0x1], $0xffff  }
0x1bb: {  	s26 =	smul.u32 $0xFFFF3800, s26;
	[tilespmem:s25+$0x4F0] =	vst.add.f32.msk $0xffff, v61  }
0x1bc: {  	[tilespmem:s25+$0x530] =	vst.add.f32.msk $0xffff, v62  }
0x1bd: {  	s26 =	sshra.s32 s26, $0x2;
	[tilespmem:s25+$0x570] =	vst.add.f32.msk $0xffff, v63  }
0x1be: {  	s30 =	simm.s32 $0x0;
	s31 =	simm.s32 $0x800;
	s26 =	sadd.s32 s26, s17;
	[tilespmem:s25+$0x430] =	vst.add.f32.msk $0xffff, v2  }
.LBB2_7:
0x1bf: {  	s30 =	sadd.s32 $0x8, s30;
	[tilespmem:s25+$0x5B0] =	vst.add.f32.msk $0xffff, v1;
	s25 =	sshra.s32 s31, $0x2  }
0x1c0: {  	v1 =	vld.idx.msk [tilespmem:v0+s25+$0x1C0 ss:$0x1], $0xffff;
	p0 =	slt.u32 s30, $0x1F8  }
0x1c1: {  	v2 =	vld.idx.msk [tilespmem:v0+s25+$0x0 ss:$0x1], $0xffff  }
0x1c2: {  	v3 =	vld.idx.msk [tilespmem:v0+s25+$0x40 ss:$0x1], $0xffff  }
0x1c3: {  	v4 =	vld.idx.msk [tilespmem:v0+s25+$0x80 ss:$0x1], $0xffff  }
0x1c4: {  	v5 =	vld.idx.msk [tilespmem:v0+s25+$0xC0 ss:$0x1], $0xffff  }
0x1c5: {  	v6 =	vld.idx.msk [tilespmem:v0+s25+$0x100 ss:$0x1], $0xffff  }
0x1c6: {  	[tilespmem:s25+$0x5C0] =	vst.add.f32.msk $0xffff, v1  }
0x1c7: {  	v1 =	vld.idx.msk [tilespmem:v0+s25+$0x1D0 ss:$0x1], $0xffff  }
0x1c8: {  	v7 =	vld.idx.msk [tilespmem:v0+s25+$0x140 ss:$0x1], $0xffff  }
0x1c9: {  	v8 =	vld.idx.msk [tilespmem:v0+s25+$0x180 ss:$0x1], $0xffff  }
0x1ca: {  	[tilespmem:s25+$0x400] =	vst.add.f32.msk $0xffff, v2  }
0x1cb: {  	[tilespmem:s25+$0x440] =	vst.add.f32.msk $0xffff, v3  }
0x1cc: {  	[tilespmem:s25+$0x480] =	vst.add.f32.msk $0xffff, v4  }
0x1cd: {  	[tilespmem:s25+$0x5D0] =	vst.add.f32.msk $0xffff, v1  }
0x1ce: {  	v1 =	vld.idx.msk [tilespmem:v0+s25+$0x1E0 ss:$0x1], $0xffff  }
0x1cf: {  	[tilespmem:s25+$0x4C0] =	vst.add.f32.msk $0xffff, v5  }
0x1d0: {  	[tilespmem:s25+$0x500] =	vst.add.f32.msk $0xffff, v6  }
0x1d1: {  	[tilespmem:s25+$0x540] =	vst.add.f32.msk $0xffff, v7  }
0x1d2: {  	[tilespmem:s25+$0x580] =	vst.add.f32.msk $0xffff, v8  }
0x1d3: {  	v2 =	vld.idx.msk [tilespmem:v0+s25+$0x10 ss:$0x1], $0xffff  }
0x1d4: {  	[tilespmem:s25+$0x5E0] =	vst.add.f32.msk $0xffff, v1  }
0x1d5: {  	v1 =	vld.idx.msk [tilespmem:v0+s25+$0x1F0 ss:$0x1], $0xffff  }
0x1d6: {  	v3 =	vld.idx.msk [tilespmem:v0+s25+$0x50 ss:$0x1], $0xffff  }
0x1d7: {  	v4 =	vld.idx.msk [tilespmem:v0+s25+$0x90 ss:$0x1], $0xffff  }
0x1d8: {  	v5 =	vld.idx.msk [tilespmem:v0+s25+$0xD0 ss:$0x1], $0xffff  }
0x1d9: {  	v6 =	vld.idx.msk [tilespmem:v0+s25+$0x110 ss:$0x1], $0xffff  }
0x1da: {  	v7 =	vld.idx.msk [tilespmem:v0+s25+$0x150 ss:$0x1], $0xffff  }
0x1db: {  	[tilespmem:s25+$0x5F0] =	vst.add.f32.msk $0xffff, v1  }
0x1dc: {  	v1 =	vld.idx.msk [tilespmem:v0+s25+$0x190 ss:$0x1], $0xffff  }
0x1dd: {  	[tilespmem:s25+$0x410] =	vst.add.f32.msk $0xffff, v2  }
0x1de: {  	[tilespmem:s25+$0x450] =	vst.add.f32.msk $0xffff, v3  }
0x1df: {  	[tilespmem:s25+$0x490] =	vst.add.f32.msk $0xffff, v4  }
0x1e0: {  	[tilespmem:s25+$0x4D0] =	vst.add.f32.msk $0xffff, v5  }
0x1e1: {  	[tilespmem:s25+$0x510] =	vst.add.f32.msk $0xffff, v6  }
0x1e2: {  	[tilespmem:s25+$0x550] =	vst.add.f32.msk $0xffff, v7  }
0x1e3: {  	[tilespmem:s25+$0x590] =	vst.add.f32.msk $0xffff, v1  }
0x1e4: {  	v1 =	vld.idx.msk [tilespmem:v0+s25+$0x20 ss:$0x1], $0xffff  }
0x1e5: {  	v2 =	vld.idx.msk [tilespmem:v0+s25+$0x60 ss:$0x1], $0xffff  }
0x1e6: {  	v3 =	vld.idx.msk [tilespmem:v0+s25+$0xA0 ss:$0x1], $0xffff  }
0x1e7: {  	v4 =	vld.idx.msk [tilespmem:v0+s25+$0xE0 ss:$0x1], $0xffff  }
0x1e8: {  	v5 =	vld.idx.msk [tilespmem:v0+s25+$0x120 ss:$0x1], $0xffff  }
0x1e9: {  	v6 =	vld.idx.msk [tilespmem:v0+s25+$0x160 ss:$0x1], $0xffff  }
0x1ea: {  	v7 =	vld.idx.msk [tilespmem:v0+s25+$0x1A0 ss:$0x1], $0xffff  }
0x1eb: {  	[tilespmem:s25+$0x420] =	vst.add.f32.msk $0xffff, v1  }
0x1ec: {  	[tilespmem:s25+$0x460] =	vst.add.f32.msk $0xffff, v2  }
0x1ed: {  	[tilespmem:s25+$0x4A0] =	vst.add.f32.msk $0xffff, v3  }
0x1ee: {  	[tilespmem:s25+$0x4E0] =	vst.add.f32.msk $0xffff, v4  }
0x1ef: {  	[tilespmem:s25+$0x520] =	vst.add.f32.msk $0xffff, v5  }
0x1f0: {  	[tilespmem:s25+$0x560] =	vst.add.f32.msk $0xffff, v6  }
0x1f1: {  	[tilespmem:s25+$0x5A0] =	vst.add.f32.msk $0xffff, v7  }
0x1f2: {  	v2 =	vld.idx.msk [tilespmem:v0+s25+$0x30 ss:$0x1], $0xffff  }
0x1f3: {  	v3 =	vld.idx.msk [tilespmem:v0+s25+$0x70 ss:$0x1], $0xffff  }
0x1f4: {  	v4 =	vld.idx.msk [tilespmem:v0+s25+$0xB0 ss:$0x1], $0xffff  }
0x1f5: {  	v5 =	vld.idx.msk [tilespmem:v0+s25+$0xF0 ss:$0x1], $0xffff  }
0x1f6: {  	v6 =	vld.idx.msk [tilespmem:v0+s25+$0x130 ss:$0x1], $0xffff  }
0x1f7: {  	v7 =	vld.idx.msk [tilespmem:v0+s25+$0x170 ss:$0x1], $0xffff  }
0x1f8: {  	v1 =	vld.idx.msk [tilespmem:v0+s25+$0x1B0 ss:$0x1], $0xffff  }
0x1f9: {  	[tilespmem:s25+$0x430] =	vst.add.f32.msk $0xffff, v2  }
.Ltmp2:
0x1fa: {  	[tilespmem:s25+$0x470] =	vst.add.f32.msk $0xffff, v3;
	(pc) =	sbr.rel @p0 .LBB2_7-.Ltmp2, $4  }
0x1fb: {  	[tilespmem:s25+$0x4B0] =	vst.add.f32.msk $0xffff, v4  }
0x1fc: {  	[tilespmem:s25+$0x4F0] =	vst.add.f32.msk $0xffff, v5  }
0x1fd: {  	[tilespmem:s25+$0x530] =	vst.add.f32.msk $0xffff, v6  }
0x1fe: {  	s31 =	sadd.s32 $0x800, s31;
	[tilespmem:s25+$0x570] =	vst.add.f32.msk $0xffff, v7  }
0x1ff: {  	s30 =	sadd.s32 s4, s24  }
0x200: {  	s30 =	sshll.u32 s30, $0x3  }
0x201: {  	s30 =	sand.u32 $0x1FFFE000, s30  }
0x202: {  	[tilespmem:s25+$0x5B0] =	vst.add.f32.msk $0xffff, v1;
	s31 =	sadd.s32 s2, s30;
	s30 =	simm.s32 $0x0  }
0x203: {  	[hbm4b:s31+s30] =	stream.linear.scatter [tilespmem:s21], [sflag:$0x3], $0x8000, $0x38;
	[tilespmem:$0x1CC00] =	vst v63  }
0x204: {  	s31 =	sadd.s32 s24, s9  }
0x205: {  	s24 =	sshrl.u32 s31, $0x3  }
0x206: {  	s24 =	sadd.s32 s5, s24  }
0x207: {  	[tilespmem:s30], [sflag:$0x5] =	stream.linear.gather [hbm4b:s24+s30], $0x200, $0x38;
	[tilespmem:$0x1CC00] =	vst v63  }
0x208: {  	_ =	swait.ge [sflag:s19], $0x200  }
0x209: {  	[sflag:s19] =	ssyncset.done $0x0  }
0x20a: {  	[sflag:s19] =	ssyncadd.s32 $0xFFFFFE00  }
0x20b: {  	_ =	swait.ge [sflag:s10], $0x8000  }
0x20c: {  	[sflag:s10] =	ssyncset.done $0x0  }
0x20d: {  	[sflag:s10] =	ssyncadd.s32 $0xFFFF8000  }
0x20e: {  	[tilespmem:s21], [sflag:$0x1] =	stream.indirect.gather [hbm4b:s6+s20], $0x40, s30, s20, $0xb8;
	[tilespmem:$0x1CC00] =	vst v63  }
0x20f: {  	s25 =	simm.s32 $0x2400  }
0x210: {  	[tilespmem:s25], [sflag:$0x1] =	stream.indirect.gather [hbm4b:s6+s20], $0x40, s20, s20, $0xb8;
	[tilespmem:$0x1CC00] =	vst v63  }
0x211: {  	s31 =	simm.s32 $0x4400;
	s30 =	simm.s32 $0x100  }
0x212: {  	[tilespmem:s31], [sflag:$0x1] =	stream.indirect.gather [hbm4b:s6+s20], $0x40, s30, s20, $0xb8;
	[tilespmem:$0x1CC00] =	vst v63  }
0x213: {  	s30 =	simm.s32 $0x180;
	s31 =	simm.s32 $0x6400  }
0x214: {  	[tilespmem:s31], [sflag:$0x1] =	stream.indirect.gather [hbm4b:s6+s20], $0x40, s30, s20, $0xb8;
	[tilespmem:$0x1CC00] =	vst v63  }
0x215: {  	_ =	swait.ge [sflag:s11], $0x2000  }
0x216: {  	[sflag:s11] =	ssyncset.done $0x0  }
0x217: {  	[sflag:s11] =	ssyncadd.s32 $0xFFFFE000  }
0x218: {  	_ =	swait.ge [sflag:s11], $0x2000  }
0x219: {  	[sflag:s11] =	ssyncset.done $0x0  }
0x21a: {  	[sflag:s11] =	ssyncadd.s32 $0xFFFFE000  }
0x21b: {  	_ =	swait.ge [sflag:s11], $0x2000  }
0x21c: {  	v0 =	vmov s26;
	[sflag:s11] =	ssyncset.done $0x0  }
0x21d: {  	[sflag:s11] =	ssyncadd.s32 $0xFFFFE000  }
0x21e: {  	_ =	swait.ge [sflag:s11], $0x2000  }
0x21f: {  	[sflag:s11] =	ssyncset.done $0x0  }
0x220: {  	s24 =	simm.s32 $0x0;
	[sflag:s11] =	ssyncadd.s32 $0xFFFFE000  }
0x221: {  	v1 =	vld.idx.msk [tilespmem:v0+s24+$0x1C0 ss:$0x1], $0xffff  }
0x222: {  	v2 =	vld.idx.msk [tilespmem:v0+s24+$0x0 ss:$0x1], $0xffff  }
0x223: {  	v3 =	vld.idx.msk [tilespmem:v0+s24+$0x40 ss:$0x1], $0xffff  }
0x224: {  	v4 =	vld.idx.msk [tilespmem:v0+s24+$0x80 ss:$0x1], $0xffff  }
0x225: {  	v5 =	vld.idx.msk [tilespmem:v0+s24+$0xC0 ss:$0x1], $0xffff  }
0x226: {  	v6 =	vld.idx.msk [tilespmem:v0+s24+$0x100 ss:$0x1], $0xffff  }
0x227: {  	v7 =	vld.idx.msk [tilespmem:v0+s24+$0x140 ss:$0x1], $0xffff  }
0x228: {  	v8 =	vld.idx.msk [tilespmem:v0+s24+$0x180 ss:$0x1], $0xffff  }
0x229: {  	[tilespmem:s24+$0x85C0] =	vst.add.f32.msk $0xffff, v1  }
0x22a: {  	[tilespmem:s24+$0x8400] =	vst.add.f32.msk $0xffff, v2  }
0x22b: {  	[tilespmem:s24+$0x8440] =	vst.add.f32.msk $0xffff, v3  }
0x22c: {  	[tilespmem:s24+$0x8480] =	vst.add.f32.msk $0xffff, v4  }
0x22d: {  	[tilespmem:s24+$0x84C0] =	vst.add.f32.msk $0xffff, v5  }
0x22e: {  	[tilespmem:s24+$0x8500] =	vst.add.f32.msk $0xffff, v6  }
0x22f: {  	[tilespmem:s24+$0x8540] =	vst.add.f32.msk $0xffff, v7  }
0x230: {  	[tilespmem:s24+$0x8580] =	vst.add.f32.msk $0xffff, v8  }
0x231: {  	v1 =	vld.idx.msk [tilespmem:v0+s24+$0x1D0 ss:$0x1], $0xffff  }
0x232: {  	v2 =	vld.idx.msk [tilespmem:v0+s24+$0x10 ss:$0x1], $0xffff  }
0x233: {  	v3 =	vld.idx.msk [tilespmem:v0+s24+$0x50 ss:$0x1], $0xffff  }
0x234: {  	v4 =	vld.idx.msk [tilespmem:v0+s24+$0x90 ss:$0x1], $0xffff  }
0x235: {  	v5 =	vld.idx.msk [tilespmem:v0+s24+$0xD0 ss:$0x1], $0xffff  }
0x236: {  	v6 =	vld.idx.msk [tilespmem:v0+s24+$0x110 ss:$0x1], $0xffff  }
0x237: {  	v7 =	vld.idx.msk [tilespmem:v0+s24+$0x150 ss:$0x1], $0xffff  }
0x238: {  	[tilespmem:s24+$0x85D0] =	vst.add.f32.msk $0xffff, v1  }
0x239: {  	[tilespmem:s24+$0x8410] =	vst.add.f32.msk $0xffff, v2  }
0x23a: {  	[tilespmem:s24+$0x8450] =	vst.add.f32.msk $0xffff, v3  }
0x23b: {  	[tilespmem:s24+$0x8490] =	vst.add.f32.msk $0xffff, v4  }
0x23c: {  	[tilespmem:s24+$0x84D0] =	vst.add.f32.msk $0xffff, v5  }
0x23d: {  	[tilespmem:s24+$0x8510] =	vst.add.f32.msk $0xffff, v6  }
0x23e: {  	[tilespmem:s24+$0x8550] =	vst.add.f32.msk $0xffff, v7  }
0x23f: {  	v1 =	vld.idx.msk [tilespmem:v0+s24+$0x1E0 ss:$0x1], $0xffff  }
0x240: {  	v2 =	vld.idx.msk [tilespmem:v0+s24+$0x60 ss:$0x1], $0xffff  }
0x241: {  	v3 =	vld.idx.msk [tilespmem:v0+s24+$0xA0 ss:$0x1], $0xffff  }
0x242: {  	v56 =	vld.idx.msk [tilespmem:v0+s24+$0xE0 ss:$0x1], $0xffff  }
0x243: {  	v57 =	vld.idx.msk [tilespmem:v0+s24+$0x120 ss:$0x1], $0xffff  }
0x244: {  	v58 =	vld.idx.msk [tilespmem:v0+s24+$0x160 ss:$0x1], $0xffff  }
0x245: {  	[tilespmem:s24+$0x85E0] =	vst.add.f32.msk $0xffff, v1  }
0x246: {  	[tilespmem:s24+$0x8460] =	vst.add.f32.msk $0xffff, v2  }
0x247: {  	v1 =	vld.idx.msk [tilespmem:v0+s24+$0x1F0 ss:$0x1], $0xffff  }
0x248: {  	[tilespmem:s24+$0x84A0] =	vst.add.f32.msk $0xffff, v3  }
0x249: {  	[tilespmem:s24+$0x84E0] =	vst.add.f32.msk $0xffff, v56  }
0x24a: {  	[tilespmem:s24+$0x8520] =	vst.add.f32.msk $0xffff, v57  }
0x24b: {  	[tilespmem:s24+$0x8560] =	vst.add.f32.msk $0xffff, v58  }
0x24c: {  	[tilespmem:s24+$0x85F0] =	vst.add.f32.msk $0xffff, v1  }
0x24d: {  	v1 =	vld.idx.msk [tilespmem:v0+s24+$0x190 ss:$0x1], $0xffff  }
0x24e: {  	v3 =	vld.idx.msk [tilespmem:v0+s24+$0x70 ss:$0x1], $0xffff  }
0x24f: {  	v60 =	vld.idx.msk [tilespmem:v0+s24+$0xB0 ss:$0x1], $0xffff  }
0x250: {  	v61 =	vld.idx.msk [tilespmem:v0+s24+$0xF0 ss:$0x1], $0xffff  }
0x251: {  	v62 =	vld.idx.msk [tilespmem:v0+s24+$0x130 ss:$0x1], $0xffff  }
0x252: {  	[tilespmem:s24+$0x8590] =	vst.add.f32.msk $0xffff, v1  }
0x253: {  	v1 =	vld.idx.msk [tilespmem:v0+s24+$0x20 ss:$0x1], $0xffff  }
0x254: {  	v59 =	vld.idx.msk [tilespmem:v0+s24+$0x1A0 ss:$0x1], $0xffff  }
0x255: {  	v63 =	vld.idx.msk [tilespmem:v0+s24+$0x170 ss:$0x1], $0xffff  }
0x256: {  	[tilespmem:s24+$0x8470] =	vst.add.f32.msk $0xffff, v3  }
0x257: {  	[tilespmem:s24+$0x84B0] =	vst.add.f32.msk $0xffff, v60  }
0x258: {  	[tilespmem:s24+$0x8420] =	vst.add.f32.msk $0xffff, v1  }
0x259: {  	[tilespmem:s24+$0x85A0] =	vst.add.f32.msk $0xffff, v59  }
0x25a: {  	v2 =	vld.idx.msk [tilespmem:v0+s24+$0x30 ss:$0x1], $0xffff  }
0x25b: {  	v1 =	vld.idx.msk [tilespmem:v0+s24+$0x1B0 ss:$0x1], $0xffff  }
0x25c: {  	[tilespmem:s24+$0x84F0] =	vst.add.f32.msk $0xffff, v61  }
0x25d: {  	[tilespmem:s24+$0x8530] =	vst.add.f32.msk $0xffff, v62  }
0x25e: {  	[tilespmem:s24+$0x8570] =	vst.add.f32.msk $0xffff, v63  }
0x25f: {  	s26 =	simm.s32 $0x800;
	s25 =	simm.s32 $0x0;
	[tilespmem:s24+$0x8430] =	vst.add.f32.msk $0xffff, v2  }
.LBB2_9:
0x260: {  	s25 =	sadd.s32 $0x8, s25;
	[tilespmem:s24+$0x85B0] =	vst.add.f32.msk $0xffff, v1;
	s24 =	sshra.s32 s26, $0x2  }
0x261: {  	v1 =	vld.idx.msk [tilespmem:v0+s24+$0x1C0 ss:$0x1], $0xffff;
	p0 =	slt.u32 s25, $0x1F8  }
0x262: {  	v2 =	vld.idx.msk [tilespmem:v0+s24+$0x0 ss:$0x1], $0xffff  }
0x263: {  	v3 =	vld.idx.msk [tilespmem:v0+s24+$0x40 ss:$0x1], $0xffff  }
0x264: {  	v4 =	vld.idx.msk [tilespmem:v0+s24+$0x80 ss:$0x1], $0xffff  }
0x265: {  	v5 =	vld.idx.msk [tilespmem:v0+s24+$0xC0 ss:$0x1], $0xffff  }
0x266: {  	v6 =	vld.idx.msk [tilespmem:v0+s24+$0x100 ss:$0x1], $0xffff  }
0x267: {  	[tilespmem:s24+$0x85C0] =	vst.add.f32.msk $0xffff, v1  }
0x268: {  	v1 =	vld.idx.msk [tilespmem:v0+s24+$0x1D0 ss:$0x1], $0xffff  }
0x269: {  	v7 =	vld.idx.msk [tilespmem:v0+s24+$0x140 ss:$0x1], $0xffff  }
0x26a: {  	v8 =	vld.idx.msk [tilespmem:v0+s24+$0x180 ss:$0x1], $0xffff  }
0x26b: {  	[tilespmem:s24+$0x8400] =	vst.add.f32.msk $0xffff, v2  }
0x26c: {  	[tilespmem:s24+$0x8440] =	vst.add.f32.msk $0xffff, v3  }
0x26d: {  	[tilespmem:s24+$0x8480] =	vst.add.f32.msk $0xffff, v4  }
0x26e: {  	[tilespmem:s24+$0x85D0] =	vst.add.f32.msk $0xffff, v1  }
0x26f: {  	v1 =	vld.idx.msk [tilespmem:v0+s24+$0x1E0 ss:$0x1], $0xffff  }
0x270: {  	[tilespmem:s24+$0x84C0] =	vst.add.f32.msk $0xffff, v5  }
0x271: {  	[tilespmem:s24+$0x8500] =	vst.add.f32.msk $0xffff, v6  }
0x272: {  	[tilespmem:s24+$0x8540] =	vst.add.f32.msk $0xffff, v7  }
0x273: {  	[tilespmem:s24+$0x8580] =	vst.add.f32.msk $0xffff, v8  }
0x274: {  	v2 =	vld.idx.msk [tilespmem:v0+s24+$0x10 ss:$0x1], $0xffff  }
0x275: {  	[tilespmem:s24+$0x85E0] =	vst.add.f32.msk $0xffff, v1  }
0x276: {  	v1 =	vld.idx.msk [tilespmem:v0+s24+$0x1F0 ss:$0x1], $0xffff  }
0x277: {  	v3 =	vld.idx.msk [tilespmem:v0+s24+$0x50 ss:$0x1], $0xffff  }
0x278: {  	v4 =	vld.idx.msk [tilespmem:v0+s24+$0x90 ss:$0x1], $0xffff  }
0x279: {  	v5 =	vld.idx.msk [tilespmem:v0+s24+$0xD0 ss:$0x1], $0xffff  }
0x27a: {  	v6 =	vld.idx.msk [tilespmem:v0+s24+$0x110 ss:$0x1], $0xffff  }
0x27b: {  	v7 =	vld.idx.msk [tilespmem:v0+s24+$0x150 ss:$0x1], $0xffff  }
0x27c: {  	[tilespmem:s24+$0x85F0] =	vst.add.f32.msk $0xffff, v1  }
0x27d: {  	v1 =	vld.idx.msk [tilespmem:v0+s24+$0x190 ss:$0x1], $0xffff  }
0x27e: {  	[tilespmem:s24+$0x8410] =	vst.add.f32.msk $0xffff, v2  }
0x27f: {  	[tilespmem:s24+$0x8450] =	vst.add.f32.msk $0xffff, v3  }
0x280: {  	[tilespmem:s24+$0x8490] =	vst.add.f32.msk $0xffff, v4  }
0x281: {  	[tilespmem:s24+$0x84D0] =	vst.add.f32.msk $0xffff, v5  }
0x282: {  	[tilespmem:s24+$0x8510] =	vst.add.f32.msk $0xffff, v6  }
0x283: {  	[tilespmem:s24+$0x8550] =	vst.add.f32.msk $0xffff, v7  }
0x284: {  	[tilespmem:s24+$0x8590] =	vst.add.f32.msk $0xffff, v1  }
0x285: {  	v1 =	vld.idx.msk [tilespmem:v0+s24+$0x20 ss:$0x1], $0xffff  }
0x286: {  	v2 =	vld.idx.msk [tilespmem:v0+s24+$0x60 ss:$0x1], $0xffff  }
0x287: {  	v3 =	vld.idx.msk [tilespmem:v0+s24+$0xA0 ss:$0x1], $0xffff  }
0x288: {  	v4 =	vld.idx.msk [tilespmem:v0+s24+$0xE0 ss:$0x1], $0xffff  }
0x289: {  	v5 =	vld.idx.msk [tilespmem:v0+s24+$0x120 ss:$0x1], $0xffff  }
0x28a: {  	v6 =	vld.idx.msk [tilespmem:v0+s24+$0x160 ss:$0x1], $0xffff  }
0x28b: {  	v7 =	vld.idx.msk [tilespmem:v0+s24+$0x1A0 ss:$0x1], $0xffff  }
0x28c: {  	[tilespmem:s24+$0x8420] =	vst.add.f32.msk $0xffff, v1  }
0x28d: {  	[tilespmem:s24+$0x8460] =	vst.add.f32.msk $0xffff, v2  }
0x28e: {  	[tilespmem:s24+$0x84A0] =	vst.add.f32.msk $0xffff, v3  }
0x28f: {  	[tilespmem:s24+$0x84E0] =	vst.add.f32.msk $0xffff, v4  }
0x290: {  	[tilespmem:s24+$0x8520] =	vst.add.f32.msk $0xffff, v5  }
0x291: {  	[tilespmem:s24+$0x8560] =	vst.add.f32.msk $0xffff, v6  }
0x292: {  	[tilespmem:s24+$0x85A0] =	vst.add.f32.msk $0xffff, v7  }
0x293: {  	v2 =	vld.idx.msk [tilespmem:v0+s24+$0x30 ss:$0x1], $0xffff  }
0x294: {  	v3 =	vld.idx.msk [tilespmem:v0+s24+$0x70 ss:$0x1], $0xffff  }
0x295: {  	v4 =	vld.idx.msk [tilespmem:v0+s24+$0xB0 ss:$0x1], $0xffff  }
0x296: {  	v5 =	vld.idx.msk [tilespmem:v0+s24+$0xF0 ss:$0x1], $0xffff  }
0x297: {  	v6 =	vld.idx.msk [tilespmem:v0+s24+$0x130 ss:$0x1], $0xffff  }
0x298: {  	v7 =	vld.idx.msk [tilespmem:v0+s24+$0x170 ss:$0x1], $0xffff  }
0x299: {  	v1 =	vld.idx.msk [tilespmem:v0+s24+$0x1B0 ss:$0x1], $0xffff  }
0x29a: {  	[tilespmem:s24+$0x8430] =	vst.add.f32.msk $0xffff, v2  }
.Ltmp3:
0x29b: {  	[tilespmem:s24+$0x8470] =	vst.add.f32.msk $0xffff, v3;
	(pc) =	sbr.rel @p0 .LBB2_9-.Ltmp3, $4  }
0x29c: {  	[tilespmem:s24+$0x84B0] =	vst.add.f32.msk $0xffff, v4  }
0x29d: {  	[tilespmem:s24+$0x84F0] =	vst.add.f32.msk $0xffff, v5  }
0x29e: {  	[tilespmem:s24+$0x8530] =	vst.add.f32.msk $0xffff, v6  }
0x29f: {  	s26 =	sadd.s32 $0x800, s26;
	[tilespmem:s24+$0x8570] =	vst.add.f32.msk $0xffff, v7  }
0x2a0: {  	p0 =	sne.s32 s22, $0x17  }
.Ltmp4:
0x2a1: {  	_ = 	snop;
	(pc) =	sbr.rel @p0 .LBB2_6-.Ltmp4, $4  }
0x2a2: {  	s23 =	sshll.u32 s23, $0x3  }
0x2a3: {  	s15 =	sadd.s32 $0x10000, s15;
	s16 =	sadd.s32 $0x400, s16;
	s23 =	sand.u32 $0x1FFFF000, s23  }
0x2a4: {  	[tilespmem:s24+$0x85B0] =	vst.add.f32.msk $0xffff, v1;
	s17 =	sadd.s32 $0x10000, s17;
	s13 =	sadd.s32 $0x400, s13;
	s23 =	sadd.s32 s2, s23  }
0x2a5: {  	[hbm4b:s23+s3] =	stream.linear.scatter [tilespmem:s29], [sflag:$0x4], $0x8000, $0x38;
	[tilespmem:$0x1CC00] =	vst v63  }
0x2a6: {  	s13 =	simm.s32 $0x0;
	s14 =	rddreg [dreg:$0x9]  }
0x2a7: {  	[tilespmem:s28], [sflag:$0x5] =	stream.linear.gather [hbm4b:s14+s13], $0x200, $0x38;
	[tilespmem:$0x1CC00] =	vst v63  }
0x2a8: {  	_ =	swait.ge [sflag:s19], $0x200  }
0x2a9: {  	[sflag:s19] =	ssyncset.done $0x0  }
0x2aa: {  	[sflag:s19] =	ssyncadd.s32 $0xFFFFFE00  }
0x2ab: {  	_ =	swait.ge [sflag:s12], $0x8000  }
0x2ac: {  	[sflag:s12] =	ssyncset.done $0x0  }
0x2ad: {  	[sflag:s12] =	ssyncadd.s32 $0xFFFF8000  }
0x2ae: {  	[tilespmem:s29], [sflag:$0x2] =	stream.indirect.gather [hbm4b:s6+s20], $0x40, s28, s20, $0xb8;
	[tilespmem:$0x1CC00] =	vst v63  }
0x2af: {  	s30 =	simm.s32 $0x280;
	s31 =	simm.s32 $0xA400  }
0x2b0: {  	[tilespmem:s31], [sflag:$0x2] =	stream.indirect.gather [hbm4b:s6+s20], $0x40, s30, s20, $0xb8;
	[tilespmem:$0x1CC00] =	vst v63  }
0x2b1: {  	_ = 	snop  }
0x2b2: {  	[tilespmem:s0], [sflag:$0x2] =	stream.indirect.gather [hbm4b:s6+s20], $0x40, s1, s20, $0xb8;
	[tilespmem:$0x1CC00] =	vst v63  }
0x2b3: {  	_ = 	snop  }
0x2b4: {  	[tilespmem:s7], [sflag:$0x2] =	stream.indirect.gather [hbm4b:s6+s20], $0x40, s18, s20, $0xb8;
	[tilespmem:$0x1CC00] =	vst v63  }
0x2b5: {  	_ =	swait.ge [sflag:s8], $0x2000  }
0x2b6: {  	[sflag:s8] =	ssyncset.done $0x0  }
0x2b7: {  	[sflag:s8] =	ssyncadd.s32 $0xFFFFE000  }
0x2b8: {  	_ =	swait.ge [sflag:s8], $0x2000  }
0x2b9: {  	[sflag:s8] =	ssyncset.done $0x0  }
0x2ba: {  	[sflag:s8] =	ssyncadd.s32 $0xFFFFE000  }
0x2bb: {  	_ =	swait.ge [sflag:s8], $0x2000  }
0x2bc: {  	[sflag:s8] =	ssyncset.done $0x0  }
0x2bd: {  	[sflag:s8] =	ssyncadd.s32 $0xFFFFE000  }
0x2be: {  	_ =	swait.ge [sflag:s8], $0x2000  }
0x2bf: {  	[sflag:s8] =	ssyncset.done $0x0  }
0x2c0: {  	s13 =	simm.s32 $0x0;
	[sflag:s8] =	ssyncadd.s32 $0xFFFFE000  }
0x2c1: {  	v0 =	vld [tilespmem:s13+$0x131F0]  }
0x2c2: {  	v1 =	vld [tilespmem:s13+$0x13000]  }
0x2c3: {  	v2 =	vld [tilespmem:s13+$0x13010]  }
0x2c4: {  	v3 =	vld [tilespmem:s13+$0x13020]  }
0x2c5: {  	v4 =	vld [tilespmem:s13+$0x13030]  }
0x2c6: {  	v5 =	vld [tilespmem:s13+$0x13040]  }
0x2c7: {  	v6 =	vld [tilespmem:s13+$0x13050]  }
0x2c8: {  	v7 =	vld [tilespmem:s13+$0x13060]  }
0x2c9: {  	v8 =	vld [tilespmem:s13+$0x13070]  }
0x2ca: {  	v9 =	vld [tilespmem:s13+$0x13080]  }
0x2cb: {  	v10 =	vld [tilespmem:s13+$0x13090]  }
0x2cc: {  	v11 =	vld [tilespmem:s13+$0x130A0]  }
0x2cd: {  	v12 =	vld [tilespmem:s13+$0x130B0]  }
0x2ce: {  	v13 =	vld [tilespmem:s13+$0x130C0]  }
0x2cf: {  	v14 =	vld [tilespmem:s13+$0x130D0]  }
0x2d0: {  	v15 =	vld [tilespmem:s13+$0x130E0]  }
0x2d1: {  	v16 =	vld [tilespmem:s13+$0x130F0]  }
0x2d2: {  	v17 =	vld [tilespmem:s13+$0x13100]  }
0x2d3: {  	v18 =	vld [tilespmem:s13+$0x13110]  }
0x2d4: {  	v19 =	vld [tilespmem:s13+$0x13120]  }
0x2d5: {  	v20 =	vld [tilespmem:s13+$0x13130]  }
0x2d6: {  	v21 =	vld [tilespmem:s13+$0x13140]  }
0x2d7: {  	v22 =	vld [tilespmem:s13+$0x13150]  }
0x2d8: {  	v23 =	vld [tilespmem:s13+$0x13160]  }
0x2d9: {  	v24 =	vld [tilespmem:s13+$0x13170]  }
0x2da: {  	v25 =	vld [tilespmem:s13+$0x13180]  }
0x2db: {  	v26 =	vld [tilespmem:s13+$0x13190]  }
0x2dc: {  	v27 =	vld [tilespmem:s13+$0x131A0]  }
0x2dd: {  	v28 =	vld [tilespmem:s13+$0x131B0]  }
0x2de: {  	v29 =	vld [tilespmem:s13+$0x131C0]  }
0x2df: {  	v30 =	vld [tilespmem:s13+$0x131D0]  }
0x2e0: {  	[tilespmem:s13+$0x5F0] =	vst.add.f32.msk $0xffff, v0  }
0x2e1: {  	v0 =	vld [tilespmem:s13+$0x131E0]  }
0x2e2: {  	[tilespmem:s13+$0x400] =	vst.add.f32.msk $0xffff, v1  }
0x2e3: {  	[tilespmem:s13+$0x410] =	vst.add.f32.msk $0xffff, v2  }
0x2e4: {  	[tilespmem:s13+$0x420] =	vst.add.f32.msk $0xffff, v3  }
0x2e5: {  	[tilespmem:s13+$0x430] =	vst.add.f32.msk $0xffff, v4  }
0x2e6: {  	[tilespmem:s13+$0x440] =	vst.add.f32.msk $0xffff, v5  }
0x2e7: {  	[tilespmem:s13+$0x450] =	vst.add.f32.msk $0xffff, v6  }
0x2e8: {  	[tilespmem:s13+$0x460] =	vst.add.f32.msk $0xffff, v7  }
0x2e9: {  	[tilespmem:s13+$0x470] =	vst.add.f32.msk $0xffff, v8  }
0x2ea: {  	[tilespmem:s13+$0x480] =	vst.add.f32.msk $0xffff, v9  }
0x2eb: {  	[tilespmem:s13+$0x490] =	vst.add.f32.msk $0xffff, v10  }
0x2ec: {  	[tilespmem:s13+$0x4A0] =	vst.add.f32.msk $0xffff, v11  }
0x2ed: {  	[tilespmem:s13+$0x4B0] =	vst.add.f32.msk $0xffff, v12  }
0x2ee: {  	[tilespmem:s13+$0x4C0] =	vst.add.f32.msk $0xffff, v13  }
0x2ef: {  	[tilespmem:s13+$0x4D0] =	vst.add.f32.msk $0xffff, v14  }
0x2f0: {  	[tilespmem:s13+$0x4E0] =	vst.add.f32.msk $0xffff, v15  }
0x2f1: {  	[tilespmem:s13+$0x4F0] =	vst.add.f32.msk $0xffff, v16  }
0x2f2: {  	[tilespmem:s13+$0x500] =	vst.add.f32.msk $0xffff, v17  }
0x2f3: {  	[tilespmem:s13+$0x510] =	vst.add.f32.msk $0xffff, v18  }
0x2f4: {  	[tilespmem:s13+$0x520] =	vst.add.f32.msk $0xffff, v19  }
0x2f5: {  	[tilespmem:s13+$0x530] =	vst.add.f32.msk $0xffff, v20  }
0x2f6: {  	[tilespmem:s13+$0x540] =	vst.add.f32.msk $0xffff, v21  }
0x2f7: {  	[tilespmem:s13+$0x550] =	vst.add.f32.msk $0xffff, v22  }
0x2f8: {  	[tilespmem:s13+$0x560] =	vst.add.f32.msk $0xffff, v23  }
0x2f9: {  	[tilespmem:s13+$0x570] =	vst.add.f32.msk $0xffff, v24  }
0x2fa: {  	[tilespmem:s13+$0x580] =	vst.add.f32.msk $0xffff, v25  }
0x2fb: {  	[tilespmem:s13+$0x590] =	vst.add.f32.msk $0xffff, v26  }
0x2fc: {  	[tilespmem:s13+$0x5A0] =	vst.add.f32.msk $0xffff, v27  }
0x2fd: {  	[tilespmem:s13+$0x5B0] =	vst.add.f32.msk $0xffff, v28  }
0x2fe: {  	[tilespmem:s13+$0x5C0] =	vst.add.f32.msk $0xffff, v29  }
0x2ff: {  	s15 =	simm.s32 $0x800;
	s14 =	simm.s32 $0x0;
	[tilespmem:s13+$0x5D0] =	vst.add.f32.msk $0xffff, v30  }
.LBB2_12:
0x300: {  	s14 =	sadd.s32 $0x8, s14;
	[tilespmem:s13+$0x5E0] =	vst.add.f32.msk $0xffff, v0;
	s13 =	sshra.s32 s15, $0x2  }
0x301: {  	v0 =	vld [tilespmem:s13+$0x131F0];
	p0 =	slt.u32 s14, $0x1F8  }
0x302: {  	v1 =	vld [tilespmem:s13+$0x13000]  }
0x303: {  	v2 =	vld [tilespmem:s13+$0x13010]  }
0x304: {  	v3 =	vld [tilespmem:s13+$0x13020]  }
0x305: {  	v4 =	vld [tilespmem:s13+$0x13030]  }
0x306: {  	[tilespmem:s13+$0x5F0] =	vst.add.f32.msk $0xffff, v0  }
0x307: {  	v5 =	vld [tilespmem:s13+$0x13040]  }
0x308: {  	v6 =	vld [tilespmem:s13+$0x13050]  }
0x309: {  	v7 =	vld [tilespmem:s13+$0x13060]  }
0x30a: {  	v8 =	vld [tilespmem:s13+$0x13070]  }
0x30b: {  	v9 =	vld [tilespmem:s13+$0x13080]  }
0x30c: {  	v10 =	vld [tilespmem:s13+$0x13090]  }
0x30d: {  	v11 =	vld [tilespmem:s13+$0x130A0]  }
0x30e: {  	v12 =	vld [tilespmem:s13+$0x130B0]  }
0x30f: {  	v13 =	vld [tilespmem:s13+$0x130C0]  }
0x310: {  	v14 =	vld [tilespmem:s13+$0x130D0]  }
0x311: {  	v15 =	vld [tilespmem:s13+$0x130E0]  }
0x312: {  	v16 =	vld [tilespmem:s13+$0x130F0]  }
0x313: {  	v17 =	vld [tilespmem:s13+$0x13100]  }
0x314: {  	v18 =	vld [tilespmem:s13+$0x13110]  }
0x315: {  	v19 =	vld [tilespmem:s13+$0x13120]  }
0x316: {  	v20 =	vld [tilespmem:s13+$0x13130]  }
0x317: {  	v21 =	vld [tilespmem:s13+$0x13140]  }
0x318: {  	v22 =	vld [tilespmem:s13+$0x13150]  }
0x319: {  	v23 =	vld [tilespmem:s13+$0x13160]  }
0x31a: {  	v24 =	vld [tilespmem:s13+$0x13170]  }
0x31b: {  	v25 =	vld [tilespmem:s13+$0x13180]  }
0x31c: {  	v26 =	vld [tilespmem:s13+$0x13190]  }
0x31d: {  	v27 =	vld [tilespmem:s13+$0x131A0]  }
0x31e: {  	v28 =	vld [tilespmem:s13+$0x131B0]  }
0x31f: {  	v29 =	vld [tilespmem:s13+$0x131C0]  }
0x320: {  	v30 =	vld [tilespmem:s13+$0x131D0]  }
0x321: {  	v0 =	vld [tilespmem:s13+$0x131E0]  }
0x322: {  	[tilespmem:s13+$0x400] =	vst.add.f32.msk $0xffff, v1  }
0x323: {  	[tilespmem:s13+$0x410] =	vst.add.f32.msk $0xffff, v2  }
0x324: {  	[tilespmem:s13+$0x420] =	vst.add.f32.msk $0xffff, v3  }
0x325: {  	[tilespmem:s13+$0x430] =	vst.add.f32.msk $0xffff, v4  }
0x326: {  	[tilespmem:s13+$0x440] =	vst.add.f32.msk $0xffff, v5  }
0x327: {  	[tilespmem:s13+$0x450] =	vst.add.f32.msk $0xffff, v6  }
0x328: {  	[tilespmem:s13+$0x460] =	vst.add.f32.msk $0xffff, v7  }
0x329: {  	[tilespmem:s13+$0x470] =	vst.add.f32.msk $0xffff, v8  }
0x32a: {  	[tilespmem:s13+$0x480] =	vst.add.f32.msk $0xffff, v9  }
0x32b: {  	[tilespmem:s13+$0x490] =	vst.add.f32.msk $0xffff, v10  }
0x32c: {  	[tilespmem:s13+$0x4A0] =	vst.add.f32.msk $0xffff, v11  }
0x32d: {  	[tilespmem:s13+$0x4B0] =	vst.add.f32.msk $0xffff, v12  }
0x32e: {  	[tilespmem:s13+$0x4C0] =	vst.add.f32.msk $0xffff, v13  }
0x32f: {  	[tilespmem:s13+$0x4D0] =	vst.add.f32.msk $0xffff, v14  }
0x330: {  	[tilespmem:s13+$0x4E0] =	vst.add.f32.msk $0xffff, v15  }
0x331: {  	[tilespmem:s13+$0x4F0] =	vst.add.f32.msk $0xffff, v16  }
0x332: {  	[tilespmem:s13+$0x500] =	vst.add.f32.msk $0xffff, v17  }
0x333: {  	[tilespmem:s13+$0x510] =	vst.add.f32.msk $0xffff, v18  }
0x334: {  	[tilespmem:s13+$0x520] =	vst.add.f32.msk $0xffff, v19  }
0x335: {  	[tilespmem:s13+$0x530] =	vst.add.f32.msk $0xffff, v20  }
0x336: {  	[tilespmem:s13+$0x540] =	vst.add.f32.msk $0xffff, v21  }
0x337: {  	[tilespmem:s13+$0x550] =	vst.add.f32.msk $0xffff, v22  }
0x338: {  	[tilespmem:s13+$0x560] =	vst.add.f32.msk $0xffff, v23  }
0x339: {  	[tilespmem:s13+$0x570] =	vst.add.f32.msk $0xffff, v24  }
0x33a: {  	[tilespmem:s13+$0x580] =	vst.add.f32.msk $0xffff, v25  }
.Ltmp5:
0x33b: {  	[tilespmem:s13+$0x590] =	vst.add.f32.msk $0xffff, v26;
	(pc) =	sbr.rel @p0 .LBB2_12-.Ltmp5, $4  }
0x33c: {  	[tilespmem:s13+$0x5A0] =	vst.add.f32.msk $0xffff, v27  }
0x33d: {  	[tilespmem:s13+$0x5B0] =	vst.add.f32.msk $0xffff, v28  }
0x33e: {  	[tilespmem:s13+$0x5C0] =	vst.add.f32.msk $0xffff, v29  }
0x33f: {  	s15 =	sadd.s32 $0x800, s15;
	[tilespmem:s13+$0x5D0] =	vst.add.f32.msk $0xffff, v30  }
0x340: {  	[tilespmem:s13+$0x5E0] =	vst.add.f32.msk $0xffff, v0  }
0x341: {  	s31 =	simm.s32 $0x0;
	s14 =	rddreg [dreg:$0xa]  }
0x342: {  	[hbm4b:s14+s31] =	stream.linear.scatter [tilespmem:s21], [sflag:$0x3], $0x8000, $0x38;
	[tilespmem:$0x1CC00] =	vst v63  }
0x343: {  	_ =	swait.ge [sflag:s11], $0x2000  }
0x344: {  	[sflag:s11] =	ssyncset.done $0x0  }
0x345: {  	[sflag:s11] =	ssyncadd.s32 $0xFFFFE000  }
0x346: {  	_ =	swait.ge [sflag:s11], $0x2000  }
0x347: {  	[sflag:s11] =	ssyncset.done $0x0  }
0x348: {  	[sflag:s11] =	ssyncadd.s32 $0xFFFFE000  }
0x349: {  	_ =	swait.ge [sflag:s11], $0x2000  }
0x34a: {  	[sflag:s11] =	ssyncset.done $0x0  }
0x34b: {  	[sflag:s11] =	ssyncadd.s32 $0xFFFFE000  }
0x34c: {  	_ =	swait.ge [sflag:s11], $0x2000  }
0x34d: {  	[sflag:s11] =	ssyncset.done $0x0  }
0x34e: {  	s13 =	simm.s32 $0x0;
	[sflag:s11] =	ssyncadd.s32 $0xFFFFE000  }
0x34f: {  	v0 =	vld [tilespmem:s13+$0x11BF0]  }
0x350: {  	v1 =	vld [tilespmem:s13+$0x11A00]  }
0x351: {  	v2 =	vld [tilespmem:s13+$0x11A10]  }
0x352: {  	v3 =	vld [tilespmem:s13+$0x11A20]  }
0x353: {  	v4 =	vld [tilespmem:s13+$0x11A30]  }
0x354: {  	v5 =	vld [tilespmem:s13+$0x11A40]  }
0x355: {  	v6 =	vld [tilespmem:s13+$0x11A50]  }
0x356: {  	v7 =	vld [tilespmem:s13+$0x11A60]  }
0x357: {  	v8 =	vld [tilespmem:s13+$0x11A70]  }
0x358: {  	v9 =	vld [tilespmem:s13+$0x11A80]  }
0x359: {  	v10 =	vld [tilespmem:s13+$0x11A90]  }
0x35a: {  	v11 =	vld [tilespmem:s13+$0x11AA0]  }
0x35b: {  	v12 =	vld [tilespmem:s13+$0x11AB0]  }
0x35c: {  	v13 =	vld [tilespmem:s13+$0x11AC0]  }
0x35d: {  	v14 =	vld [tilespmem:s13+$0x11AD0]  }
0x35e: {  	v15 =	vld [tilespmem:s13+$0x11AE0]  }
0x35f: {  	v16 =	vld [tilespmem:s13+$0x11AF0]  }
0x360: {  	v17 =	vld [tilespmem:s13+$0x11B00]  }
0x361: {  	v18 =	vld [tilespmem:s13+$0x11B10]  }
0x362: {  	v19 =	vld [tilespmem:s13+$0x11B20]  }
0x363: {  	v20 =	vld [tilespmem:s13+$0x11B30]  }
0x364: {  	v21 =	vld [tilespmem:s13+$0x11B40]  }
0x365: {  	v22 =	vld [tilespmem:s13+$0x11B50]  }
0x366: {  	v23 =	vld [tilespmem:s13+$0x11B60]  }
0x367: {  	v24 =	vld [tilespmem:s13+$0x11B70]  }
0x368: {  	v25 =	vld [tilespmem:s13+$0x11B80]  }
0x369: {  	v26 =	vld [tilespmem:s13+$0x11B90]  }
0x36a: {  	v27 =	vld [tilespmem:s13+$0x11BA0]  }
0x36b: {  	v28 =	vld [tilespmem:s13+$0x11BB0]  }
0x36c: {  	v29 =	vld [tilespmem:s13+$0x11BC0]  }
0x36d: {  	v30 =	vld [tilespmem:s13+$0x11BD0]  }
0x36e: {  	[tilespmem:s13+$0x85F0] =	vst.add.f32.msk $0xffff, v0  }
0x36f: {  	v0 =	vld [tilespmem:s13+$0x11BE0]  }
0x370: {  	[tilespmem:s13+$0x8400] =	vst.add.f32.msk $0xffff, v1  }
0x371: {  	[tilespmem:s13+$0x8410] =	vst.add.f32.msk $0xffff, v2  }
0x372: {  	[tilespmem:s13+$0x8420] =	vst.add.f32.msk $0xffff, v3  }
0x373: {  	[tilespmem:s13+$0x8430] =	vst.add.f32.msk $0xffff, v4  }
0x374: {  	[tilespmem:s13+$0x8440] =	vst.add.f32.msk $0xffff, v5  }
0x375: {  	[tilespmem:s13+$0x8450] =	vst.add.f32.msk $0xffff, v6  }
0x376: {  	[tilespmem:s13+$0x8460] =	vst.add.f32.msk $0xffff, v7  }
0x377: {  	[tilespmem:s13+$0x8470] =	vst.add.f32.msk $0xffff, v8  }
0x378: {  	[tilespmem:s13+$0x8480] =	vst.add.f32.msk $0xffff, v9  }
0x379: {  	[tilespmem:s13+$0x8490] =	vst.add.f32.msk $0xffff, v10  }
0x37a: {  	[tilespmem:s13+$0x84A0] =	vst.add.f32.msk $0xffff, v11  }
0x37b: {  	[tilespmem:s13+$0x84B0] =	vst.add.f32.msk $0xffff, v12  }
0x37c: {  	[tilespmem:s13+$0x84C0] =	vst.add.f32.msk $0xffff, v13  }
0x37d: {  	[tilespmem:s13+$0x84D0] =	vst.add.f32.msk $0xffff, v14  }
0x37e: {  	[tilespmem:s13+$0x84E0] =	vst.add.f32.msk $0xffff, v15  }
0x37f: {  	[tilespmem:s13+$0x84F0] =	vst.add.f32.msk $0xffff, v16  }
0x380: {  	[tilespmem:s13+$0x8500] =	vst.add.f32.msk $0xffff, v17  }
0x381: {  	[tilespmem:s13+$0x8510] =	vst.add.f32.msk $0xffff, v18  }
0x382: {  	[tilespmem:s13+$0x8520] =	vst.add.f32.msk $0xffff, v19  }
0x383: {  	[tilespmem:s13+$0x8530] =	vst.add.f32.msk $0xffff, v20  }
0x384: {  	[tilespmem:s13+$0x8540] =	vst.add.f32.msk $0xffff, v21  }
0x385: {  	[tilespmem:s13+$0x8550] =	vst.add.f32.msk $0xffff, v22  }
0x386: {  	[tilespmem:s13+$0x8560] =	vst.add.f32.msk $0xffff, v23  }
0x387: {  	[tilespmem:s13+$0x8570] =	vst.add.f32.msk $0xffff, v24  }
0x388: {  	[tilespmem:s13+$0x8580] =	vst.add.f32.msk $0xffff, v25  }
0x389: {  	[tilespmem:s13+$0x8590] =	vst.add.f32.msk $0xffff, v26  }
0x38a: {  	[tilespmem:s13+$0x85A0] =	vst.add.f32.msk $0xffff, v27  }
0x38b: {  	[tilespmem:s13+$0x85B0] =	vst.add.f32.msk $0xffff, v28  }
0x38c: {  	[tilespmem:s13+$0x85C0] =	vst.add.f32.msk $0xffff, v29  }
0x38d: {  	s15 =	simm.s32 $0x800;
	s14 =	simm.s32 $0x0;
	[tilespmem:s13+$0x85D0] =	vst.add.f32.msk $0xffff, v30  }
.LBB2_14:
0x38e: {  	s14 =	sadd.s32 $0x8, s14;
	[tilespmem:s13+$0x85E0] =	vst.add.f32.msk $0xffff, v0;
	s13 =	sshra.s32 s15, $0x2  }
0x38f: {  	v0 =	vld [tilespmem:s13+$0x11BF0];
	p0 =	slt.u32 s14, $0x1F8  }
0x390: {  	v1 =	vld [tilespmem:s13+$0x11A00]  }
0x391: {  	v2 =	vld [tilespmem:s13+$0x11A10]  }
0x392: {  	v3 =	vld [tilespmem:s13+$0x11A20]  }
0x393: {  	v4 =	vld [tilespmem:s13+$0x11A30]  }
0x394: {  	[tilespmem:s13+$0x85F0] =	vst.add.f32.msk $0xffff, v0  }
0x395: {  	v5 =	vld [tilespmem:s13+$0x11A40]  }
0x396: {  	v6 =	vld [tilespmem:s13+$0x11A50]  }
0x397: {  	v7 =	vld [tilespmem:s13+$0x11A60]  }
0x398: {  	v8 =	vld [tilespmem:s13+$0x11A70]  }
0x399: {  	v9 =	vld [tilespmem:s13+$0x11A80]  }
0x39a: {  	v10 =	vld [tilespmem:s13+$0x11A90]  }
0x39b: {  	v11 =	vld [tilespmem:s13+$0x11AA0]  }
0x39c: {  	v12 =	vld [tilespmem:s13+$0x11AB0]  }
0x39d: {  	v13 =	vld [tilespmem:s13+$0x11AC0]  }
0x39e: {  	v14 =	vld [tilespmem:s13+$0x11AD0]  }
0x39f: {  	v15 =	vld [tilespmem:s13+$0x11AE0]  }
0x3a0: {  	v16 =	vld [tilespmem:s13+$0x11AF0]  }
0x3a1: {  	v17 =	vld [tilespmem:s13+$0x11B00]  }
0x3a2: {  	v18 =	vld [tilespmem:s13+$0x11B10]  }
0x3a3: {  	v19 =	vld [tilespmem:s13+$0x11B20]  }
0x3a4: {  	v20 =	vld [tilespmem:s13+$0x11B30]  }
0x3a5: {  	v21 =	vld [tilespmem:s13+$0x11B40]  }
0x3a6: {  	v22 =	vld [tilespmem:s13+$0x11B50]  }
0x3a7: {  	v23 =	vld [tilespmem:s13+$0x11B60]  }
0x3a8: {  	v24 =	vld [tilespmem:s13+$0x11B70]  }
0x3a9: {  	v25 =	vld [tilespmem:s13+$0x11B80]  }
0x3aa: {  	v26 =	vld [tilespmem:s13+$0x11B90]  }
0x3ab: {  	v27 =	vld [tilespmem:s13+$0x11BA0]  }
0x3ac: {  	v28 =	vld [tilespmem:s13+$0x11BB0]  }
0x3ad: {  	v29 =	vld [tilespmem:s13+$0x11BC0]  }
0x3ae: {  	v30 =	vld [tilespmem:s13+$0x11BD0]  }
0x3af: {  	v0 =	vld [tilespmem:s13+$0x11BE0]  }
0x3b0: {  	[tilespmem:s13+$0x8400] =	vst.add.f32.msk $0xffff, v1  }
0x3b1: {  	[tilespmem:s13+$0x8410] =	vst.add.f32.msk $0xffff, v2  }
0x3b2: {  	[tilespmem:s13+$0x8420] =	vst.add.f32.msk $0xffff, v3  }
0x3b3: {  	[tilespmem:s13+$0x8430] =	vst.add.f32.msk $0xffff, v4  }
0x3b4: {  	[tilespmem:s13+$0x8440] =	vst.add.f32.msk $0xffff, v5  }
0x3b5: {  	[tilespmem:s13+$0x8450] =	vst.add.f32.msk $0xffff, v6  }
0x3b6: {  	[tilespmem:s13+$0x8460] =	vst.add.f32.msk $0xffff, v7  }
0x3b7: {  	[tilespmem:s13+$0x8470] =	vst.add.f32.msk $0xffff, v8  }
0x3b8: {  	[tilespmem:s13+$0x8480] =	vst.add.f32.msk $0xffff, v9  }
0x3b9: {  	[tilespmem:s13+$0x8490] =	vst.add.f32.msk $0xffff, v10  }
0x3ba: {  	[tilespmem:s13+$0x84A0] =	vst.add.f32.msk $0xffff, v11  }
0x3bb: {  	[tilespmem:s13+$0x84B0] =	vst.add.f32.msk $0xffff, v12  }
0x3bc: {  	[tilespmem:s13+$0x84C0] =	vst.add.f32.msk $0xffff, v13  }
0x3bd: {  	[tilespmem:s13+$0x84D0] =	vst.add.f32.msk $0xffff, v14  }
0x3be: {  	[tilespmem:s13+$0x84E0] =	vst.add.f32.msk $0xffff, v15  }
0x3bf: {  	[tilespmem:s13+$0x84F0] =	vst.add.f32.msk $0xffff, v16  }
0x3c0: {  	[tilespmem:s13+$0x8500] =	vst.add.f32.msk $0xffff, v17  }
0x3c1: {  	[tilespmem:s13+$0x8510] =	vst.add.f32.msk $0xffff, v18  }
0x3c2: {  	[tilespmem:s13+$0x8520] =	vst.add.f32.msk $0xffff, v19  }
0x3c3: {  	[tilespmem:s13+$0x8530] =	vst.add.f32.msk $0xffff, v20  }
0x3c4: {  	[tilespmem:s13+$0x8540] =	vst.add.f32.msk $0xffff, v21  }
0x3c5: {  	[tilespmem:s13+$0x8550] =	vst.add.f32.msk $0xffff, v22  }
0x3c6: {  	[tilespmem:s13+$0x8560] =	vst.add.f32.msk $0xffff, v23  }
0x3c7: {  	[tilespmem:s13+$0x8570] =	vst.add.f32.msk $0xffff, v24  }
0x3c8: {  	[tilespmem:s13+$0x8580] =	vst.add.f32.msk $0xffff, v25  }
.Ltmp6:
0x3c9: {  	[tilespmem:s13+$0x8590] =	vst.add.f32.msk $0xffff, v26;
	(pc) =	sbr.rel @p0 .LBB2_14-.Ltmp6, $4  }
0x3ca: {  	[tilespmem:s13+$0x85A0] =	vst.add.f32.msk $0xffff, v27  }
0x3cb: {  	[tilespmem:s13+$0x85B0] =	vst.add.f32.msk $0xffff, v28  }
0x3cc: {  	[tilespmem:s13+$0x85C0] =	vst.add.f32.msk $0xffff, v29  }
0x3cd: {  	s15 =	sadd.s32 $0x800, s15;
	[tilespmem:s13+$0x85D0] =	vst.add.f32.msk $0xffff, v30  }
0x3ce: {  	[tilespmem:s13+$0x85E0] =	vst.add.f32.msk $0xffff, v0  }
0x3cf: {  	s13 =	rddreg [dreg:$0xb]  }
0x3d0: {  	[hbm4b:s13+s3] =	stream.linear.scatter [tilespmem:s29], [sflag:$0x4], $0x8000, $0x38;
	[tilespmem:$0x1CC00] =	vst v63  }
0x3d1: {  	_ =	swait.ge [sflag:s10], $0x8000  }
0x3d2: {  	[sflag:s10] =	ssyncset.done $0x0  }
0x3d3: {  	[sflag:s10] =	ssyncadd.s32 $0xFFFF8000  }
0x3d4: {  	_ =	swait.ge [sflag:s12], $0x8000  }
0x3d5: {  	s14 =	rddreg [dreg:$0xd]  }
0x3d6: {  	s31 =	rddreg [dreg:$0xc];
	s14 =	sadd.s32 $0x1, s14  }
0x3d7: {  	p0 =	sne.s32 s14, s31  }
.Ltmp7:
0x3d8: {  	_ = 	snop;
	(pc) =	sbr.rel @p0 .LBB2_1-.Ltmp7, $3  }
0x3d9: {  	_ =	sdelay $0x1  }
0x3da: {  	[sflag:s12] =	ssyncset.done $0x0  }
0x3db: {  	[sflag:s12] =	ssyncadd.s32 $0xFFFF8000  }
0x3dc: {  	_ =	sfence.sel $0x180000  }
0x3dd: {  	[bflag:$0x0] =	sbarrier.arrive $0xFFFF  }
0x3de: {  	_ =	strace $0x90000047  }
0x3df: {  	s0 =	stileid.u32;
	[bflag:$0x2] =	sbarrier.arrive $0xFFFF  }
0x3e0: {  	p0 =	sne.s32 s0, $0x0;
	s0 =	rddreg [dreg:$0x2]  }
0x3e1: {  	s0 =	sadd.s32 @!p0 $0x100000, s0  }
0x3e2: {  	[sflag:s0] =	ssyncadd.tile.s32 @!p0 $0x1;
	_ =	shalt  }
.Lfunc_end2:
_tile_overlayer_lowered:
.L_overlay_start_2:
0x3e3: {  	(tag) =	ssettag $0x2  }
0x3e4: {  	s0 =	rddreg [dreg:$0x0];
	s2 =	stileid.u32  }
0x3e5: {  	s1 =	rddreg [dreg:$0x1];
	p0 =	sne.s32 s2, $0x0  }
0x3e6: {  	s3 =	rddreg [dreg:$0x2];
	[bflag:$0x3] =	sbarrier.arrive $0xFFFF;
	s2 =	simm.s32 @!p0 $0x1C05  }
0x3e7: {  	[timem:s3], [sflag:s2] =	dma.local @!p0 [hbm:s0], s1  }
0x3e8: {  	s0 =	simm.s32 @!p0 $0x5  }
0x3e9: {  	_ =	swait.ge @!p0 [sflag:s0], s1  }
0x3ea: {  	s1 =	ssub.s32 @!p0 $0x0, s1;
	[sflag:s0] =	ssyncset.done @!p0 $0x0  }
0x3eb: {  	[sflag:s0] =	ssyncadd.s32 @!p0 s1  }
0x3ec: {  	[bflag:$0x3] =	sbarrier.arrive $0xFFFF  }
0x3ed: {  	_ =	shalt  }

// kernel: sparse-core-data-format-call.cloned.1.call-start
scs
called_computation_lowered:
.L_overlay_start_0:
0x0: {  	s2 =	sld [smem:$0x3FD9]  }
0x1: {  	s3 =	sld [smem:$0x3FFE];
	_ =	sdelay $0x1  }
0x2: {  	s1 =	srdreg.scid  }
0x3: {  	s0 =	sand.u32 $0x1, s1  }
0x4: {  	s18 =	sshll.u32 s0, $0xA;
	s2 =	sadd.s32 s3, s2  }
0x5: {  	s2 =	sadd.s32 s2, s18  }
0x6: {  	[smem:$0x3FC5] =	sst s2  }
0x7: {  	_ = 	snop  }
0x8: {  	s2 =	sld [smem:$0x3FD0];
	(tm) =	ssettm $0x1  }
0x9: {  	s19 =	sld [smem:$0x3FFB];
	_ =	sdelay $0x3  }
0xa: {  	_ =	strace s19  }
0xb: {  	s3 =	sld [smem:$0x3FFC];
	_ =	sdelay $0x3  }
0xc: {  	_ =	strace s3  }
0xd: {  	s3 =	sld [smem:$0x3FFD];
	_ =	sdelay $0x3  }
0xe: {  	_ =	strace s3  }
0xf: {  	_ =	strace $0x8FFFFFFF  }
0x10: {  	s20 =	sld [smem:$0x3FDB];
	_ =	sdelay $0x1  }
0x11: {  	s4 =	simm.s32 $_scs_section_size  }
0x12: {  	s5 =	simm.s32 $_size__tile_overlayer_lowered;
	s6 =	simm.s32 $_tile_overlayer_lowered  }
0x13: {  	s23 =	simm.s32 $0x1BFF;
	s22 =	sshll.u32 s6, $0x1;
	s3 =	sadd.s32 s4, s20  }
0x14: {  	s7 =	simm.s32 $0x0;
	s21 =	sshll.u32 s5, $0x1;
	s5 =	sadd.s32 s22, s3  }
0x15: {  	[timem:s7], [sflag:s23] =	dma.local [hbm:s5], s21  }
0x16: {  	_ =	swait.ge [sflag:s23], s21  }
0x17: {  	s4 =	ssub.s32 $0x0, s21;
	[sflag:s23] =	ssyncset.done $0x0  }
0x18: {  	[sflag:s23] =	ssyncadd.s32 s4;
	_ =	sdelay $0x1  }
0x19: {  	s24 =	simm.s32 $0x1B8B  }
0x1a: {  	_ =	swait.ge [sflag:s24], $0x1  }
0x1b: {  	[sflag:s24] =	ssyncset.done $0x0  }
0x1c: {  	s26 =	simm.s32 $0x1B8E;
	s25 =	sld [smem:$0x3FFE];
	[sflag:s24] =	ssyncadd.s32 $0xFFFFFFFF  }
0x1d: {  	s27 =	simm.s32 $execute0_lowered;
	[smem:$0x3FD2] =	sst s26  }
0x1e: {  	s5 =	sshll.u32 s27, $0x1;
	_ =	strace $0x80000049;
	[dreg:$0x1] =	wrdreg $0xFFFFFFFF  }
0x1f: {  	s28 =	simm.s32 $_size_execute0_lowered;
	s3 =	sadd.s32 s3, s5;
	[dreg:$0x0] =	wrdreg $0x0  }
0x20: {  	s5 =	sshll.u32 s28, $0x1;
	[dreg:$0x2] =	wrdreg s3  }
0x21: {  	[dreg:$0x3] =	wrdreg s5  }
0x22: {  	[dreg:$0x4] =	wrdreg $0xC0  }
0x23: {  	_ =	task [dreg:s7], $0x5FFFF  }
0x24: {  	[dreg:$0x1] =	wrdreg $0xFFFFFFFF  }
0x25: {  	[dreg:$0x0] =	wrdreg $0x60  }
0x26: {  	[dreg:$0x2] =	wrdreg s25  }
0x27: {  	[dreg:$0x3] =	wrdreg s2  }
0x28: {  	[dreg:$0x4] =	wrdreg $0x9  }
0x29: {  	_ =	task.clear_ibuf [dreg:s7], $0x5FFFF;
	_ =	strace $0x90000049  }
0x2a: {  	s29 =	simm.s32 $0x9;
	_ =	strace $0x8000004B  }
0x2b: {  	_ =	swait.ge [sflag:s29], $0x1  }
0x2c: {  	[sflag:s29] =	ssyncadd.s32 $0xFFFFFFFF  }
0x2d: {  	_ =	strace $0x9000004B  }
0x2e: {  	_ =	sfence  }
0x2f: {  	s30 =	sld [smem:$0x0];
	_ =	sdelay $0x2  }
0x30: {  	s31 =	sshll.u32 s1, $0xD;
	s1 =	sshrl.u32 s1, $0x2  }
0x31: {  	s3 =	sand.u32 $0x4000, s31;
	s1 =	sadd.s32 s1, s30  }
0x32: {  	s0 =	sor.u32 s3, s0;
	s1 =	sshll.u32 s1, $0x11  }
0x33: {  	s0 =	sor.u32 s1, s0  }
0x34: {  	s0 =	sadd.s32 $0x8F2B, s0  }
0x35: {  	[sflag:s0] =	ssyncadd.remote.s32 $0x1  }
0x36: {  	_ =	sfence.sel $0xFFFF  }
0x37: {  	[dreg:$0x0] =	wrdreg $0xFFFFFFFF;
	(pc) =	sbr.abs _section_cstart, $3  }
0x38: {  	[dreg:$0x1] =	wrdreg $0xFFFFFFFF  }
0x39: {  	_ =	task.clear_ibuf [dreg:s7], $0x2FFFF;
	_ =	strace $0x9FFFFFFF  }
0x3a: {  	(tm) =	ssettm $0x7FFFFFFF  }
0x3b: {  	_ =	shalt  }
tec
execute0_lowered:
.L_overlay_start_1:
0x0: {  	(tag) =	ssettag $0x1  }
0x1: {  	s0 =	srdreg.scid  }
0x2: {  	s1 =	sshll.u32 s0, $0x4  }
0x3: {  	s0 =	stileid.u32;
	s1 =	sand.u32 $0x10, s1  }
0x4: {  	s1 =	sor.u32 s0, s1  }
0x5: {  	s6 =	rddreg [dreg:$0x0];
	s4 =	simm.s32 $0x1;
	s2 =	sshll.u32 s1, $0x7  }
0x6: {  	s7 =	simm.s32 $0x2;
	s12 =	simm.s32 $0x0;
	s1 =	ssub.s32 $0x1000, s2  }
0x7: {  	s8 =	simm.s32 $0x8000;
	s13 =	simm.s32 $0x0;
	s3 =	sand.u32 $0xF80, s1  }
0x8: {  	s9 =	simm.s32 $0x0;
	s5 =	sshrl.u32 s1, $0xC;
	p0 =	sne.s32 s3, $0x0  }
.Ltmp0:
0x9: {  	s1 =	rddreg [dreg:$0x2];
	s4 =	simm.s32 @!p0 $0x0;
	(pc) =	sbr.rel .LBB1_1-.Ltmp0, $4  }
0xa: {  	s11 =	simm.s32 $0x0;
	s3 =	rddreg [dreg:$0x1];
	s5 =	sadd.s32 s4, s5  }
0xb: {  	_ =	strace $0x8000004A;
	s4 =	simm.s32 $0x1;
	s5 =	smul.u32 $0xC8, s5  }
0xc: {  	s6 =	sadd.s32 $0xA00, s6;
	s10 =	smov.u32 s2;
	[sflag:s4] =	ssyncpa.u1 $0x0  }
0xd: {  	p0 =	por $0x0, $0x0;
	[sflag:s7] =	ssyncpa.u1 $0x0;
	s7 =	sor.u32 $0x1, s5  }
.LBB1_4:
0xe: {  	s16 =	sshll.u32 s13, $0x3;
	s17 =	sand.u32 $0x78, s13  }
0xf: {  	s30 =	sand.u32 $0x7E00, s13;
	s12 =	sshll.u32 s12, $0xF;
	s16 =	sand.u32 $0xC00, s16  }
0x10: {  	[tilespmem:s15+$0x810 ss:$0x81] =	vst.msk $0xffff, v2;
	s31 =	sand.u32 $0x7, s13;
	s16 =	sor.u32 s17, s16;
	s17 =	sadd.s32 s3, s30  }
0x11: {  	[tilespmem:s15+$0x1020 ss:$0x81] =	vst.msk $0xffff, v0;
	s13 =	sshll.u32 s31, $0x12;
	s12 =	sadd.s32 s12, s17;
	s16 =	sshrl.u32 s16, $0x3  }
0x12: {  	[tilespmem:s15+$0x0 ss:$0x81] =	vst.msk $0xffff, v1;
	s13 =	sor.u32 $0x400, s13;
	s12 =	sadd.s32 s16, s12  }
0x13: {  	[hbm4b:s12+s13] =	stream.strided.scatter [tilespmem:s14], [sflag:$0x2], $0x2000, s8, s13, $0x20;
	[tilespmem:$0x8080] =	vst v63  }
.LBB1_5:
0x14: {  	s14 =	sadd.s32 $0x1, s9  }
0x15: {  	s12 =	sadd.s32 $0x1000, s10;
	s16 =	smov.u32 s10;
	p2 =	sgt.s32 s14, $0xC7  }
0x16: {  	s16 =	smov.u32 @p2 s12  }
0x17: {  	s14 =	simm.s32 @p2 $0x0;
	p2 =	sgt.s32 s16, $0xFFF  }
0x18: {  	s16 =	smov.u32 @p2 s2;
	p2 =	sne.s32 s11, s7  }
.Ltmp1:
0x19: {  	p1 =	slt.u32 s11, $0x2;
	(pc) =	sbr.rel @!p2 .LBB1_6-.Ltmp1, $4  }
0x1a: {  	s15 =	simm.s32 @!p1 $0x2  }
0x1b: {  	s13 =	smov.u32 s10;
	p0 =	por !p0, !p0;
	_ =	swait.ge @!p1 [sflag:s15], $0x2000  }
0x1c: {  	s12 =	smov.u32 s9;
	[sflag:s15] =	ssyncset.done @!p1 $0x0;
	s9 =	smov.u32 s14  }
0x1d: {  	s11 =	sadd.s32 $0x1, s11;
	[sflag:s15] =	ssyncadd.s32 @!p1 $0xFFFFE000;
	s10 =	smov.u32 s16  }
.LBB1_1:
0x1e: {  	p1 =	sge.u32 s11, s5  }
0x1f: {  	s14 =	sand.u32 @!p1 $0x1FFFFFF, s9  }
0x20: {  	s15 =	smulhi.u32 @!p1 $0x147AE15, s14;
	_ =	sdelay $0x1  }
0x21: {  	s15 =	smul.u32 @!p1 $0xC8, s15  }
0x22: {  	s16 =	sxor.u32 @!p1 $0xFFFFFFFF, s11;
	s17 =	smul.u32 @!p1 $0xC80, s10  }
0x23: {  	s31 =	sadd.s32 $0xFFFFFFFF, s11;
	s16 =	sshll.u32 @!p1 s16, $0xD;
	s14 =	ssub.s32 @!p1 s14, s15  }
0x24: {  	s15 =	sand.u32 @!p1 $0x2000, s16;
	s16 =	sadd.s32 @!p1 s6, s17;
	s14 =	sshll.u32 @!p1 s14, $0x4  }
0x25: {  	s17 =	simm.s32 @!p1 $0x6400;
	s14 =	sadd.s32 @!p1 s14, s16;
	s16 =	simm.s32 @!p1 $0x40  }
0x26: {  	[tilespmem:s15], [sflag:$0x1] =	stream.strided.gather @!p1 [hbm4b:s14+s16], $0x2000, s17, s16, $0x38;
	[tilespmem:$0x8080] =	vst v63  }
0x27: {  	p1 =	sge.u32 s31, s5  }
.Ltmp2:
0x28: {  	_ = 	snop;
	(pc) =	sbr.rel @p1 .LBB1_5-.Ltmp2, $1  }
0x29: {  	_ =	sdelay $0x3  }
0x2a: {  	s14 =	simm.s32 $0x1  }
0x2b: {  	_ =	swait.ge [sflag:s4], $0x2000;
	s14 =	simm.s32 @!p0 $0x0  }
0x2c: {  	[sflag:s4] =	ssyncset.done $0x0;
	s15 =	sshll.u32 s14, $0xD  }
0x2d: {  	[sflag:s4] =	ssyncadd.s32 $0xFFFFE000;
	s18 =	sor.u32 $0x20, s15  }
0x2e: {  	s14 =	smul.u32 $0x8100, s14;
	v3 =	vld [tilespmem:s18+$0x10]  }
0x2f: {  	s30 =	sand.u32 $0x1, s11;
	v2 =	vld [tilespmem:s18+$0xFFFFFFF0]  }
0x30: {  	s15 =	smul.u32 $0x8100, s30;
	s14 =	sshrl.u32 s14, $0x2;
	v0 =	vld [tilespmem:s18+$0x0]  }
0x31: {  	v1 =	vld [tilespmem:s18+$0xFFFFFFE0];
	s16 =	sor.u32 $0x4000, s14  }
0x32: {  	s31 =	sshrl.u32 s15, $0x2;
	s15 =	sadd.s32 $0x0, s16  }
0x33: {  	s17 =	simm.s32 $0x4;
	s18 =	sadd.s32 $0x40, s18;
	s14 =	sor.u32 $0x4000, s31;
	[tilespmem:s15+$0x1830 ss:$0x81] =	vst.msk $0xffff, v3  }
.LBB1_3:
0x34: {  	v3 =	vld [tilespmem:s18+$0x10];
	p1 =	sne.s32 s17, $0x1FC;
	[tilespmem:s15+$0x810 ss:$0x81] =	vst.msk $0xffff, v2;
	s19 =	smov.u32 s17;
	s17 =	sadd.s32 $0x4, s17  }
.Ltmp3:
0x35: {  	v2 =	vld [tilespmem:s18+$0xFFFFFFF0];
	[tilespmem:s15+$0x1020 ss:$0x81] =	vst.msk $0xffff, v0;
	(pc) =	sbr.rel @p1 .LBB1_3-.Ltmp3, $4  }
0x36: {  	v0 =	vld [tilespmem:s18+$0x0];
	[tilespmem:s15+$0x0 ss:$0x81] =	vst.msk $0xffff, v1  }
0x37: {  	s15 =	sshra.s32 s19, $0x2;
	v1 =	vld [tilespmem:s18+$0xFFFFFFE0]  }
0x38: {  	s15 =	sadd.s32 s15, s16  }
0x39: {  	s18 =	sadd.s32 $0x40, s18;
	[tilespmem:s15+$0x1830 ss:$0x81] =	vst.msk $0xffff, v3  }
.Ltmp4:
0x3a: {  	_ = 	snop;
	(pc) =	sbr.rel .LBB1_4-.Ltmp4, $1  }
0x3b: {  	_ =	sdelay $0x3  }
.LBB1_6:
0x3c: {  	_ =	sfence.sel $0x180000  }
0x3d: {  	s2 =	simm.s32 $0x1;
	[bflag:$0x0] =	sbarrier.arrive $0xFFFF  }
0x3e: {  	s31 =	simm.s32 $0x2;
	[sflag:s2] =	ssyncpa.u1 $0x1  }
0x3f: {  	[sflag:s31] =	ssyncpa.u1 $0x1  }
0x40: {  	p0 =	sne.s32 s0, $0x0;
	_ =	strace $0x9000004A  }
0x41: {  	s0 =	sadd.s32 @!p0 $0x100000, s1;
	[bflag:$0x2] =	sbarrier.arrive $0xFFFF  }
0x42: {  	[sflag:s0] =	ssyncadd.tile.s32 @!p0 $0x1;
	_ =	shalt  }
.Lfunc_end1:
_tile_overlayer_lowered:
.L_overlay_start_2:
0x43: {  	(tag) =	ssettag $0x2  }
0x44: {  	s0 =	rddreg [dreg:$0x0];
	s2 =	stileid.u32  }
0x45: {  	s1 =	rddreg [dreg:$0x1];
	p0 =	sne.s32 s2, $0x0  }
0x46: {  	s3 =	rddreg [dreg:$0x2];
	[bflag:$0x3] =	sbarrier.arrive $0xFFFF;
	s2 =	simm.s32 @!p0 $0x1C01  }
0x47: {  	[timem:s3], [sflag:s2] =	dma.local @!p0 [hbm:s0], s1  }
0x48: {  	s0 =	simm.s32 @!p0 $0x1  }
0x49: {  	_ =	swait.ge @!p0 [sflag:s0], s1  }
0x4a: {  	s1 =	ssub.s32 @!p0 $0x0, s1;
	[sflag:s0] =	ssyncset.done @!p0 $0x0  }
0x4b: {  	[sflag:s0] =	ssyncadd.s32 @!p0 s1  }
0x4c: {  	[bflag:$0x3] =	sbarrier.arrive $0xFFFF  }
0x4d: {  	_ =	shalt  }

</sc_bundles>
